<compile_context>
chip_gen: v7x
topology: tpu7x:2x2x1
jax: 0.10.2.dev20260603
libtpu: 0.0.44.dev20260713+nightly
codegen_flags: <defaults>
</compile_context>

<pallas_src>
import jax
import jax.numpy as jnp
from jax import lax
from jax.experimental import pallas as pl
from jax.experimental.pallas import tpu as pltpu
from jax.experimental.pallas import tpu_sc as plsc

VOCAB = 1000000
EMBED = 64
B = 4096
L = 50
N = B * L
NC = 2
NS = 16
NW = NC * NS
CHUNK = 640
PER_W = N // NW
NCHUNK = PER_W // CHUNK
NGROUP = CHUNK // 16
EPS = 1e-5


def _rsqrt(x):
    i = plsc.bitcast(x, jnp.int32)
    y = plsc.bitcast(jnp.int32(0x5F3759DF) - (i >> 1), jnp.float32)
    for _ in range(3):
        y = y * (1.5 - 0.5 * x * y * y)
    return y


def _sc_body(idx_hbm, wgt_hbm, table_hbm, gamma_hbm, beta_hbm, out_hbm,
             idx_v, wgt_v, rows_v, gam_v, bet_v, sem):
    c = lax.axis_index("c")
    s = lax.axis_index("s")
    wid = s * NC + c
    base = wid * PER_W

    pltpu.sync_copy(idx_hbm.at[pl.ds(base, PER_W)], idx_v)
    pltpu.sync_copy(wgt_hbm.at[pl.ds(base, PER_W)], wgt_v)
    pltpu.sync_copy(gamma_hbm, gam_v)
    pltpu.sync_copy(beta_hbm, bet_v)

    gam = [gam_v[pl.ds(16 * i, 16)] for i in range(4)]
    bet = [bet_v[pl.ds(16 * i, 16)] for i in range(4)]
    lane = lax.iota(jnp.int32, 16)

    def chunk_body(ci, carry):
        off = ci * CHUNK
        rv = rows_v
        cp = pltpu.async_copy(
            table_hbm.at[idx_v.at[pl.ds(off, CHUNK)]], rv, sem)
        cp.wait()

        def group_body(g, carry2):
            tbase = g * 16
            w = wgt_v[pl.ds(off + tbase, 16)]
            sums = jnp.zeros((16,), jnp.float32)
            sqs = jnp.zeros((16,), jnp.float32)
            for t in range(16):
                tok = tbase + t
                v = [rv[tok, pl.ds(16 * i, 16)] for i in range(4)]
                s_ = (v[0] + v[1]) + (v[2] + v[3])
                q_ = (v[0] * v[0] + v[1] * v[1]) + (v[2] * v[2] + v[3] * v[3])
                tm = lane == t
                sums = jnp.where(tm, jnp.sum(s_), sums)
                sqs = jnp.where(tm, jnp.sum(q_), sqs)
            mean_t = sums * (1.0 / 64.0)
            var_t = sqs * (1.0 / 64.0) - mean_t * mean_t
            var_x = var_t * w * w
            rstd = _rsqrt(var_x + EPS)
            a_vec = w * rstd
            m_vec = mean_t * w * rstd
            for t in range(16):
                tok = tbase + t
                tt = jnp.full((16,), t, jnp.int32)
                at = a_vec.at[tt].get(mode="promise_in_bounds")
                mt = m_vec.at[tt].get(mode="promise_in_bounds")
                for i in range(4):
                    vi = rv[tok, pl.ds(16 * i, 16)]
                    rv[tok, pl.ds(16 * i, 16)] = \
                        (vi * at - mt) * gam[i] + bet[i]
            return carry2

        lax.fori_loop(0, NGROUP, group_body, 0)
        pltpu.sync_copy(rv, out_hbm.at[pl.ds(base + off, CHUNK)])
        return carry

    lax.fori_loop(0, NCHUNK, chunk_body, 0)


@jax.jit
def _run(idx_flat, wgt_flat, table, gamma, beta):
    mesh = plsc.VectorSubcoreMesh(core_axis_name="c", subcore_axis_name="s")
    f = pl.kernel(
        _sc_body,
        out_type=jax.ShapeDtypeStruct((N, EMBED), jnp.float32),
        mesh=mesh,
        scratch_types=[
            pltpu.VMEM((PER_W,), jnp.int32),
            pltpu.VMEM((PER_W,), jnp.float32),
            pltpu.VMEM((CHUNK, EMBED), jnp.float32),
            pltpu.VMEM((EMBED,), jnp.float32),
            pltpu.VMEM((EMBED,), jnp.float32),
            pltpu.SemaphoreType.DMA,
        ],
        compiler_params=pltpu.CompilerParams(needs_layout_passes=False,
                                             use_tc_tiling_on_sc=False),
    )
    return f(idx_flat, wgt_flat, table, gamma, beta).reshape(B, L, EMBED)


def kernel(idx, wgt, table, ln_gamma, ln_beta):
    idx_flat = idx.reshape(N).astype(jnp.int32)
    wgt_flat = wgt.reshape(N)
    return _run(idx_flat, wgt_flat, table, ln_gamma, ln_beta)

# --- scband reference (transcript-rebuilt; emitter-appended) ---
"""Pipeline reference for scband-expander-layer-23553600651570 (READ-ONLY COPY).

The authoritative reference and input builder live on the scoring server;
editing this copy changes nothing except your own understanding.
"""

import jax, jax.numpy as jnp
import numpy as np

VOCAB = 1000000
EMBED = 64
B = 4096
L = 50


def setup_inputs(seed: int = 0) -> dict:
    key = jax.random.key(seed)
    k1, k2, k3 = jax.random.split(key, 3)
    idx = jax.random.randint(k1, (B, L), 0, VOCAB, dtype=jnp.int64 if jax.config.jax_enable_x64 else jnp.int32)
    wgt = jax.random.uniform(k2, (B, L), dtype=jnp.float32)
    table = jax.random.normal(k3, (VOCAB, EMBED), dtype=jnp.float32) * 0.02
    ln_gamma = jnp.ones((EMBED,), dtype=jnp.float32)
    ln_beta = jnp.zeros((EMBED,), dtype=jnp.float32)
    return {"idx": idx, "wgt": wgt, "table": table, "ln_gamma": ln_gamma, "ln_beta": ln_beta}


def _layernorm(x, gamma, beta, eps=1e-5):
    mean = jnp.mean(x, axis=-1, keepdims=True)
    var = jnp.mean((x - mean) ** 2, axis=-1, keepdims=True)
    return (x - mean) / jnp.sqrt(var + eps) * gamma + beta


def reference(idx, wgt, table, ln_gamma, ln_beta):
    # Embedding lookup (CateEmbeddingLayer) -> gather from table
    embed = jnp.take(table, idx, axis=0)  # [B, L, EMBED]
    # use_wgt = True: multiply by per-token weight
    embed = embed * wgt[..., None]
    # stack over the single idx field and mean over that axis (identity for 1 field)
    embed = jnp.stack([embed], axis=-2).mean(axis=-2)
    # postprocess: layernorm over embed_size
    embed = _layernorm(embed, ln_gamma, ln_beta)
    return embed


if False:  # reference __main__ guard neutralized (emitter)
    out = reference(**setup_inputs())
    print(out.shape, out.dtype)

if __name__ == "__main__":
    import jax
    _d = setup_inputs()
    print(jax.jit(kernel)(*tuple(_d.values())))

</pallas_src>

<mosaic_0001>
#map = affine_map<(d0, d1) -> (0)>
#map1 = affine_map<(d0, d1) -> (0, 0)>
module attributes {stable_mosaic.version = 14 : i64} {
  func.func @_sc_body(%arg0: i32, %arg1: i32, %arg2: memref<204800xi32, #tpu.memory_space<hbm>>, %arg3: memref<204800xf32, #tpu.memory_space<hbm>>, %arg4: memref<1000000x64xf32, #tpu.memory_space<hbm>>, %arg5: memref<64xf32, #tpu.memory_space<hbm>>, %arg6: memref<64xf32, #tpu.memory_space<hbm>>, %arg7: memref<204800x64xf32, #tpu.memory_space<hbm>>, %arg8: memref<6400xi32, #tpu.memory_space<vmem>>, %arg9: memref<6400xf32, #tpu.memory_space<vmem>>, %arg10: memref<640x64xf32, #tpu.memory_space<vmem>>, %arg11: memref<64xf32, #tpu.memory_space<vmem>>, %arg12: memref<64xf32, #tpu.memory_space<vmem>>, %arg13: memref<!tpu.dma_semaphore, #tpu.memory_space<semaphore_mem>>) attributes {dimension_semantics = [#tpu.dimension_semantics<core_parallel>, #tpu.dimension_semantics<subcore_parallel>], iteration_bounds = array<i64: 2, 16>, scalar_prefetch = 0 : i64, scratch_operands = 6 : i64, tpu.core_type = #tpu.core_type<sc_vector_subcore>, window_params = [{transform_indices = #map}, {transform_indices = #map}, {transform_indices = #map1}, {transform_indices = #map}, {transform_indices = #map}, {transform_indices = #map1}]} {
    %mul3A = arith.constant 2 : i32
    %mul3A_0 = arith.muli %arg1, %mul3A : i32
    %add3A = arith.addi %mul3A_0, %arg0 : i32
    %mul3A_1 = arith.constant 6400 : i32
    %mul3A_2 = arith.muli %add3A, %mul3A_1 : i32
    "tpu.region"() ({
      %run_scoped3A = tpu.sem_alloc : memref<!tpu.dma_semaphore, #tpu.memory_space<semaphore_mem>>
      %dma_start3A = tpu.memref_slice %arg2[%mul3A_2] : memref<204800xi32, #tpu.memory_space<hbm>> -> memref<6400xi32, #tpu.memory_space<hbm>>
      %dma_start3A_23 = tpu.memref_slice %arg2[%mul3A_2] : memref<204800xi32, #tpu.memory_space<hbm>> -> memref<6400xi32, #tpu.memory_space<hbm>>
      tpu.enqueue_dma source(%dma_start3A_23 : memref<6400xi32, #tpu.memory_space<hbm>>) target(%arg8 : memref<6400xi32, #tpu.memory_space<vmem>>) target_semaphore(%run_scoped3A : memref<!tpu.dma_semaphore, #tpu.memory_space<semaphore_mem>>)
      %dma_wait3A = tpu.memref_slice %arg2[%mul3A_2] : memref<204800xi32, #tpu.memory_space<hbm>> -> memref<6400xi32, #tpu.memory_space<hbm>>
      %dma_wait3A_24 = tpu.memref_slice %arg2[%mul3A_2] : memref<204800xi32, #tpu.memory_space<hbm>> -> memref<6400xi32, #tpu.memory_space<hbm>>
      tpu.wait_dma2 semaphore(%run_scoped3A : memref<!tpu.dma_semaphore, #tpu.memory_space<semaphore_mem>>) src(%dma_wait3A_24 : memref<6400xi32, #tpu.memory_space<hbm>>) dst(%arg8 : memref<6400xi32, #tpu.memory_space<vmem>>)
      tpu.yield
    }) : () -> ()
    "tpu.region"() ({
      %run_scoped3A = tpu.sem_alloc : memref<!tpu.dma_semaphore, #tpu.memory_space<semaphore_mem>>
      %dma_start3A = tpu.memref_slice %arg3[%mul3A_2] : memref<204800xf32, #tpu.memory_space<hbm>> -> memref<6400xf32, #tpu.memory_space<hbm>>
      %dma_start3A_23 = tpu.memref_slice %arg3[%mul3A_2] : memref<204800xf32, #tpu.memory_space<hbm>> -> memref<6400xf32, #tpu.memory_space<hbm>>
      tpu.enqueue_dma source(%dma_start3A_23 : memref<6400xf32, #tpu.memory_space<hbm>>) target(%arg9 : memref<6400xf32, #tpu.memory_space<vmem>>) target_semaphore(%run_scoped3A : memref<!tpu.dma_semaphore, #tpu.memory_space<semaphore_mem>>)
      %dma_wait3A = tpu.memref_slice %arg3[%mul3A_2] : memref<204800xf32, #tpu.memory_space<hbm>> -> memref<6400xf32, #tpu.memory_space<hbm>>
      %dma_wait3A_24 = tpu.memref_slice %arg3[%mul3A_2] : memref<204800xf32, #tpu.memory_space<hbm>> -> memref<6400xf32, #tpu.memory_space<hbm>>
      tpu.wait_dma2 semaphore(%run_scoped3A : memref<!tpu.dma_semaphore, #tpu.memory_space<semaphore_mem>>) src(%dma_wait3A_24 : memref<6400xf32, #tpu.memory_space<hbm>>) dst(%arg9 : memref<6400xf32, #tpu.memory_space<vmem>>)
      tpu.yield
    }) : () -> ()
    "tpu.region"() ({
      %run_scoped3A = tpu.sem_alloc : memref<!tpu.dma_semaphore, #tpu.memory_space<semaphore_mem>>
      tpu.enqueue_dma source(%arg5 : memref<64xf32, #tpu.memory_space<hbm>>) target(%arg11 : memref<64xf32, #tpu.memory_space<vmem>>) target_semaphore(%run_scoped3A : memref<!tpu.dma_semaphore, #tpu.memory_space<semaphore_mem>>)
      tpu.wait_dma2 semaphore(%run_scoped3A : memref<!tpu.dma_semaphore, #tpu.memory_space<semaphore_mem>>) src(%arg5 : memref<64xf32, #tpu.memory_space<hbm>>) dst(%arg11 : memref<64xf32, #tpu.memory_space<vmem>>)
      tpu.yield
    }) : () -> ()
    "tpu.region"() ({
      %run_scoped3A = tpu.sem_alloc : memref<!tpu.dma_semaphore, #tpu.memory_space<semaphore_mem>>
      tpu.enqueue_dma source(%arg6 : memref<64xf32, #tpu.memory_space<hbm>>) target(%arg12 : memref<64xf32, #tpu.memory_space<vmem>>) target_semaphore(%run_scoped3A : memref<!tpu.dma_semaphore, #tpu.memory_space<semaphore_mem>>)
      tpu.wait_dma2 semaphore(%run_scoped3A : memref<!tpu.dma_semaphore, #tpu.memory_space<semaphore_mem>>) src(%arg6 : memref<64xf32, #tpu.memory_space<hbm>>) dst(%arg12 : memref<64xf32, #tpu.memory_space<vmem>>)
      tpu.yield
    }) : () -> ()
    %get3A = arith.constant 0 : index
    %get3A_3 = tpu.vector_load %arg11[%get3A] {strides = array<i32>} : memref<64xf32, #tpu.memory_space<vmem>>, vector<16xf32>,
    %get3A_4 = arith.constant 16 : index
    %get3A_5 = tpu.vector_load %arg11[%get3A_4] {strides = array<i32>} : memref<64xf32, #tpu.memory_space<vmem>>, vector<16xf32>,
    %get3A_6 = arith.constant 32 : index
    %get3A_7 = tpu.vector_load %arg11[%get3A_6] {strides = array<i32>} : memref<64xf32, #tpu.memory_space<vmem>>, vector<16xf32>,
    %get3A_8 = arith.constant 48 : index
    %get3A_9 = tpu.vector_load %arg11[%get3A_8] {strides = array<i32>} : memref<64xf32, #tpu.memory_space<vmem>>, vector<16xf32>,
    %get3A_10 = arith.constant 0 : index
    %get3A_11 = tpu.vector_load %arg12[%get3A_10] {strides = array<i32>} : memref<64xf32, #tpu.memory_space<vmem>>, vector<16xf32>,
    %get3A_12 = arith.constant 16 : index
    %get3A_13 = tpu.vector_load %arg12[%get3A_12] {strides = array<i32>} : memref<64xf32, #tpu.memory_space<vmem>>, vector<16xf32>,
    %get3A_14 = arith.constant 32 : index
    %get3A_15 = tpu.vector_load %arg12[%get3A_14] {strides = array<i32>} : memref<64xf32, #tpu.memory_space<vmem>>, vector<16xf32>,
    %get3A_16 = arith.constant 48 : index
    %get3A_17 = tpu.vector_load %arg12[%get3A_16] {strides = array<i32>} : memref<64xf32, #tpu.memory_space<vmem>>, vector<16xf32>,
    %iota3A = tpu.iota {dimensions = array<i32: 0>} : vector<16xi32>
    %scan3A = arith.constant 0 : i32
    %scan3A_18 = arith.constant 0 : i32
    %scan3A_19 = arith.constant 10 : i32
    %scan3A_20 = arith.addi %scan3A_18, %scan3A_19 : i32
    %scan3A_21 = arith.constant 1 : i32
    scf.for %scan3A_23 = %scan3A_18 to %scan3A_20 step %scan3A_21  : i32 {
      %mul3A_24 = arith.constant 640 : i32
      %mul3A_25 = arith.muli %scan3A_23, %mul3A_24 : i32
      %dma_start3A = tpu.memref_slice %arg8[%mul3A_25] : memref<6400xi32, #tpu.memory_space<vmem>> -> memref<640xi32, #tpu.memory_space<vmem>>
      %dma_start3A_26 = arith.constant 0 : i32
      %dma_start3A_27 = arith.constant 0 : i32
      %dma_start3A_28 = tpu.memref_slice %arg4[%dma_start3A_26, %dma_start3A_27] : memref<1000000x64xf32, #tpu.memory_space<hbm>> -> memref<1000000x64xf32, #tpu.memory_space<hbm>>
      tpu.enqueue_indirect_dma source(%dma_start3A_28 : memref<1000000x64xf32, #tpu.memory_space<hbm>>) target(%arg10 : memref<640x64xf32, #tpu.memory_space<vmem>>) offsets(%dma_start3A : memref<640xi32, #tpu.memory_space<vmem>>) semaphore(%arg13 : memref<!tpu.dma_semaphore, #tpu.memory_space<semaphore_mem>>)
      %dma_wait3A = tpu.memref_slice %arg8[%mul3A_25] : memref<6400xi32, #tpu.memory_space<vmem>> -> memref<640xi32, #tpu.memory_space<vmem>>
      %dma_wait3A_29 = arith.constant 0 : i32
      %dma_wait3A_30 = arith.constant 0 : i32
      %dma_wait3A_31 = tpu.memref_slice %arg4[%dma_wait3A_29, %dma_wait3A_30] : memref<1000000x64xf32, #tpu.memory_space<hbm>> -> memref<1000000x64xf32, #tpu.memory_space<hbm>>
      tpu.wait_indirect_dma semaphore(%arg13 : memref<!tpu.dma_semaphore, #tpu.memory_space<semaphore_mem>>) src(%dma_wait3A_31 : memref<1000000x64xf32, #tpu.memory_space<hbm>>) dst(%arg10 : memref<640x64xf32, #tpu.memory_space<vmem>>)
      %scan3A_32 = arith.constant 0 : i32
      %scan3A_33 = arith.constant 0 : i32
      %scan3A_34 = arith.constant 40 : i32
      %scan3A_35 = arith.addi %scan3A_33, %scan3A_34 : i32
      %scan3A_36 = arith.constant 1 : i32
      scf.for %scan3A_39 = %scan3A_33 to %scan3A_35 step %scan3A_36  : i32 {
        %mul3A_40 = arith.constant 16 : i32
        %mul3A_41 = arith.muli %scan3A_39, %mul3A_40 : i32
        %add3A_42 = arith.addi %mul3A_25, %mul3A_41 : i32
        %get3A_43 = arith.index_cast %add3A_42 : i32 to index
        %get3A_44 = tpu.vector_load %arg9[%get3A_43] {strides = array<i32>} : memref<6400xf32, #tpu.memory_space<vmem>>, vector<16xf32>,
        %broadcast_in_dim3A = arith.constant 0.000000e+00 : f32
        %broadcast_in_dim3A_45 = vector.broadcast %broadcast_in_dim3A : f32 to vector<16xf32>
        %broadcast_in_dim3A_46 = arith.constant 0.000000e+00 : f32
        %broadcast_in_dim3A_47 = vector.broadcast %broadcast_in_dim3A_46 : f32 to vector<16xf32>
        %add3A_48 = arith.constant 0 : i32
        %add3A_49 = arith.addi %mul3A_41, %add3A_48 : i32
        %get3A_50 = arith.index_cast %add3A_49 : i32 to index
        %get3A_51 = arith.constant 0 : index
        %get3A_52 = tpu.vector_load %arg10[%get3A_50, %get3A_51] {strides = array<i32>} : memref<640x64xf32, #tpu.memory_space<vmem>>, vector<16xf32>,
        %get3A_53 = arith.index_cast %add3A_49 : i32 to index
        %get3A_54 = arith.constant 16 : index
        %get3A_55 = tpu.vector_load %arg10[%get3A_53, %get3A_54] {strides = array<i32>} : memref<640x64xf32, #tpu.memory_space<vmem>>, vector<16xf32>,
        %get3A_56 = arith.index_cast %add3A_49 : i32 to index
        %get3A_57 = arith.constant 32 : index
        %get3A_58 = tpu.vector_load %arg10[%get3A_56, %get3A_57] {strides = array<i32>} : memref<640x64xf32, #tpu.memory_space<vmem>>, vector<16xf32>,
        %get3A_59 = arith.index_cast %add3A_49 : i32 to index
        %get3A_60 = arith.constant 48 : index
        %get3A_61 = tpu.vector_load %arg10[%get3A_59, %get3A_60] {strides = array<i32>} : memref<640x64xf32, #tpu.memory_space<vmem>>, vector<16xf32>,
        %add3A_62 = arith.addf %get3A_52, %get3A_55 : vector<16xf32>
        %add3A_63 = arith.addf %get3A_58, %get3A_61 : vector<16xf32>
        %add3A_64 = arith.addf %add3A_62, %add3A_63 : vector<16xf32>
        %mul3A_65 = arith.mulf %get3A_52, %get3A_52 : vector<16xf32>
        %mul3A_66 = arith.mulf %get3A_55, %get3A_55 : vector<16xf32>
        %add3A_67 = arith.addf %mul3A_65, %mul3A_66 : vector<16xf32>
        %mul3A_68 = arith.mulf %get3A_58, %get3A_58 : vector<16xf32>
        %mul3A_69 = arith.mulf %get3A_61, %get3A_61 : vector<16xf32>
        %add3A_70 = arith.addf %mul3A_68, %mul3A_69 : vector<16xf32>
        %add3A_71 = arith.addf %add3A_67, %add3A_70 : vector<16xf32>
        %eq3A = arith.constant 0 : i32
        %eq3A_72 = vector.broadcast %eq3A : i32 to vector<16xi32>
        %eq3A_73 = arith.cmpi eq, %iota3A, %eq3A_72 : vector<16xi32>
        %reduce_sum3A = arith.constant true
        %reduce_sum3A_74 = vector.broadcast %reduce_sum3A : i1 to vector<16xi1>
        %reduce_sum3A_75 = tpu.scan <sum>, %add3A_64 masked %reduce_sum3A_74 : vector<16xf32>, vector<16xi1> -> vector<16xf32>
        %reduce_sum3A_76 = vector.extract %reduce_sum3A_75[15] : f32 from vector<16xf32>
        %broadcast_in_dim3A_77 = vector.broadcast %reduce_sum3A_76 : f32 to vector<16xf32>
        %select_n3A = arith.select %eq3A_73, %broadcast_in_dim3A_77, %broadcast_in_dim3A_45 : vector<16xi1>, vector<16xf32>
        %reduce_sum3A_78 = arith.constant true
        %reduce_sum3A_79 = vector.broadcast %reduce_sum3A_78 : i1 to vector<16xi1>
        %reduce_sum3A_80 = tpu.scan <sum>, %add3A_71 masked %reduce_sum3A_79 : vector<16xf32>, vector<16xi1> -> vector<16xf32>
        %reduce_sum3A_81 = vector.extract %reduce_sum3A_80[15] : f32 from vector<16xf32>
        %broadcast_in_dim3A_82 = vector.broadcast %reduce_sum3A_81 : f32 to vector<16xf32>
        %select_n3A_83 = arith.select %eq3A_73, %broadcast_in_dim3A_82, %broadcast_in_dim3A_47 : vector<16xi1>, vector<16xf32>
        %add3A_84 = arith.constant 1 : i32
        %add3A_85 = arith.addi %mul3A_41, %add3A_84 : i32
        %get3A_86 = arith.index_cast %add3A_85 : i32 to index
        %get3A_87 = arith.constant 0 : index
        %get3A_88 = tpu.vector_load %arg10[%get3A_86, %get3A_87] {strides = array<i32>} : memref<640x64xf32, #tpu.memory_space<vmem>>, vector<16xf32>,
        %get3A_89 = arith.index_cast %add3A_85 : i32 to index
        %get3A_90 = arith.constant 16 : index
        %get3A_91 = tpu.vector_load %arg10[%get3A_89, %get3A_90] {strides = array<i32>} : memref<640x64xf32, #tpu.memory_space<vmem>>, vector<16xf32>,
        %get3A_92 = arith.index_cast %add3A_85 : i32 to index
        %get3A_93 = arith.constant 32 : index
        %get3A_94 = tpu.vector_load %arg10[%get3A_92, %get3A_93] {strides = array<i32>} : memref<640x64xf32, #tpu.memory_space<vmem>>, vector<16xf32>,
        %get3A_95 = arith.index_cast %add3A_85 : i32 to index
        %get3A_96 = arith.constant 48 : index
        %get3A_97 = tpu.vector_load %arg10[%get3A_95, %get3A_96] {strides = array<i32>} : memref<640x64xf32, #tpu.memory_space<vmem>>, vector<16xf32>,
        %add3A_98 = arith.addf %get3A_88, %get3A_91 : vector<16xf32>
        %add3A_99 = arith.addf %get3A_94, %get3A_97 : vector<16xf32>
        %add3A_100 = arith.addf %add3A_98, %add3A_99 : vector<16xf32>
        %mul3A_101 = arith.mulf %get3A_88, %get3A_88 : vector<16xf32>
        %mul3A_102 = arith.mulf %get3A_91, %get3A_91 : vector<16xf32>
        %add3A_103 = arith.addf %mul3A_101, %mul3A_102 : vector<16xf32>
        %mul3A_104 = arith.mulf %get3A_94, %get3A_94 : vector<16xf32>
        %mul3A_105 = arith.mulf %get3A_97, %get3A_97 : vector<16xf32>
        %add3A_106 = arith.addf %mul3A_104, %mul3A_105 : vector<16xf32>
        %add3A_107 = arith.addf %add3A_103, %add3A_106 : vector<16xf32>
        %eq3A_108 = arith.constant 1 : i32
        %eq3A_109 = vector.broadcast %eq3A_108 : i32 to vector<16xi32>
        %eq3A_110 = arith.cmpi eq, %iota3A, %eq3A_109 : vector<16xi32>
        %reduce_sum3A_111 = arith.constant true
        %reduce_sum3A_112 = vector.broadcast %reduce_sum3A_111 : i1 to vector<16xi1>
        %reduce_sum3A_113 = tpu.scan <sum>, %add3A_100 masked %reduce_sum3A_112 : vector<16xf32>, vector<16xi1> -> vector<16xf32>
        %reduce_sum3A_114 = vector.extract %reduce_sum3A_113[15] : f32 from vector<16xf32>
        %broadcast_in_dim3A_115 = vector.broadcast %reduce_sum3A_114 : f32 to vector<16xf32>
        %select_n3A_116 = arith.select %eq3A_110, %broadcast_in_dim3A_115, %select_n3A : vector<16xi1>, vector<16xf32>
        %reduce_sum3A_117 = arith.constant true
        %reduce_sum3A_118 = vector.broadcast %reduce_sum3A_117 : i1 to vector<16xi1>
        %reduce_sum3A_119 = tpu.scan <sum>, %add3A_107 masked %reduce_sum3A_118 : vector<16xf32>, vector<16xi1> -> vector<16xf32>
        %reduce_sum3A_120 = vector.extract %reduce_sum3A_119[15] : f32 from vector<16xf32>
        %broadcast_in_dim3A_121 = vector.broadcast %reduce_sum3A_120 : f32 to vector<16xf32>
        %select_n3A_122 = arith.select %eq3A_110, %broadcast_in_dim3A_121, %select_n3A_83 : vector<16xi1>, vector<16xf32>
        %add3A_123 = arith.constant 2 : i32
        %add3A_124 = arith.addi %mul3A_41, %add3A_123 : i32
        %get3A_125 = arith.index_cast %add3A_124 : i32 to index
        %get3A_126 = arith.constant 0 : index
        %get3A_127 = tpu.vector_load %arg10[%get3A_125, %get3A_126] {strides = array<i32>} : memref<640x64xf32, #tpu.memory_space<vmem>>, vector<16xf32>,
        %get3A_128 = arith.index_cast %add3A_124 : i32 to index
        %get3A_129 = arith.constant 16 : index
        %get3A_130 = tpu.vector_load %arg10[%get3A_128, %get3A_129] {strides = array<i32>} : memref<640x64xf32, #tpu.memory_space<vmem>>, vector<16xf32>,
        %get3A_131 = arith.index_cast %add3A_124 : i32 to index
        %get3A_132 = arith.constant 32 : index
        %get3A_133 = tpu.vector_load %arg10[%get3A_131, %get3A_132] {strides = array<i32>} : memref<640x64xf32, #tpu.memory_space<vmem>>, vector<16xf32>,
        %get3A_134 = arith.index_cast %add3A_124 : i32 to index
        %get3A_135 = arith.constant 48 : index
        %get3A_136 = tpu.vector_load %arg10[%get3A_134, %get3A_135] {strides = array<i32>} : memref<640x64xf32, #tpu.memory_space<vmem>>, vector<16xf32>,
        %add3A_137 = arith.addf %get3A_127, %get3A_130 : vector<16xf32>
        %add3A_138 = arith.addf %get3A_133, %get3A_136 : vector<16xf32>
        %add3A_139 = arith.addf %add3A_137, %add3A_138 : vector<16xf32>
        %mul3A_140 = arith.mulf %get3A_127, %get3A_127 : vector<16xf32>
        %mul3A_141 = arith.mulf %get3A_130, %get3A_130 : vector<16xf32>
        %add3A_142 = arith.addf %mul3A_140, %mul3A_141 : vector<16xf32>
        %mul3A_143 = arith.mulf %get3A_133, %get3A_133 : vector<16xf32>
        %mul3A_144 = arith.mulf %get3A_136, %get3A_136 : vector<16xf32>
        %add3A_145 = arith.addf %mul3A_143, %mul3A_144 : vector<16xf32>
        %add3A_146 = arith.addf %add3A_142, %add3A_145 : vector<16xf32>
        %eq3A_147 = arith.constant 2 : i32
        %eq3A_148 = vector.broadcast %eq3A_147 : i32 to vector<16xi32>
        %eq3A_149 = arith.cmpi eq, %iota3A, %eq3A_148 : vector<16xi32>
        %reduce_sum3A_150 = arith.constant true
        %reduce_sum3A_151 = vector.broadcast %reduce_sum3A_150 : i1 to vector<16xi1>
        %reduce_sum3A_152 = tpu.scan <sum>, %add3A_139 masked %reduce_sum3A_151 : vector<16xf32>, vector<16xi1> -> vector<16xf32>
        %reduce_sum3A_153 = vector.extract %reduce_sum3A_152[15] : f32 from vector<16xf32>
        %broadcast_in_dim3A_154 = vector.broadcast %reduce_sum3A_153 : f32 to vector<16xf32>
        %select_n3A_155 = arith.select %eq3A_149, %broadcast_in_dim3A_154, %select_n3A_116 : vector<16xi1>, vector<16xf32>
        %reduce_sum3A_156 = arith.constant true
        %reduce_sum3A_157 = vector.broadcast %reduce_sum3A_156 : i1 to vector<16xi1>
        %reduce_sum3A_158 = tpu.scan <sum>, %add3A_146 masked %reduce_sum3A_157 : vector<16xf32>, vector<16xi1> -> vector<16xf32>
        %reduce_sum3A_159 = vector.extract %reduce_sum3A_158[15] : f32 from vector<16xf32>
        %broadcast_in_dim3A_160 = vector.broadcast %reduce_sum3A_159 : f32 to vector<16xf32>
        %select_n3A_161 = arith.select %eq3A_149, %broadcast_in_dim3A_160, %select_n3A_122 : vector<16xi1>, vector<16xf32>
        %add3A_162 = arith.constant 3 : i32
        %add3A_163 = arith.addi %mul3A_41, %add3A_162 : i32
        %get3A_164 = arith.index_cast %add3A_163 : i32 to index
        %get3A_165 = arith.constant 0 : index
        %get3A_166 = tpu.vector_load %arg10[%get3A_164, %get3A_165] {strides = array<i32>} : memref<640x64xf32, #tpu.memory_space<vmem>>, vector<16xf32>,
        %get3A_167 = arith.index_cast %add3A_163 : i32 to index
        %get3A_168 = arith.constant 16 : index
        %get3A_169 = tpu.vector_load %arg10[%get3A_167, %get3A_168] {strides = array<i32>} : memref<640x64xf32, #tpu.memory_space<vmem>>, vector<16xf32>,
        %get3A_170 = arith.index_cast %add3A_163 : i32 to index
        %get3A_171 = arith.constant 32 : index
        %get3A_172 = tpu.vector_load %arg10[%get3A_170, %get3A_171] {strides = array<i32>} : memref<640x64xf32, #tpu.memory_space<vmem>>, vector<16xf32>,
        %get3A_173 = arith.index_cast %add3A_163 : i32 to index
        %get3A_174 = arith.constant 48 : index
        %get3A_175 = tpu.vector_load %arg10[%get3A_173, %get3A_174] {strides = array<i32>} : memref<640x64xf32, #tpu.memory_space<vmem>>, vector<16xf32>,
        %add3A_176 = arith.addf %get3A_166, %get3A_169 : vector<16xf32>
        %add3A_177 = arith.addf %get3A_172, %get3A_175 : vector<16xf32>
        %add3A_178 = arith.addf %add3A_176, %add3A_177 : vector<16xf32>
        %mul3A_179 = arith.mulf %get3A_166, %get3A_166 : vector<16xf32>
        %mul3A_180 = arith.mulf %get3A_169, %get3A_169 : vector<16xf32>
        %add3A_181 = arith.addf %mul3A_179, %mul3A_180 : vector<16xf32>
        %mul3A_182 = arith.mulf %get3A_172, %get3A_172 : vector<16xf32>
        %mul3A_183 = arith.mulf %get3A_175, %get3A_175 : vector<16xf32>
        %add3A_184 = arith.addf %mul3A_182, %mul3A_183 : vector<16xf32>
        %add3A_185 = arith.addf %add3A_181, %add3A_184 : vector<16xf32>
        %eq3A_186 = arith.constant 3 : i32
        %eq3A_187 = vector.broadcast %eq3A_186 : i32 to vector<16xi32>
        %eq3A_188 = arith.cmpi eq, %iota3A, %eq3A_187 : vector<16xi32>
        %reduce_sum3A_189 = arith.constant true
        %reduce_sum3A_190 = vector.broadcast %reduce_sum3A_189 : i1 to vector<16xi1>
        %reduce_sum3A_191 = tpu.scan <sum>, %add3A_178 masked %reduce_sum3A_190 : vector<16xf32>, vector<16xi1> -> vector<16xf32>
        %reduce_sum3A_192 = vector.extract %reduce_sum3A_191[15] : f32 from vector<16xf32>
        %broadcast_in_dim3A_193 = vector.broadcast %reduce_sum3A_192 : f32 to vector<16xf32>
        %select_n3A_194 = arith.select %eq3A_188, %broadcast_in_dim3A_193, %select_n3A_155 : vector<16xi1>, vector<16xf32>
        %reduce_sum3A_195 = arith.constant true
        %reduce_sum3A_196 = vector.broadcast %reduce_sum3A_195 : i1 to vector<16xi1>
        %reduce_sum3A_197 = tpu.scan <sum>, %add3A_185 masked %reduce_sum3A_196 : vector<16xf32>, vector<16xi1> -> vector<16xf32>
        %reduce_sum3A_198 = vector.extract %reduce_sum3A_197[15] : f32 from vector<16xf32>
        %broadcast_in_dim3A_199 = vector.broadcast %reduce_sum3A_198 : f32 to vector<16xf32>
        %select_n3A_200 = arith.select %eq3A_188, %broadcast_in_dim3A_199, %select_n3A_161 : vector<16xi1>, vector<16xf32>
        %add3A_201 = arith.constant 4 : i32
        %add3A_202 = arith.addi %mul3A_41, %add3A_201 : i32
        %get3A_203 = arith.index_cast %add3A_202 : i32 to index
        %get3A_204 = arith.constant 0 : index
        %get3A_205 = tpu.vector_load %arg10[%get3A_203, %get3A_204] {strides = array<i32>} : memref<640x64xf32, #tpu.memory_space<vmem>>, vector<16xf32>,
        %get3A_206 = arith.index_cast %add3A_202 : i32 to index
        %get3A_207 = arith.constant 16 : index
        %get3A_208 = tpu.vector_load %arg10[%get3A_206, %get3A_207] {strides = array<i32>} : memref<640x64xf32, #tpu.memory_space<vmem>>, vector<16xf32>,
        %get3A_209 = arith.index_cast %add3A_202 : i32 to index
        %get3A_210 = arith.constant 32 : index
        %get3A_211 = tpu.vector_load %arg10[%get3A_209, %get3A_210] {strides = array<i32>} : memref<640x64xf32, #tpu.memory_space<vmem>>, vector<16xf32>,
        %get3A_212 = arith.index_cast %add3A_202 : i32 to index
        %get3A_213 = arith.constant 48 : index
        %get3A_214 = tpu.vector_load %arg10[%get3A_212, %get3A_213] {strides = array<i32>} : memref<640x64xf32, #tpu.memory_space<vmem>>, vector<16xf32>,
        %add3A_215 = arith.addf %get3A_205, %get3A_208 : vector<16xf32>
        %add3A_216 = arith.addf %get3A_211, %get3A_214 : vector<16xf32>
        %add3A_217 = arith.addf %add3A_215, %add3A_216 : vector<16xf32>
        %mul3A_218 = arith.mulf %get3A_205, %get3A_205 : vector<16xf32>
        %mul3A_219 = arith.mulf %get3A_208, %get3A_208 : vector<16xf32>
        %add3A_220 = arith.addf %mul3A_218, %mul3A_219 : vector<16xf32>
        %mul3A_221 = arith.mulf %get3A_211, %get3A_211 : vector<16xf32>
        %mul3A_222 = arith.mulf %get3A_214, %get3A_214 : vector<16xf32>
        %add3A_223 = arith.addf %mul3A_221, %mul3A_222 : vector<16xf32>
        %add3A_224 = arith.addf %add3A_220, %add3A_223 : vector<16xf32>
        %eq3A_225 = arith.constant 4 : i32
        %eq3A_226 = vector.broadcast %eq3A_225 : i32 to vector<16xi32>
        %eq3A_227 = arith.cmpi eq, %iota3A, %eq3A_226 : vector<16xi32>
        %reduce_sum3A_228 = arith.constant true
        %reduce_sum3A_229 = vector.broadcast %reduce_sum3A_228 : i1 to vector<16xi1>
        %reduce_sum3A_230 = tpu.scan <sum>, %add3A_217 masked %reduce_sum3A_229 : vector<16xf32>, vector<16xi1> -> vector<16xf32>
        %reduce_sum3A_231 = vector.extract %reduce_sum3A_230[15] : f32 from vector<16xf32>
        %broadcast_in_dim3A_232 = vector.broadcast %reduce_sum3A_231 : f32 to vector<16xf32>
        %select_n3A_233 = arith.select %eq3A_227, %broadcast_in_dim3A_232, %select_n3A_194 : vector<16xi1>, vector<16xf32>
        %reduce_sum3A_234 = arith.constant true
        %reduce_sum3A_235 = vector.broadcast %reduce_sum3A_234 : i1 to vector<16xi1>
        %reduce_sum3A_236 = tpu.scan <sum>, %add3A_224 masked %reduce_sum3A_235 : vector<16xf32>, vector<16xi1> -> vector<16xf32>
        %reduce_sum3A_237 = vector.extract %reduce_sum3A_236[15] : f32 from vector<16xf32>
        %broadcast_in_dim3A_238 = vector.broadcast %reduce_sum3A_237 : f32 to vector<16xf32>
        %select_n3A_239 = arith.select %eq3A_227, %broadcast_in_dim3A_238, %select_n3A_200 : vector<16xi1>, vector<16xf32>
        %add3A_240 = arith.constant 5 : i32
        %add3A_241 = arith.addi %mul3A_41, %add3A_240 : i32
        %get3A_242 = arith.index_cast %add3A_241 : i32 to index
        %get3A_243 = arith.constant 0 : index
        %get3A_244 = tpu.vector_load %arg10[%get3A_242, %get3A_243] {strides = array<i32>} : memref<640x64xf32, #tpu.memory_space<vmem>>, vector<16xf32>,
        %get3A_245 = arith.index_cast %add3A_241 : i32 to index
        %get3A_246 = arith.constant 16 : index
        %get3A_247 = tpu.vector_load %arg10[%get3A_245, %get3A_246] {strides = array<i32>} : memref<640x64xf32, #tpu.memory_space<vmem>>, vector<16xf32>,
        %get3A_248 = arith.index_cast %add3A_241 : i32 to index
        %get3A_249 = arith.constant 32 : index
        %get3A_250 = tpu.vector_load %arg10[%get3A_248, %get3A_249] {strides = array<i32>} : memref<640x64xf32, #tpu.memory_space<vmem>>, vector<16xf32>,
        %get3A_251 = arith.index_cast %add3A_241 : i32 to index
        %get3A_252 = arith.constant 48 : index
        %get3A_253 = tpu.vector_load %arg10[%get3A_251, %get3A_252] {strides = array<i32>} : memref<640x64xf32, #tpu.memory_space<vmem>>, vector<16xf32>,
        %add3A_254 = arith.addf %get3A_244, %get3A_247 : vector<16xf32>
        %add3A_255 = arith.addf %get3A_250, %get3A_253 : vector<16xf32>
        %add3A_256 = arith.addf %add3A_254, %add3A_255 : vector<16xf32>
        %mul3A_257 = arith.mulf %get3A_244, %get3A_244 : vector<16xf32>
        %mul3A_258 = arith.mulf %get3A_247, %get3A_247 : vector<16xf32>
        %add3A_259 = arith.addf %mul3A_257, %mul3A_258 : vector<16xf32>
        %mul3A_260 = arith.mulf %get3A_250, %get3A_250 : vector<16xf32>
        %mul3A_261 = arith.mulf %get3A_253, %get3A_253 : vector<16xf32>
        %add3A_262 = arith.addf %mul3A_260, %mul3A_261 : vector<16xf32>
        %add3A_263 = arith.addf %add3A_259, %add3A_262 : vector<16xf32>
        %eq3A_264 = arith.constant 5 : i32
        %eq3A_265 = vector.broadcast %eq3A_264 : i32 to vector<16xi32>
        %eq3A_266 = arith.cmpi eq, %iota3A, %eq3A_265 : vector<16xi32>
        %reduce_sum3A_267 = arith.constant true
        %reduce_sum3A_268 = vector.broadcast %reduce_sum3A_267 : i1 to vector<16xi1>
        %reduce_sum3A_269 = tpu.scan <sum>, %add3A_256 masked %reduce_sum3A_268 : vector<16xf32>, vector<16xi1> -> vector<16xf32>
        %reduce_sum3A_270 = vector.extract %reduce_sum3A_269[15] : f32 from vector<16xf32>
        %broadcast_in_dim3A_271 = vector.broadcast %reduce_sum3A_270 : f32 to vector<16xf32>
        %select_n3A_272 = arith.select %eq3A_266, %broadcast_in_dim3A_271, %select_n3A_233 : vector<16xi1>, vector<16xf32>
        %reduce_sum3A_273 = arith.constant true
        %reduce_sum3A_274 = vector.broadcast %reduce_sum3A_273 : i1 to vector<16xi1>
        %reduce_sum3A_275 = tpu.scan <sum>, %add3A_263 masked %reduce_sum3A_274 : vector<16xf32>, vector<16xi1> -> vector<16xf32>
        %reduce_sum3A_276 = vector.extract %reduce_sum3A_275[15] : f32 from vector<16xf32>
        %broadcast_in_dim3A_277 = vector.broadcast %reduce_sum3A_276 : f32 to vector<16xf32>
        %select_n3A_278 = arith.select %eq3A_266, %broadcast_in_dim3A_277, %select_n3A_239 : vector<16xi1>, vector<16xf32>
        %add3A_279 = arith.constant 6 : i32
        %add3A_280 = arith.addi %mul3A_41, %add3A_279 : i32
        %get3A_281 = arith.index_cast %add3A_280 : i32 to index
        %get3A_282 = arith.constant 0 : index
        %get3A_283 = tpu.vector_load %arg10[%get3A_281, %get3A_282] {strides = array<i32>} : memref<640x64xf32, #tpu.memory_space<vmem>>, vector<16xf32>,
        %get3A_284 = arith.index_cast %add3A_280 : i32 to index
        %get3A_285 = arith.constant 16 : index
        %get3A_286 = tpu.vector_load %arg10[%get3A_284, %get3A_285] {strides = array<i32>} : memref<640x64xf32, #tpu.memory_space<vmem>>, vector<16xf32>,
        %get3A_287 = arith.index_cast %add3A_280 : i32 to index
        %get3A_288 = arith.constant 32 : index
        %get3A_289 = tpu.vector_load %arg10[%get3A_287, %get3A_288] {strides = array<i32>} : memref<640x64xf32, #tpu.memory_space<vmem>>, vector<16xf32>,
        %get3A_290 = arith.index_cast %add3A_280 : i32 to index
        %get3A_291 = arith.constant 48 : index
        %get3A_292 = tpu.vector_load %arg10[%get3A_290, %get3A_291] {strides = array<i32>} : memref<640x64xf32, #tpu.memory_space<vmem>>, vector<16xf32>,
        %add3A_293 = arith.addf %get3A_283, %get3A_286 : vector<16xf32>
        %add3A_294 = arith.addf %get3A_289, %get3A_292 : vector<16xf32>
        %add3A_295 = arith.addf %add3A_293, %add3A_294 : vector<16xf32>
        %mul3A_296 = arith.mulf %get3A_283, %get3A_283 : vector<16xf32>
        %mul3A_297 = arith.mulf %get3A_286, %get3A_286 : vector<16xf32>
        %add3A_298 = arith.addf %mul3A_296, %mul3A_297 : vector<16xf32>
        %mul3A_299 = arith.mulf %get3A_289, %get3A_289 : vector<16xf32>
        %mul3A_300 = arith.mulf %get3A_292, %get3A_292 : vector<16xf32>
        %add3A_301 = arith.addf %mul3A_299, %mul3A_300 : vector<16xf32>
        %add3A_302 = arith.addf %add3A_298, %add3A_301 : vector<16xf32>
        %eq3A_303 = arith.constant 6 : i32
        %eq3A_304 = vector.broadcast %eq3A_303 : i32 to vector<16xi32>
        %eq3A_305 = arith.cmpi eq, %iota3A, %eq3A_304 : vector<16xi32>
        %reduce_sum3A_306 = arith.constant true
        %reduce_sum3A_307 = vector.broadcast %reduce_sum3A_306 : i1 to vector<16xi1>
        %reduce_sum3A_308 = tpu.scan <sum>, %add3A_295 masked %reduce_sum3A_307 : vector<16xf32>, vector<16xi1> -> vector<16xf32>
        %reduce_sum3A_309 = vector.extract %reduce_sum3A_308[15] : f32 from vector<16xf32>
        %broadcast_in_dim3A_310 = vector.broadcast %reduce_sum3A_309 : f32 to vector<16xf32>
        %select_n3A_311 = arith.select %eq3A_305, %broadcast_in_dim3A_310, %select_n3A_272 : vector<16xi1>, vector<16xf32>
        %reduce_sum3A_312 = arith.constant true
        %reduce_sum3A_313 = vector.broadcast %reduce_sum3A_312 : i1 to vector<16xi1>
        %reduce_sum3A_314 = tpu.scan <sum>, %add3A_302 masked %reduce_sum3A_313 : vector<16xf32>, vector<16xi1> -> vector<16xf32>
        %reduce_sum3A_315 = vector.extract %reduce_sum3A_314[15] : f32 from vector<16xf32>
        %broadcast_in_dim3A_316 = vector.broadcast %reduce_sum3A_315 : f32 to vector<16xf32>
        %select_n3A_317 = arith.select %eq3A_305, %broadcast_in_dim3A_316, %select_n3A_278 : vector<16xi1>, vector<16xf32>
        %add3A_318 = arith.constant 7 : i32
        %add3A_319 = arith.addi %mul3A_41, %add3A_318 : i32
        %get3A_320 = arith.index_cast %add3A_319 : i32 to index
        %get3A_321 = arith.constant 0 : index
        %get3A_322 = tpu.vector_load %arg10[%get3A_320, %get3A_321] {strides = array<i32>} : memref<640x64xf32, #tpu.memory_space<vmem>>, vector<16xf32>,
        %get3A_323 = arith.index_cast %add3A_319 : i32 to index
        %get3A_324 = arith.constant 16 : index
        %get3A_325 = tpu.vector_load %arg10[%get3A_323, %get3A_324] {strides = array<i32>} : memref<640x64xf32, #tpu.memory_space<vmem>>, vector<16xf32>,
        %get3A_326 = arith.index_cast %add3A_319 : i32 to index
        %get3A_327 = arith.constant 32 : index
        %get3A_328 = tpu.vector_load %arg10[%get3A_326, %get3A_327] {strides = array<i32>} : memref<640x64xf32, #tpu.memory_space<vmem>>, vector<16xf32>,
        %get3A_329 = arith.index_cast %add3A_319 : i32 to index
        %get3A_330 = arith.constant 48 : index
        %get3A_331 = tpu.vector_load %arg10[%get3A_329, %get3A_330] {strides = array<i32>} : memref<640x64xf32, #tpu.memory_space<vmem>>, vector<16xf32>,
        %add3A_332 = arith.addf %get3A_322, %get3A_325 : vector<16xf32>
        %add3A_333 = arith.addf %get3A_328, %get3A_331 : vector<16xf32>
        %add3A_334 = arith.addf %add3A_332, %add3A_333 : vector<16xf32>
        %mul3A_335 = arith.mulf %get3A_322, %get3A_322 : vector<16xf32>
        %mul3A_336 = arith.mulf %get3A_325, %get3A_325 : vector<16xf32>
        %add3A_337 = arith.addf %mul3A_335, %mul3A_336 : vector<16xf32>
        %mul3A_338 = arith.mulf %get3A_328, %get3A_328 : vector<16xf32>
        %mul3A_339 = arith.mulf %get3A_331, %get3A_331 : vector<16xf32>
        %add3A_340 = arith.addf %mul3A_338, %mul3A_339 : vector<16xf32>
        %add3A_341 = arith.addf %add3A_337, %add3A_340 : vector<16xf32>
        %eq3A_342 = arith.constant 7 : i32
        %eq3A_343 = vector.broadcast %eq3A_342 : i32 to vector<16xi32>
        %eq3A_344 = arith.cmpi eq, %iota3A, %eq3A_343 : vector<16xi32>
        %reduce_sum3A_345 = arith.constant true
        %reduce_sum3A_346 = vector.broadcast %reduce_sum3A_345 : i1 to vector<16xi1>
        %reduce_sum3A_347 = tpu.scan <sum>, %add3A_334 masked %reduce_sum3A_346 : vector<16xf32>, vector<16xi1> -> vector<16xf32>
        %reduce_sum3A_348 = vector.extract %reduce_sum3A_347[15] : f32 from vector<16xf32>
        %broadcast_in_dim3A_349 = vector.broadcast %reduce_sum3A_348 : f32 to vector<16xf32>
        %select_n3A_350 = arith.select %eq3A_344, %broadcast_in_dim3A_349, %select_n3A_311 : vector<16xi1>, vector<16xf32>
        %reduce_sum3A_351 = arith.constant true
        %reduce_sum3A_352 = vector.broadcast %reduce_sum3A_351 : i1 to vector<16xi1>
        %reduce_sum3A_353 = tpu.scan <sum>, %add3A_341 masked %reduce_sum3A_352 : vector<16xf32>, vector<16xi1> -> vector<16xf32>
        %reduce_sum3A_354 = vector.extract %reduce_sum3A_353[15] : f32 from vector<16xf32>
        %broadcast_in_dim3A_355 = vector.broadcast %reduce_sum3A_354 : f32 to vector<16xf32>
        %select_n3A_356 = arith.select %eq3A_344, %broadcast_in_dim3A_355, %select_n3A_317 : vector<16xi1>, vector<16xf32>
        %add3A_357 = arith.constant 8 : i32
        %add3A_358 = arith.addi %mul3A_41, %add3A_357 : i32
        %get3A_359 = arith.index_cast %add3A_358 : i32 to index
        %get3A_360 = arith.constant 0 : index
        %get3A_361 = tpu.vector_load %arg10[%get3A_359, %get3A_360] {strides = array<i32>} : memref<640x64xf32, #tpu.memory_space<vmem>>, vector<16xf32>,
        %get3A_362 = arith.index_cast %add3A_358 : i32 to index
        %get3A_363 = arith.constant 16 : index
        %get3A_364 = tpu.vector_load %arg10[%get3A_362, %get3A_363] {strides = array<i32>} : memref<640x64xf32, #tpu.memory_space<vmem>>, vector<16xf32>,
        %get3A_365 = arith.index_cast %add3A_358 : i32 to index
        %get3A_366 = arith.constant 32 : index
        %get3A_367 = tpu.vector_load %arg10[%get3A_365, %get3A_366] {strides = array<i32>} : memref<640x64xf32, #tpu.memory_space<vmem>>, vector<16xf32>,
        %get3A_368 = arith.index_cast %add3A_358 : i32 to index
        %get3A_369 = arith.constant 48 : index
        %get3A_370 = tpu.vector_load %arg10[%get3A_368, %get3A_369] {strides = array<i32>} : memref<640x64xf32, #tpu.memory_space<vmem>>, vector<16xf32>,
        %add3A_371 = arith.addf %get3A_361, %get3A_364 : vector<16xf32>
        %add3A_372 = arith.addf %get3A_367, %get3A_370 : vector<16xf32>
        %add3A_373 = arith.addf %add3A_371, %add3A_372 : vector<16xf32>
        %mul3A_374 = arith.mulf %get3A_361, %get3A_361 : vector<16xf32>
        %mul3A_375 = arith.mulf %get3A_364, %get3A_364 : vector<16xf32>
        %add3A_376 = arith.addf %mul3A_374, %mul3A_375 : vector<16xf32>
        %mul3A_377 = arith.mulf %get3A_367, %get3A_367 : vector<16xf32>
        %mul3A_378 = arith.mulf %get3A_370, %get3A_370 : vector<16xf32>
        %add3A_379 = arith.addf %mul3A_377, %mul3A_378 : vector<16xf32>
        %add3A_380 = arith.addf %add3A_376, %add3A_379 : vector<16xf32>
        %eq3A_381 = arith.constant 8 : i32
        %eq3A_382 = vector.broadcast %eq3A_381 : i32 to vector<16xi32>
        %eq3A_383 = arith.cmpi eq, %iota3A, %eq3A_382 : vector<16xi32>
        %reduce_sum3A_384 = arith.constant true
        %reduce_sum3A_385 = vector.broadcast %reduce_sum3A_384 : i1 to vector<16xi1>
        %reduce_sum3A_386 = tpu.scan <sum>, %add3A_373 masked %reduce_sum3A_385 : vector<16xf32>, vector<16xi1> -> vector<16xf32>
        %reduce_sum3A_387 = vector.extract %reduce_sum3A_386[15] : f32 from vector<16xf32>
        %broadcast_in_dim3A_388 = vector.broadcast %reduce_sum3A_387 : f32 to vector<16xf32>
        %select_n3A_389 = arith.select %eq3A_383, %broadcast_in_dim3A_388, %select_n3A_350 : vector<16xi1>, vector<16xf32>
        %reduce_sum3A_390 = arith.constant true
        %reduce_sum3A_391 = vector.broadcast %reduce_sum3A_390 : i1 to vector<16xi1>
        %reduce_sum3A_392 = tpu.scan <sum>, %add3A_380 masked %reduce_sum3A_391 : vector<16xf32>, vector<16xi1> -> vector<16xf32>
        %reduce_sum3A_393 = vector.extract %reduce_sum3A_392[15] : f32 from vector<16xf32>
        %broadcast_in_dim3A_394 = vector.broadcast %reduce_sum3A_393 : f32 to vector<16xf32>
        %select_n3A_395 = arith.select %eq3A_383, %broadcast_in_dim3A_394, %select_n3A_356 : vector<16xi1>, vector<16xf32>
        %add3A_396 = arith.constant 9 : i32
        %add3A_397 = arith.addi %mul3A_41, %add3A_396 : i32
        %get3A_398 = arith.index_cast %add3A_397 : i32 to index
        %get3A_399 = arith.constant 0 : index
        %get3A_400 = tpu.vector_load %arg10[%get3A_398, %get3A_399] {strides = array<i32>} : memref<640x64xf32, #tpu.memory_space<vmem>>, vector<16xf32>,
        %get3A_401 = arith.index_cast %add3A_397 : i32 to index
        %get3A_402 = arith.constant 16 : index
        %get3A_403 = tpu.vector_load %arg10[%get3A_401, %get3A_402] {strides = array<i32>} : memref<640x64xf32, #tpu.memory_space<vmem>>, vector<16xf32>,
        %get3A_404 = arith.index_cast %add3A_397 : i32 to index
        %get3A_405 = arith.constant 32 : index
        %get3A_406 = tpu.vector_load %arg10[%get3A_404, %get3A_405] {strides = array<i32>} : memref<640x64xf32, #tpu.memory_space<vmem>>, vector<16xf32>,
        %get3A_407 = arith.index_cast %add3A_397 : i32 to index
        %get3A_408 = arith.constant 48 : index
        %get3A_409 = tpu.vector_load %arg10[%get3A_407, %get3A_408] {strides = array<i32>} : memref<640x64xf32, #tpu.memory_space<vmem>>, vector<16xf32>,
        %add3A_410 = arith.addf %get3A_400, %get3A_403 : vector<16xf32>
        %add3A_411 = arith.addf %get3A_406, %get3A_409 : vector<16xf32>
        %add3A_412 = arith.addf %add3A_410, %add3A_411 : vector<16xf32>
        %mul3A_413 = arith.mulf %get3A_400, %get3A_400 : vector<16xf32>
        %mul3A_414 = arith.mulf %get3A_403, %get3A_403 : vector<16xf32>
        %add3A_415 = arith.addf %mul3A_413, %mul3A_414 : vector<16xf32>
        %mul3A_416 = arith.mulf %get3A_406, %get3A_406 : vector<16xf32>
        %mul3A_417 = arith.mulf %get3A_409, %get3A_409 : vector<16xf32>
        %add3A_418 = arith.addf %mul3A_416, %mul3A_417 : vector<16xf32>
        %add3A_419 = arith.addf %add3A_415, %add3A_418 : vector<16xf32>
        %eq3A_420 = arith.constant 9 : i32
        %eq3A_421 = vector.broadcast %eq3A_420 : i32 to vector<16xi32>
        %eq3A_422 = arith.cmpi eq, %iota3A, %eq3A_421 : vector<16xi32>
        %reduce_sum3A_423 = arith.constant true
        %reduce_sum3A_424 = vector.broadcast %reduce_sum3A_423 : i1 to vector<16xi1>
        %reduce_sum3A_425 = tpu.scan <sum>, %add3A_412 masked %reduce_sum3A_424 : vector<16xf32>, vector<16xi1> -> vector<16xf32>
        %reduce_sum3A_426 = vector.extract %reduce_sum3A_425[15] : f32 from vector<16xf32>
        %broadcast_in_dim3A_427 = vector.broadcast %reduce_sum3A_426 : f32 to vector<16xf32>
        %select_n3A_428 = arith.select %eq3A_422, %broadcast_in_dim3A_427, %select_n3A_389 : vector<16xi1>, vector<16xf32>
        %reduce_sum3A_429 = arith.constant true
        %reduce_sum3A_430 = vector.broadcast %reduce_sum3A_429 : i1 to vector<16xi1>
        %reduce_sum3A_431 = tpu.scan <sum>, %add3A_419 masked %reduce_sum3A_430 : vector<16xf32>, vector<16xi1> -> vector<16xf32>
        %reduce_sum3A_432 = vector.extract %reduce_sum3A_431[15] : f32 from vector<16xf32>
        %broadcast_in_dim3A_433 = vector.broadcast %reduce_sum3A_432 : f32 to vector<16xf32>
        %select_n3A_434 = arith.select %eq3A_422, %broadcast_in_dim3A_433, %select_n3A_395 : vector<16xi1>, vector<16xf32>
        %add3A_435 = arith.constant 10 : i32
        %add3A_436 = arith.addi %mul3A_41, %add3A_435 : i32
        %get3A_437 = arith.index_cast %add3A_436 : i32 to index
        %get3A_438 = arith.constant 0 : index
        %get3A_439 = tpu.vector_load %arg10[%get3A_437, %get3A_438] {strides = array<i32>} : memref<640x64xf32, #tpu.memory_space<vmem>>, vector<16xf32>,
        %get3A_440 = arith.index_cast %add3A_436 : i32 to index
        %get3A_441 = arith.constant 16 : index
        %get3A_442 = tpu.vector_load %arg10[%get3A_440, %get3A_441] {strides = array<i32>} : memref<640x64xf32, #tpu.memory_space<vmem>>, vector<16xf32>,
        %get3A_443 = arith.index_cast %add3A_436 : i32 to index
        %get3A_444 = arith.constant 32 : index
        %get3A_445 = tpu.vector_load %arg10[%get3A_443, %get3A_444] {strides = array<i32>} : memref<640x64xf32, #tpu.memory_space<vmem>>, vector<16xf32>,
        %get3A_446 = arith.index_cast %add3A_436 : i32 to index
        %get3A_447 = arith.constant 48 : index
        %get3A_448 = tpu.vector_load %arg10[%get3A_446, %get3A_447] {strides = array<i32>} : memref<640x64xf32, #tpu.memory_space<vmem>>, vector<16xf32>,
        %add3A_449 = arith.addf %get3A_439, %get3A_442 : vector<16xf32>
        %add3A_450 = arith.addf %get3A_445, %get3A_448 : vector<16xf32>
        %add3A_451 = arith.addf %add3A_449, %add3A_450 : vector<16xf32>
        %mul3A_452 = arith.mulf %get3A_439, %get3A_439 : vector<16xf32>
        %mul3A_453 = arith.mulf %get3A_442, %get3A_442 : vector<16xf32>
        %add3A_454 = arith.addf %mul3A_452, %mul3A_453 : vector<16xf32>
        %mul3A_455 = arith.mulf %get3A_445, %get3A_445 : vector<16xf32>
        %mul3A_456 = arith.mulf %get3A_448, %get3A_448 : vector<16xf32>
        %add3A_457 = arith.addf %mul3A_455, %mul3A_456 : vector<16xf32>
        %add3A_458 = arith.addf %add3A_454, %add3A_457 : vector<16xf32>
        %eq3A_459 = arith.constant 10 : i32
        %eq3A_460 = vector.broadcast %eq3A_459 : i32 to vector<16xi32>
        %eq3A_461 = arith.cmpi eq, %iota3A, %eq3A_460 : vector<16xi32>
        %reduce_sum3A_462 = arith.constant true
        %reduce_sum3A_463 = vector.broadcast %reduce_sum3A_462 : i1 to vector<16xi1>
        %reduce_sum3A_464 = tpu.scan <sum>, %add3A_451 masked %reduce_sum3A_463 : vector<16xf32>, vector<16xi1> -> vector<16xf32>
        %reduce_sum3A_465 = vector.extract %reduce_sum3A_464[15] : f32 from vector<16xf32>
        %broadcast_in_dim3A_466 = vector.broadcast %reduce_sum3A_465 : f32 to vector<16xf32>
        %select_n3A_467 = arith.select %eq3A_461, %broadcast_in_dim3A_466, %select_n3A_428 : vector<16xi1>, vector<16xf32>
        %reduce_sum3A_468 = arith.constant true
        %reduce_sum3A_469 = vector.broadcast %reduce_sum3A_468 : i1 to vector<16xi1>
        %reduce_sum3A_470 = tpu.scan <sum>, %add3A_458 masked %reduce_sum3A_469 : vector<16xf32>, vector<16xi1> -> vector<16xf32>
        %reduce_sum3A_471 = vector.extract %reduce_sum3A_470[15] : f32 from vector<16xf32>
        %broadcast_in_dim3A_472 = vector.broadcast %reduce_sum3A_471 : f32 to vector<16xf32>
        %select_n3A_473 = arith.select %eq3A_461, %broadcast_in_dim3A_472, %select_n3A_434 : vector<16xi1>, vector<16xf32>
        %add3A_474 = arith.constant 11 : i32
        %add3A_475 = arith.addi %mul3A_41, %add3A_474 : i32
        %get3A_476 = arith.index_cast %add3A_475 : i32 to index
        %get3A_477 = arith.constant 0 : index
        %get3A_478 = tpu.vector_load %arg10[%get3A_476, %get3A_477] {strides = array<i32>} : memref<640x64xf32, #tpu.memory_space<vmem>>, vector<16xf32>,
        %get3A_479 = arith.index_cast %add3A_475 : i32 to index
        %get3A_480 = arith.constant 16 : index
        %get3A_481 = tpu.vector_load %arg10[%get3A_479, %get3A_480] {strides = array<i32>} : memref<640x64xf32, #tpu.memory_space<vmem>>, vector<16xf32>,
        %get3A_482 = arith.index_cast %add3A_475 : i32 to index
        %get3A_483 = arith.constant 32 : index
        %get3A_484 = tpu.vector_load %arg10[%get3A_482, %get3A_483] {strides = array<i32>} : memref<640x64xf32, #tpu.memory_space<vmem>>, vector<16xf32>,
        %get3A_485 = arith.index_cast %add3A_475 : i32 to index
        %get3A_486 = arith.constant 48 : index
        %get3A_487 = tpu.vector_load %arg10[%get3A_485, %get3A_486] {strides = array<i32>} : memref<640x64xf32, #tpu.memory_space<vmem>>, vector<16xf32>,
        %add3A_488 = arith.addf %get3A_478, %get3A_481 : vector<16xf32>
        %add3A_489 = arith.addf %get3A_484, %get3A_487 : vector<16xf32>
        %add3A_490 = arith.addf %add3A_488, %add3A_489 : vector<16xf32>
        %mul3A_491 = arith.mulf %get3A_478, %get3A_478 : vector<16xf32>
        %mul3A_492 = arith.mulf %get3A_481, %get3A_481 : vector<16xf32>
        %add3A_493 = arith.addf %mul3A_491, %mul3A_492 : vector<16xf32>
        %mul3A_494 = arith.mulf %get3A_484, %get3A_484 : vector<16xf32>
        %mul3A_495 = arith.mulf %get3A_487, %get3A_487 : vector<16xf32>
        %add3A_496 = arith.addf %mul3A_494, %mul3A_495 : vector<16xf32>
        %add3A_497 = arith.addf %add3A_493, %add3A_496 : vector<16xf32>
        %eq3A_498 = arith.constant 11 : i32
        %eq3A_499 = vector.broadcast %eq3A_498 : i32 to vector<16xi32>
        %eq3A_500 = arith.cmpi eq, %iota3A, %eq3A_499 : vector<16xi32>
        %reduce_sum3A_501 = arith.constant true
        %reduce_sum3A_502 = vector.broadcast %reduce_sum3A_501 : i1 to vector<16xi1>
        %reduce_sum3A_503 = tpu.scan <sum>, %add3A_490 masked %reduce_sum3A_502 : vector<16xf32>, vector<16xi1> -> vector<16xf32>
        %reduce_sum3A_504 = vector.extract %reduce_sum3A_503[15] : f32 from vector<16xf32>
        %broadcast_in_dim3A_505 = vector.broadcast %reduce_sum3A_504 : f32 to vector<16xf32>
        %select_n3A_506 = arith.select %eq3A_500, %broadcast_in_dim3A_505, %select_n3A_467 : vector<16xi1>, vector<16xf32>
        %reduce_sum3A_507 = arith.constant true
        %reduce_sum3A_508 = vector.broadcast %reduce_sum3A_507 : i1 to vector<16xi1>
        %reduce_sum3A_509 = tpu.scan <sum>, %add3A_497 masked %reduce_sum3A_508 : vector<16xf32>, vector<16xi1> -> vector<16xf32>
        %reduce_sum3A_510 = vector.extract %reduce_sum3A_509[15] : f32 from vector<16xf32>
        %broadcast_in_dim3A_511 = vector.broadcast %reduce_sum3A_510 : f32 to vector<16xf32>
        %select_n3A_512 = arith.select %eq3A_500, %broadcast_in_dim3A_511, %select_n3A_473 : vector<16xi1>, vector<16xf32>
        %add3A_513 = arith.constant 12 : i32
        %add3A_514 = arith.addi %mul3A_41, %add3A_513 : i32
        %get3A_515 = arith.index_cast %add3A_514 : i32 to index
        %get3A_516 = arith.constant 0 : index
        %get3A_517 = tpu.vector_load %arg10[%get3A_515, %get3A_516] {strides = array<i32>} : memref<640x64xf32, #tpu.memory_space<vmem>>, vector<16xf32>,
        %get3A_518 = arith.index_cast %add3A_514 : i32 to index
        %get3A_519 = arith.constant 16 : index
        %get3A_520 = tpu.vector_load %arg10[%get3A_518, %get3A_519] {strides = array<i32>} : memref<640x64xf32, #tpu.memory_space<vmem>>, vector<16xf32>,
        %get3A_521 = arith.index_cast %add3A_514 : i32 to index
        %get3A_522 = arith.constant 32 : index
        %get3A_523 = tpu.vector_load %arg10[%get3A_521, %get3A_522] {strides = array<i32>} : memref<640x64xf32, #tpu.memory_space<vmem>>, vector<16xf32>,
        %get3A_524 = arith.index_cast %add3A_514 : i32 to index
        %get3A_525 = arith.constant 48 : index
        %get3A_526 = tpu.vector_load %arg10[%get3A_524, %get3A_525] {strides = array<i32>} : memref<640x64xf32, #tpu.memory_space<vmem>>, vector<16xf32>,
        %add3A_527 = arith.addf %get3A_517, %get3A_520 : vector<16xf32>
        %add3A_528 = arith.addf %get3A_523, %get3A_526 : vector<16xf32>
        %add3A_529 = arith.addf %add3A_527, %add3A_528 : vector<16xf32>
        %mul3A_530 = arith.mulf %get3A_517, %get3A_517 : vector<16xf32>
        %mul3A_531 = arith.mulf %get3A_520, %get3A_520 : vector<16xf32>
        %add3A_532 = arith.addf %mul3A_530, %mul3A_531 : vector<16xf32>
        %mul3A_533 = arith.mulf %get3A_523, %get3A_523 : vector<16xf32>
        %mul3A_534 = arith.mulf %get3A_526, %get3A_526 : vector<16xf32>
        %add3A_535 = arith.addf %mul3A_533, %mul3A_534 : vector<16xf32>
        %add3A_536 = arith.addf %add3A_532, %add3A_535 : vector<16xf32>
        %eq3A_537 = arith.constant 12 : i32
        %eq3A_538 = vector.broadcast %eq3A_537 : i32 to vector<16xi32>
        %eq3A_539 = arith.cmpi eq, %iota3A, %eq3A_538 : vector<16xi32>
        %reduce_sum3A_540 = arith.constant true
        %reduce_sum3A_541 = vector.broadcast %reduce_sum3A_540 : i1 to vector<16xi1>
        %reduce_sum3A_542 = tpu.scan <sum>, %add3A_529 masked %reduce_sum3A_541 : vector<16xf32>, vector<16xi1> -> vector<16xf32>
        %reduce_sum3A_543 = vector.extract %reduce_sum3A_542[15] : f32 from vector<16xf32>
        %broadcast_in_dim3A_544 = vector.broadcast %reduce_sum3A_543 : f32 to vector<16xf32>
        %select_n3A_545 = arith.select %eq3A_539, %broadcast_in_dim3A_544, %select_n3A_506 : vector<16xi1>, vector<16xf32>
        %reduce_sum3A_546 = arith.constant true
        %reduce_sum3A_547 = vector.broadcast %reduce_sum3A_546 : i1 to vector<16xi1>
        %reduce_sum3A_548 = tpu.scan <sum>, %add3A_536 masked %reduce_sum3A_547 : vector<16xf32>, vector<16xi1> -> vector<16xf32>
        %reduce_sum3A_549 = vector.extract %reduce_sum3A_548[15] : f32 from vector<16xf32>
        %broadcast_in_dim3A_550 = vector.broadcast %reduce_sum3A_549 : f32 to vector<16xf32>
        %select_n3A_551 = arith.select %eq3A_539, %broadcast_in_dim3A_550, %select_n3A_512 : vector<16xi1>, vector<16xf32>
        %add3A_552 = arith.constant 13 : i32
        %add3A_553 = arith.addi %mul3A_41, %add3A_552 : i32
        %get3A_554 = arith.index_cast %add3A_553 : i32 to index
        %get3A_555 = arith.constant 0 : index
        %get3A_556 = tpu.vector_load %arg10[%get3A_554, %get3A_555] {strides = array<i32>} : memref<640x64xf32, #tpu.memory_space<vmem>>, vector<16xf32>,
        %get3A_557 = arith.index_cast %add3A_553 : i32 to index
        %get3A_558 = arith.constant 16 : index
        %get3A_559 = tpu.vector_load %arg10[%get3A_557, %get3A_558] {strides = array<i32>} : memref<640x64xf32, #tpu.memory_space<vmem>>, vector<16xf32>,
        %get3A_560 = arith.index_cast %add3A_553 : i32 to index
        %get3A_561 = arith.constant 32 : index
        %get3A_562 = tpu.vector_load %arg10[%get3A_560, %get3A_561] {strides = array<i32>} : memref<640x64xf32, #tpu.memory_space<vmem>>, vector<16xf32>,
        %get3A_563 = arith.index_cast %add3A_553 : i32 to index
        %get3A_564 = arith.constant 48 : index
        %get3A_565 = tpu.vector_load %arg10[%get3A_563, %get3A_564] {strides = array<i32>} : memref<640x64xf32, #tpu.memory_space<vmem>>, vector<16xf32>,
        %add3A_566 = arith.addf %get3A_556, %get3A_559 : vector<16xf32>
        %add3A_567 = arith.addf %get3A_562, %get3A_565 : vector<16xf32>
        %add3A_568 = arith.addf %add3A_566, %add3A_567 : vector<16xf32>
        %mul3A_569 = arith.mulf %get3A_556, %get3A_556 : vector<16xf32>
        %mul3A_570 = arith.mulf %get3A_559, %get3A_559 : vector<16xf32>
        %add3A_571 = arith.addf %mul3A_569, %mul3A_570 : vector<16xf32>
        %mul3A_572 = arith.mulf %get3A_562, %get3A_562 : vector<16xf32>
        %mul3A_573 = arith.mulf %get3A_565, %get3A_565 : vector<16xf32>
        %add3A_574 = arith.addf %mul3A_572, %mul3A_573 : vector<16xf32>
        %add3A_575 = arith.addf %add3A_571, %add3A_574 : vector<16xf32>
        %eq3A_576 = arith.constant 13 : i32
        %eq3A_577 = vector.broadcast %eq3A_576 : i32 to vector<16xi32>
        %eq3A_578 = arith.cmpi eq, %iota3A, %eq3A_577 : vector<16xi32>
        %reduce_sum3A_579 = arith.constant true
        %reduce_sum3A_580 = vector.broadcast %reduce_sum3A_579 : i1 to vector<16xi1>
        %reduce_sum3A_581 = tpu.scan <sum>, %add3A_568 masked %reduce_sum3A_580 : vector<16xf32>, vector<16xi1> -> vector<16xf32>
        %reduce_sum3A_582 = vector.extract %reduce_sum3A_581[15] : f32 from vector<16xf32>
        %broadcast_in_dim3A_583 = vector.broadcast %reduce_sum3A_582 : f32 to vector<16xf32>
        %select_n3A_584 = arith.select %eq3A_578, %broadcast_in_dim3A_583, %select_n3A_545 : vector<16xi1>, vector<16xf32>
        %reduce_sum3A_585 = arith.constant true
        %reduce_sum3A_586 = vector.broadcast %reduce_sum3A_585 : i1 to vector<16xi1>
        %reduce_sum3A_587 = tpu.scan <sum>, %add3A_575 masked %reduce_sum3A_586 : vector<16xf32>, vector<16xi1> -> vector<16xf32>
        %reduce_sum3A_588 = vector.extract %reduce_sum3A_587[15] : f32 from vector<16xf32>
        %broadcast_in_dim3A_589 = vector.broadcast %reduce_sum3A_588 : f32 to vector<16xf32>
        %select_n3A_590 = arith.select %eq3A_578, %broadcast_in_dim3A_589, %select_n3A_551 : vector<16xi1>, vector<16xf32>
        %add3A_591 = arith.constant 14 : i32
        %add3A_592 = arith.addi %mul3A_41, %add3A_591 : i32
        %get3A_593 = arith.index_cast %add3A_592 : i32 to index
        %get3A_594 = arith.constant 0 : index
        %get3A_595 = tpu.vector_load %arg10[%get3A_593, %get3A_594] {strides = array<i32>} : memref<640x64xf32, #tpu.memory_space<vmem>>, vector<16xf32>,
        %get3A_596 = arith.index_cast %add3A_592 : i32 to index
        %get3A_597 = arith.constant 16 : index
        %get3A_598 = tpu.vector_load %arg10[%get3A_596, %get3A_597] {strides = array<i32>} : memref<640x64xf32, #tpu.memory_space<vmem>>, vector<16xf32>,
        %get3A_599 = arith.index_cast %add3A_592 : i32 to index
        %get3A_600 = arith.constant 32 : index
        %get3A_601 = tpu.vector_load %arg10[%get3A_599, %get3A_600] {strides = array<i32>} : memref<640x64xf32, #tpu.memory_space<vmem>>, vector<16xf32>,
        %get3A_602 = arith.index_cast %add3A_592 : i32 to index
        %get3A_603 = arith.constant 48 : index
        %get3A_604 = tpu.vector_load %arg10[%get3A_602, %get3A_603] {strides = array<i32>} : memref<640x64xf32, #tpu.memory_space<vmem>>, vector<16xf32>,
        %add3A_605 = arith.addf %get3A_595, %get3A_598 : vector<16xf32>
        %add3A_606 = arith.addf %get3A_601, %get3A_604 : vector<16xf32>
        %add3A_607 = arith.addf %add3A_605, %add3A_606 : vector<16xf32>
        %mul3A_608 = arith.mulf %get3A_595, %get3A_595 : vector<16xf32>
        %mul3A_609 = arith.mulf %get3A_598, %get3A_598 : vector<16xf32>
        %add3A_610 = arith.addf %mul3A_608, %mul3A_609 : vector<16xf32>
        %mul3A_611 = arith.mulf %get3A_601, %get3A_601 : vector<16xf32>
        %mul3A_612 = arith.mulf %get3A_604, %get3A_604 : vector<16xf32>
        %add3A_613 = arith.addf %mul3A_611, %mul3A_612 : vector<16xf32>
        %add3A_614 = arith.addf %add3A_610, %add3A_613 : vector<16xf32>
        %eq3A_615 = arith.constant 14 : i32
        %eq3A_616 = vector.broadcast %eq3A_615 : i32 to vector<16xi32>
        %eq3A_617 = arith.cmpi eq, %iota3A, %eq3A_616 : vector<16xi32>
        %reduce_sum3A_618 = arith.constant true
        %reduce_sum3A_619 = vector.broadcast %reduce_sum3A_618 : i1 to vector<16xi1>
        %reduce_sum3A_620 = tpu.scan <sum>, %add3A_607 masked %reduce_sum3A_619 : vector<16xf32>, vector<16xi1> -> vector<16xf32>
        %reduce_sum3A_621 = vector.extract %reduce_sum3A_620[15] : f32 from vector<16xf32>
        %broadcast_in_dim3A_622 = vector.broadcast %reduce_sum3A_621 : f32 to vector<16xf32>
        %select_n3A_623 = arith.select %eq3A_617, %broadcast_in_dim3A_622, %select_n3A_584 : vector<16xi1>, vector<16xf32>
        %reduce_sum3A_624 = arith.constant true
        %reduce_sum3A_625 = vector.broadcast %reduce_sum3A_624 : i1 to vector<16xi1>
        %reduce_sum3A_626 = tpu.scan <sum>, %add3A_614 masked %reduce_sum3A_625 : vector<16xf32>, vector<16xi1> -> vector<16xf32>
        %reduce_sum3A_627 = vector.extract %reduce_sum3A_626[15] : f32 from vector<16xf32>
        %broadcast_in_dim3A_628 = vector.broadcast %reduce_sum3A_627 : f32 to vector<16xf32>
        %select_n3A_629 = arith.select %eq3A_617, %broadcast_in_dim3A_628, %select_n3A_590 : vector<16xi1>, vector<16xf32>
        %add3A_630 = arith.constant 15 : i32
        %add3A_631 = arith.addi %mul3A_41, %add3A_630 : i32
        %get3A_632 = arith.index_cast %add3A_631 : i32 to index
        %get3A_633 = arith.constant 0 : index
        %get3A_634 = tpu.vector_load %arg10[%get3A_632, %get3A_633] {strides = array<i32>} : memref<640x64xf32, #tpu.memory_space<vmem>>, vector<16xf32>,
        %get3A_635 = arith.index_cast %add3A_631 : i32 to index
        %get3A_636 = arith.constant 16 : index
        %get3A_637 = tpu.vector_load %arg10[%get3A_635, %get3A_636] {strides = array<i32>} : memref<640x64xf32, #tpu.memory_space<vmem>>, vector<16xf32>,
        %get3A_638 = arith.index_cast %add3A_631 : i32 to index
        %get3A_639 = arith.constant 32 : index
        %get3A_640 = tpu.vector_load %arg10[%get3A_638, %get3A_639] {strides = array<i32>} : memref<640x64xf32, #tpu.memory_space<vmem>>, vector<16xf32>,
        %get3A_641 = arith.index_cast %add3A_631 : i32 to index
        %get3A_642 = arith.constant 48 : index
        %get3A_643 = tpu.vector_load %arg10[%get3A_641, %get3A_642] {strides = array<i32>} : memref<640x64xf32, #tpu.memory_space<vmem>>, vector<16xf32>,
        %add3A_644 = arith.addf %get3A_634, %get3A_637 : vector<16xf32>
        %add3A_645 = arith.addf %get3A_640, %get3A_643 : vector<16xf32>
        %add3A_646 = arith.addf %add3A_644, %add3A_645 : vector<16xf32>
        %mul3A_647 = arith.mulf %get3A_634, %get3A_634 : vector<16xf32>
        %mul3A_648 = arith.mulf %get3A_637, %get3A_637 : vector<16xf32>
        %add3A_649 = arith.addf %mul3A_647, %mul3A_648 : vector<16xf32>
        %mul3A_650 = arith.mulf %get3A_640, %get3A_640 : vector<16xf32>
        %mul3A_651 = arith.mulf %get3A_643, %get3A_643 : vector<16xf32>
        %add3A_652 = arith.addf %mul3A_650, %mul3A_651 : vector<16xf32>
        %add3A_653 = arith.addf %add3A_649, %add3A_652 : vector<16xf32>
        %eq3A_654 = arith.constant 15 : i32
        %eq3A_655 = vector.broadcast %eq3A_654 : i32 to vector<16xi32>
        %eq3A_656 = arith.cmpi eq, %iota3A, %eq3A_655 : vector<16xi32>
        %reduce_sum3A_657 = arith.constant true
        %reduce_sum3A_658 = vector.broadcast %reduce_sum3A_657 : i1 to vector<16xi1>
        %reduce_sum3A_659 = tpu.scan <sum>, %add3A_646 masked %reduce_sum3A_658 : vector<16xf32>, vector<16xi1> -> vector<16xf32>
        %reduce_sum3A_660 = vector.extract %reduce_sum3A_659[15] : f32 from vector<16xf32>
        %broadcast_in_dim3A_661 = vector.broadcast %reduce_sum3A_660 : f32 to vector<16xf32>
        %select_n3A_662 = arith.select %eq3A_656, %broadcast_in_dim3A_661, %select_n3A_623 : vector<16xi1>, vector<16xf32>
        %reduce_sum3A_663 = arith.constant true
        %reduce_sum3A_664 = vector.broadcast %reduce_sum3A_663 : i1 to vector<16xi1>
        %reduce_sum3A_665 = tpu.scan <sum>, %add3A_653 masked %reduce_sum3A_664 : vector<16xf32>, vector<16xi1> -> vector<16xf32>
        %reduce_sum3A_666 = vector.extract %reduce_sum3A_665[15] : f32 from vector<16xf32>
        %broadcast_in_dim3A_667 = vector.broadcast %reduce_sum3A_666 : f32 to vector<16xf32>
        %select_n3A_668 = arith.select %eq3A_656, %broadcast_in_dim3A_667, %select_n3A_629 : vector<16xi1>, vector<16xf32>
        %mul3A_669 = arith.constant 1.562500e-02 : f32
        %mul3A_670 = vector.broadcast %mul3A_669 : f32 to vector<16xf32>
        %mul3A_671 = arith.mulf %select_n3A_662, %mul3A_670 : vector<16xf32>
        %mul3A_672 = arith.constant 1.562500e-02 : f32
        %mul3A_673 = vector.broadcast %mul3A_672 : f32 to vector<16xf32>
        %mul3A_674 = arith.mulf %select_n3A_668, %mul3A_673 : vector<16xf32>
        %mul3A_675 = arith.mulf %mul3A_671, %mul3A_671 : vector<16xf32>
        %sub3A = arith.subf %mul3A_674, %mul3A_675 : vector<16xf32>
        %mul3A_676 = arith.mulf %sub3A, %get3A_44 : vector<16xf32>
        %mul3A_677 = arith.mulf %mul3A_676, %get3A_44 : vector<16xf32>
        %add3A_678 = arith.constant 9.99999974E-6 : f32
        %add3A_679 = vector.broadcast %add3A_678 : f32 to vector<16xf32>
        %add3A_680 = arith.addf %mul3A_677, %add3A_679 : vector<16xf32>
        %bitcast3A = vector.bitcast %add3A_680 : vector<16xf32> to vector<16xi32>
        %shift_right_arithmetic3A = arith.constant 1 : i32
        %shift_right_arithmetic3A_681 = vector.broadcast %shift_right_arithmetic3A : i32 to vector<16xi32>
        %shift_right_arithmetic3A_682 = arith.shrsi %bitcast3A, %shift_right_arithmetic3A_681 : vector<16xi32>
        %sub3A_683 = arith.constant 1597463007 : i32
        %sub3A_684 = vector.broadcast %sub3A_683 : i32 to vector<16xi32>
        %sub3A_685 = arith.subi %sub3A_684, %shift_right_arithmetic3A_682 : vector<16xi32>
        %bitcast3A_686 = vector.bitcast %sub3A_685 : vector<16xi32> to vector<16xf32>
        %mul3A_687 = arith.constant 5.000000e-01 : f32
        %mul3A_688 = vector.broadcast %mul3A_687 : f32 to vector<16xf32>
        %mul3A_689 = arith.mulf %mul3A_688, %add3A_680 : vector<16xf32>
        %mul3A_690 = arith.mulf %mul3A_689, %bitcast3A_686 : vector<16xf32>
        %mul3A_691 = arith.mulf %mul3A_690, %bitcast3A_686 : vector<16xf32>
        %sub3A_692 = arith.constant 1.500000e+00 : f32
        %sub3A_693 = vector.broadcast %sub3A_692 : f32 to vector<16xf32>
        %sub3A_694 = arith.subf %sub3A_693, %mul3A_691 : vector<16xf32>
        %mul3A_695 = arith.mulf %bitcast3A_686, %sub3A_694 : vector<16xf32>
        %mul3A_696 = arith.constant 5.000000e-01 : f32
        %mul3A_697 = vector.broadcast %mul3A_696 : f32 to vector<16xf32>
        %mul3A_698 = arith.mulf %mul3A_697, %add3A_680 : vector<16xf32>
        %mul3A_699 = arith.mulf %mul3A_698, %mul3A_695 : vector<16xf32>
        %mul3A_700 = arith.mulf %mul3A_699, %mul3A_695 : vector<16xf32>
        %sub3A_701 = arith.constant 1.500000e+00 : f32
        %sub3A_702 = vector.broadcast %sub3A_701 : f32 to vector<16xf32>
        %sub3A_703 = arith.subf %sub3A_702, %mul3A_700 : vector<16xf32>
        %mul3A_704 = arith.mulf %mul3A_695, %sub3A_703 : vector<16xf32>
        %mul3A_705 = arith.constant 5.000000e-01 : f32
        %mul3A_706 = vector.broadcast %mul3A_705 : f32 to vector<16xf32>
        %mul3A_707 = arith.mulf %mul3A_706, %add3A_680 : vector<16xf32>
        %mul3A_708 = arith.mulf %mul3A_707, %mul3A_704 : vector<16xf32>
        %mul3A_709 = arith.mulf %mul3A_708, %mul3A_704 : vector<16xf32>
        %sub3A_710 = arith.constant 1.500000e+00 : f32
        %sub3A_711 = vector.broadcast %sub3A_710 : f32 to vector<16xf32>
        %sub3A_712 = arith.subf %sub3A_711, %mul3A_709 : vector<16xf32>
        %mul3A_713 = arith.mulf %mul3A_704, %sub3A_712 : vector<16xf32>
        %mul3A_714 = arith.mulf %get3A_44, %mul3A_713 : vector<16xf32>
        %mul3A_715 = arith.mulf %mul3A_671, %get3A_44 : vector<16xf32>
        %mul3A_716 = arith.mulf %mul3A_715, %mul3A_713 : vector<16xf32>
        %add3A_717 = arith.constant 0 : i32
        %add3A_718 = arith.addi %mul3A_41, %add3A_717 : i32
        %broadcast_in_dim3A_719 = arith.constant 0 : i32
        %broadcast_in_dim3A_720 = vector.broadcast %broadcast_in_dim3A_719 : i32 to vector<16xi32>
        %lt3A = arith.constant 0 : i32
        %lt3A_721 = vector.broadcast %lt3A : i32 to vector<16xi32>
        %lt3A_722 = arith.cmpi slt, %broadcast_in_dim3A_720, %lt3A_721 : vector<16xi32>
        %add3A_723 = arith.constant 16 : i32
        %add3A_724 = vector.broadcast %add3A_723 : i32 to vector<16xi32>
        %add3A_725 = arith.addi %broadcast_in_dim3A_720, %add3A_724 : vector<16xi32>
        %select_n3A_726 = arith.select %lt3A_722, %add3A_725, %broadcast_in_dim3A_720 : vector<16xi1>, vector<16xi32>
        %broadcast_in_dim3A_727 = vector.shape_cast %select_n3A_726 : vector<16xi32> to vector<16x1xi32>
        %gather3A = vector.shape_cast %broadcast_in_dim3A_727 : vector<16x1xi32> to vector<16xi32>
        %gather3A_728 = tpu.dynamic_gather %mul3A_714[%gather3A] in [0] : vector<16xf32>, vector<16xi32> -> vector<16xf32>
        %lt3A_729 = arith.constant 0 : i32
        %lt3A_730 = vector.broadcast %lt3A_729 : i32 to vector<16xi32>
        %lt3A_731 = arith.cmpi slt, %broadcast_in_dim3A_720, %lt3A_730 : vector<16xi32>
        %add3A_732 = arith.constant 16 : i32
        %add3A_733 = vector.broadcast %add3A_732 : i32 to vector<16xi32>
        %add3A_734 = arith.addi %broadcast_in_dim3A_720, %add3A_733 : vector<16xi32>
        %select_n3A_735 = arith.select %lt3A_731, %add3A_734, %broadcast_in_dim3A_720 : vector<16xi1>, vector<16xi32>
        %broadcast_in_dim3A_736 = vector.shape_cast %select_n3A_735 : vector<16xi32> to vector<16x1xi32>
        %gather3A_737 = vector.shape_cast %broadcast_in_dim3A_736 : vector<16x1xi32> to vector<16xi32>
        %gather3A_738 = tpu.dynamic_gather %mul3A_716[%gather3A_737] in [0] : vector<16xf32>, vector<16xi32> -> vector<16xf32>
        %get3A_739 = arith.index_cast %add3A_718 : i32 to index
        %get3A_740 = arith.constant 0 : index
        %get3A_741 = tpu.vector_load %arg10[%get3A_739, %get3A_740] {strides = array<i32>} : memref<640x64xf32, #tpu.memory_space<vmem>>, vector<16xf32>,
        %mul3A_742 = arith.mulf %get3A_741, %gather3A_728 : vector<16xf32>
        %sub3A_743 = arith.subf %mul3A_742, %gather3A_738 : vector<16xf32>
        %mul3A_744 = arith.mulf %sub3A_743, %get3A_3 : vector<16xf32>
        %add3A_745 = arith.addf %mul3A_744, %get3A_11 : vector<16xf32>
        %swap3A = arith.index_cast %add3A_718 : i32 to index
        %swap3A_746 = arith.constant 0 : index
        %swap3A_747 = tpu.vector_load %arg10[%swap3A, %swap3A_746] {strides = array<i32>} : memref<640x64xf32, #tpu.memory_space<vmem>>, vector<16xf32>,
        tpu.vector_store %arg10[%swap3A, %swap3A_746], %add3A_745 {strides = array<i32>} : memref<640x64xf32, #tpu.memory_space<vmem>>, vector<16xf32>,
        %get3A_748 = arith.index_cast %add3A_718 : i32 to index
        %get3A_749 = arith.constant 16 : index
        %get3A_750 = tpu.vector_load %arg10[%get3A_748, %get3A_749] {strides = array<i32>} : memref<640x64xf32, #tpu.memory_space<vmem>>, vector<16xf32>,
        %mul3A_751 = arith.mulf %get3A_750, %gather3A_728 : vector<16xf32>
        %sub3A_752 = arith.subf %mul3A_751, %gather3A_738 : vector<16xf32>
        %mul3A_753 = arith.mulf %sub3A_752, %get3A_5 : vector<16xf32>
        %add3A_754 = arith.addf %mul3A_753, %get3A_13 : vector<16xf32>
        %swap3A_755 = arith.index_cast %add3A_718 : i32 to index
        %swap3A_756 = arith.constant 16 : index
        %swap3A_757 = tpu.vector_load %arg10[%swap3A_755, %swap3A_756] {strides = array<i32>} : memref<640x64xf32, #tpu.memory_space<vmem>>, vector<16xf32>,
        tpu.vector_store %arg10[%swap3A_755, %swap3A_756], %add3A_754 {strides = array<i32>} : memref<640x64xf32, #tpu.memory_space<vmem>>, vector<16xf32>,
        %get3A_758 = arith.index_cast %add3A_718 : i32 to index
        %get3A_759 = arith.constant 32 : index
        %get3A_760 = tpu.vector_load %arg10[%get3A_758, %get3A_759] {strides = array<i32>} : memref<640x64xf32, #tpu.memory_space<vmem>>, vector<16xf32>,
        %mul3A_761 = arith.mulf %get3A_760, %gather3A_728 : vector<16xf32>
        %sub3A_762 = arith.subf %mul3A_761, %gather3A_738 : vector<16xf32>
        %mul3A_763 = arith.mulf %sub3A_762, %get3A_7 : vector<16xf32>
        %add3A_764 = arith.addf %mul3A_763, %get3A_15 : vector<16xf32>
        %swap3A_765 = arith.index_cast %add3A_718 : i32 to index
        %swap3A_766 = arith.constant 32 : index
        %swap3A_767 = tpu.vector_load %arg10[%swap3A_765, %swap3A_766] {strides = array<i32>} : memref<640x64xf32, #tpu.memory_space<vmem>>, vector<16xf32>,
        tpu.vector_store %arg10[%swap3A_765, %swap3A_766], %add3A_764 {strides = array<i32>} : memref<640x64xf32, #tpu.memory_space<vmem>>, vector<16xf32>,
        %get3A_768 = arith.index_cast %add3A_718 : i32 to index
        %get3A_769 = arith.constant 48 : index
        %get3A_770 = tpu.vector_load %arg10[%get3A_768, %get3A_769] {strides = array<i32>} : memref<640x64xf32, #tpu.memory_space<vmem>>, vector<16xf32>,
        %mul3A_771 = arith.mulf %get3A_770, %gather3A_728 : vector<16xf32>
        %sub3A_772 = arith.subf %mul3A_771, %gather3A_738 : vector<16xf32>
        %mul3A_773 = arith.mulf %sub3A_772, %get3A_9 : vector<16xf32>
        %add3A_774 = arith.addf %mul3A_773, %get3A_17 : vector<16xf32>
        %swap3A_775 = arith.index_cast %add3A_718 : i32 to index
        %swap3A_776 = arith.constant 48 : index
        %swap3A_777 = tpu.vector_load %arg10[%swap3A_775, %swap3A_776] {strides = array<i32>} : memref<640x64xf32, #tpu.memory_space<vmem>>, vector<16xf32>,
        tpu.vector_store %arg10[%swap3A_775, %swap3A_776], %add3A_774 {strides = array<i32>} : memref<640x64xf32, #tpu.memory_space<vmem>>, vector<16xf32>,
        %add3A_778 = arith.constant 1 : i32
        %add3A_779 = arith.addi %mul3A_41, %add3A_778 : i32
        %broadcast_in_dim3A_780 = arith.constant 1 : i32
        %broadcast_in_dim3A_781 = vector.broadcast %broadcast_in_dim3A_780 : i32 to vector<16xi32>
        %lt3A_782 = arith.constant 0 : i32
        %lt3A_783 = vector.broadcast %lt3A_782 : i32 to vector<16xi32>
        %lt3A_784 = arith.cmpi slt, %broadcast_in_dim3A_781, %lt3A_783 : vector<16xi32>
        %add3A_785 = arith.constant 16 : i32
        %add3A_786 = vector.broadcast %add3A_785 : i32 to vector<16xi32>
        %add3A_787 = arith.addi %broadcast_in_dim3A_781, %add3A_786 : vector<16xi32>
        %select_n3A_788 = arith.select %lt3A_784, %add3A_787, %broadcast_in_dim3A_781 : vector<16xi1>, vector<16xi32>
        %broadcast_in_dim3A_789 = vector.shape_cast %select_n3A_788 : vector<16xi32> to vector<16x1xi32>
        %gather3A_790 = vector.shape_cast %broadcast_in_dim3A_789 : vector<16x1xi32> to vector<16xi32>
        %gather3A_791 = tpu.dynamic_gather %mul3A_714[%gather3A_790] in [0] : vector<16xf32>, vector<16xi32> -> vector<16xf32>
        %lt3A_792 = arith.constant 0 : i32
        %lt3A_793 = vector.broadcast %lt3A_792 : i32 to vector<16xi32>
        %lt3A_794 = arith.cmpi slt, %broadcast_in_dim3A_781, %lt3A_793 : vector<16xi32>
        %add3A_795 = arith.constant 16 : i32
        %add3A_796 = vector.broadcast %add3A_795 : i32 to vector<16xi32>
        %add3A_797 = arith.addi %broadcast_in_dim3A_781, %add3A_796 : vector<16xi32>
        %select_n3A_798 = arith.select %lt3A_794, %add3A_797, %broadcast_in_dim3A_781 : vector<16xi1>, vector<16xi32>
        %broadcast_in_dim3A_799 = vector.shape_cast %select_n3A_798 : vector<16xi32> to vector<16x1xi32>
        %gather3A_800 = vector.shape_cast %broadcast_in_dim3A_799 : vector<16x1xi32> to vector<16xi32>
        %gather3A_801 = tpu.dynamic_gather %mul3A_716[%gather3A_800] in [0] : vector<16xf32>, vector<16xi32> -> vector<16xf32>
        %get3A_802 = arith.index_cast %add3A_779 : i32 to index
        %get3A_803 = arith.constant 0 : index
        %get3A_804 = tpu.vector_load %arg10[%get3A_802, %get3A_803] {strides = array<i32>} : memref<640x64xf32, #tpu.memory_space<vmem>>, vector<16xf32>,
        %mul3A_805 = arith.mulf %get3A_804, %gather3A_791 : vector<16xf32>
        %sub3A_806 = arith.subf %mul3A_805, %gather3A_801 : vector<16xf32>
        %mul3A_807 = arith.mulf %sub3A_806, %get3A_3 : vector<16xf32>
        %add3A_808 = arith.addf %mul3A_807, %get3A_11 : vector<16xf32>
        %swap3A_809 = arith.index_cast %add3A_779 : i32 to index
        %swap3A_810 = arith.constant 0 : index
        %swap3A_811 = tpu.vector_load %arg10[%swap3A_809, %swap3A_810] {strides = array<i32>} : memref<640x64xf32, #tpu.memory_space<vmem>>, vector<16xf32>,
        tpu.vector_store %arg10[%swap3A_809, %swap3A_810], %add3A_808 {strides = array<i32>} : memref<640x64xf32, #tpu.memory_space<vmem>>, vector<16xf32>,
        %get3A_812 = arith.index_cast %add3A_779 : i32 to index
        %get3A_813 = arith.constant 16 : index
        %get3A_814 = tpu.vector_load %arg10[%get3A_812, %get3A_813] {strides = array<i32>} : memref<640x64xf32, #tpu.memory_space<vmem>>, vector<16xf32>,
        %mul3A_815 = arith.mulf %get3A_814, %gather3A_791 : vector<16xf32>
        %sub3A_816 = arith.subf %mul3A_815, %gather3A_801 : vector<16xf32>
        %mul3A_817 = arith.mulf %sub3A_816, %get3A_5 : vector<16xf32>
        %add3A_818 = arith.addf %mul3A_817, %get3A_13 : vector<16xf32>
        %swap3A_819 = arith.index_cast %add3A_779 : i32 to index
        %swap3A_820 = arith.constant 16 : index
        %swap3A_821 = tpu.vector_load %arg10[%swap3A_819, %swap3A_820] {strides = array<i32>} : memref<640x64xf32, #tpu.memory_space<vmem>>, vector<16xf32>,
        tpu.vector_store %arg10[%swap3A_819, %swap3A_820], %add3A_818 {strides = array<i32>} : memref<640x64xf32, #tpu.memory_space<vmem>>, vector<16xf32>,
        %get3A_822 = arith.index_cast %add3A_779 : i32 to index
        %get3A_823 = arith.constant 32 : index
        %get3A_824 = tpu.vector_load %arg10[%get3A_822, %get3A_823] {strides = array<i32>} : memref<640x64xf32, #tpu.memory_space<vmem>>, vector<16xf32>,
        %mul3A_825 = arith.mulf %get3A_824, %gather3A_791 : vector<16xf32>
        %sub3A_826 = arith.subf %mul3A_825, %gather3A_801 : vector<16xf32>
        %mul3A_827 = arith.mulf %sub3A_826, %get3A_7 : vector<16xf32>
        %add3A_828 = arith.addf %mul3A_827, %get3A_15 : vector<16xf32>
        %swap3A_829 = arith.index_cast %add3A_779 : i32 to index
        %swap3A_830 = arith.constant 32 : index
        %swap3A_831 = tpu.vector_load %arg10[%swap3A_829, %swap3A_830] {strides = array<i32>} : memref<640x64xf32, #tpu.memory_space<vmem>>, vector<16xf32>,
        tpu.vector_store %arg10[%swap3A_829, %swap3A_830], %add3A_828 {strides = array<i32>} : memref<640x64xf32, #tpu.memory_space<vmem>>, vector<16xf32>,
        %get3A_832 = arith.index_cast %add3A_779 : i32 to index
        %get3A_833 = arith.constant 48 : index
        %get3A_834 = tpu.vector_load %arg10[%get3A_832, %get3A_833] {strides = array<i32>} : memref<640x64xf32, #tpu.memory_space<vmem>>, vector<16xf32>,
        %mul3A_835 = arith.mulf %get3A_834, %gather3A_791 : vector<16xf32>
        %sub3A_836 = arith.subf %mul3A_835, %gather3A_801 : vector<16xf32>
        %mul3A_837 = arith.mulf %sub3A_836, %get3A_9 : vector<16xf32>
        %add3A_838 = arith.addf %mul3A_837, %get3A_17 : vector<16xf32>
        %swap3A_839 = arith.index_cast %add3A_779 : i32 to index
        %swap3A_840 = arith.constant 48 : index
        %swap3A_841 = tpu.vector_load %arg10[%swap3A_839, %swap3A_840] {strides = array<i32>} : memref<640x64xf32, #tpu.memory_space<vmem>>, vector<16xf32>,
        tpu.vector_store %arg10[%swap3A_839, %swap3A_840], %add3A_838 {strides = array<i32>} : memref<640x64xf32, #tpu.memory_space<vmem>>, vector<16xf32>,
        %add3A_842 = arith.constant 2 : i32
        %add3A_843 = arith.addi %mul3A_41, %add3A_842 : i32
        %broadcast_in_dim3A_844 = arith.constant 2 : i32
        %broadcast_in_dim3A_845 = vector.broadcast %broadcast_in_dim3A_844 : i32 to vector<16xi32>
        %lt3A_846 = arith.constant 0 : i32
        %lt3A_847 = vector.broadcast %lt3A_846 : i32 to vector<16xi32>
        %lt3A_848 = arith.cmpi slt, %broadcast_in_dim3A_845, %lt3A_847 : vector<16xi32>
        %add3A_849 = arith.constant 16 : i32
        %add3A_850 = vector.broadcast %add3A_849 : i32 to vector<16xi32>
        %add3A_851 = arith.addi %broadcast_in_dim3A_845, %add3A_850 : vector<16xi32>
        %select_n3A_852 = arith.select %lt3A_848, %add3A_851, %broadcast_in_dim3A_845 : vector<16xi1>, vector<16xi32>
        %broadcast_in_dim3A_853 = vector.shape_cast %select_n3A_852 : vector<16xi32> to vector<16x1xi32>
        %gather3A_854 = vector.shape_cast %broadcast_in_dim3A_853 : vector<16x1xi32> to vector<16xi32>
        %gather3A_855 = tpu.dynamic_gather %mul3A_714[%gather3A_854] in [0] : vector<16xf32>, vector<16xi32> -> vector<16xf32>
        %lt3A_856 = arith.constant 0 : i32
        %lt3A_857 = vector.broadcast %lt3A_856 : i32 to vector<16xi32>
        %lt3A_858 = arith.cmpi slt, %broadcast_in_dim3A_845, %lt3A_857 : vector<16xi32>
        %add3A_859 = arith.constant 16 : i32
        %add3A_860 = vector.broadcast %add3A_859 : i32 to vector<16xi32>
        %add3A_861 = arith.addi %broadcast_in_dim3A_845, %add3A_860 : vector<16xi32>
        %select_n3A_862 = arith.select %lt3A_858, %add3A_861, %broadcast_in_dim3A_845 : vector<16xi1>, vector<16xi32>
        %broadcast_in_dim3A_863 = vector.shape_cast %select_n3A_862 : vector<16xi32> to vector<16x1xi32>
        %gather3A_864 = vector.shape_cast %broadcast_in_dim3A_863 : vector<16x1xi32> to vector<16xi32>
        %gather3A_865 = tpu.dynamic_gather %mul3A_716[%gather3A_864] in [0] : vector<16xf32>, vector<16xi32> -> vector<16xf32>
        %get3A_866 = arith.index_cast %add3A_843 : i32 to index
        %get3A_867 = arith.constant 0 : index
        %get3A_868 = tpu.vector_load %arg10[%get3A_866, %get3A_867] {strides = array<i32>} : memref<640x64xf32, #tpu.memory_space<vmem>>, vector<16xf32>,
        %mul3A_869 = arith.mulf %get3A_868, %gather3A_855 : vector<16xf32>
        %sub3A_870 = arith.subf %mul3A_869, %gather3A_865 : vector<16xf32>
        %mul3A_871 = arith.mulf %sub3A_870, %get3A_3 : vector<16xf32>
        %add3A_872 = arith.addf %mul3A_871, %get3A_11 : vector<16xf32>
        %swap3A_873 = arith.index_cast %add3A_843 : i32 to index
        %swap3A_874 = arith.constant 0 : index
        %swap3A_875 = tpu.vector_load %arg10[%swap3A_873, %swap3A_874] {strides = array<i32>} : memref<640x64xf32, #tpu.memory_space<vmem>>, vector<16xf32>,
        tpu.vector_store %arg10[%swap3A_873, %swap3A_874], %add3A_872 {strides = array<i32>} : memref<640x64xf32, #tpu.memory_space<vmem>>, vector<16xf32>,
        %get3A_876 = arith.index_cast %add3A_843 : i32 to index
        %get3A_877 = arith.constant 16 : index
        %get3A_878 = tpu.vector_load %arg10[%get3A_876, %get3A_877] {strides = array<i32>} : memref<640x64xf32, #tpu.memory_space<vmem>>, vector<16xf32>,
        %mul3A_879 = arith.mulf %get3A_878, %gather3A_855 : vector<16xf32>
        %sub3A_880 = arith.subf %mul3A_879, %gather3A_865 : vector<16xf32>
        %mul3A_881 = arith.mulf %sub3A_880, %get3A_5 : vector<16xf32>
        %add3A_882 = arith.addf %mul3A_881, %get3A_13 : vector<16xf32>
        %swap3A_883 = arith.index_cast %add3A_843 : i32 to index
        %swap3A_884 = arith.constant 16 : index
        %swap3A_885 = tpu.vector_load %arg10[%swap3A_883, %swap3A_884] {strides = array<i32>} : memref<640x64xf32, #tpu.memory_space<vmem>>, vector<16xf32>,
        tpu.vector_store %arg10[%swap3A_883, %swap3A_884], %add3A_882 {strides = array<i32>} : memref<640x64xf32, #tpu.memory_space<vmem>>, vector<16xf32>,
        %get3A_886 = arith.index_cast %add3A_843 : i32 to index
        %get3A_887 = arith.constant 32 : index
        %get3A_888 = tpu.vector_load %arg10[%get3A_886, %get3A_887] {strides = array<i32>} : memref<640x64xf32, #tpu.memory_space<vmem>>, vector<16xf32>,
        %mul3A_889 = arith.mulf %get3A_888, %gather3A_855 : vector<16xf32>
        %sub3A_890 = arith.subf %mul3A_889, %gather3A_865 : vector<16xf32>
        %mul3A_891 = arith.mulf %sub3A_890, %get3A_7 : vector<16xf32>
        %add3A_892 = arith.addf %mul3A_891, %get3A_15 : vector<16xf32>
        %swap3A_893 = arith.index_cast %add3A_843 : i32 to index
        %swap3A_894 = arith.constant 32 : index
        %swap3A_895 = tpu.vector_load %arg10[%swap3A_893, %swap3A_894] {strides = array<i32>} : memref<640x64xf32, #tpu.memory_space<vmem>>, vector<16xf32>,
        tpu.vector_store %arg10[%swap3A_893, %swap3A_894], %add3A_892 {strides = array<i32>} : memref<640x64xf32, #tpu.memory_space<vmem>>, vector<16xf32>,
        %get3A_896 = arith.index_cast %add3A_843 : i32 to index
        %get3A_897 = arith.constant 48 : index
        %get3A_898 = tpu.vector_load %arg10[%get3A_896, %get3A_897] {strides = array<i32>} : memref<640x64xf32, #tpu.memory_space<vmem>>, vector<16xf32>,
        %mul3A_899 = arith.mulf %get3A_898, %gather3A_855 : vector<16xf32>
        %sub3A_900 = arith.subf %mul3A_899, %gather3A_865 : vector<16xf32>
        %mul3A_901 = arith.mulf %sub3A_900, %get3A_9 : vector<16xf32>
        %add3A_902 = arith.addf %mul3A_901, %get3A_17 : vector<16xf32>
        %swap3A_903 = arith.index_cast %add3A_843 : i32 to index
        %swap3A_904 = arith.constant 48 : index
        %swap3A_905 = tpu.vector_load %arg10[%swap3A_903, %swap3A_904] {strides = array<i32>} : memref<640x64xf32, #tpu.memory_space<vmem>>, vector<16xf32>,
        tpu.vector_store %arg10[%swap3A_903, %swap3A_904], %add3A_902 {strides = array<i32>} : memref<640x64xf32, #tpu.memory_space<vmem>>, vector<16xf32>,
        %add3A_906 = arith.constant 3 : i32
        %add3A_907 = arith.addi %mul3A_41, %add3A_906 : i32
        %broadcast_in_dim3A_908 = arith.constant 3 : i32
        %broadcast_in_dim3A_909 = vector.broadcast %broadcast_in_dim3A_908 : i32 to vector<16xi32>
        %lt3A_910 = arith.constant 0 : i32
        %lt3A_911 = vector.broadcast %lt3A_910 : i32 to vector<16xi32>
        %lt3A_912 = arith.cmpi slt, %broadcast_in_dim3A_909, %lt3A_911 : vector<16xi32>
        %add3A_913 = arith.constant 16 : i32
        %add3A_914 = vector.broadcast %add3A_913 : i32 to vector<16xi32>
        %add3A_915 = arith.addi %broadcast_in_dim3A_909, %add3A_914 : vector<16xi32>
        %select_n3A_916 = arith.select %lt3A_912, %add3A_915, %broadcast_in_dim3A_909 : vector<16xi1>, vector<16xi32>
        %broadcast_in_dim3A_917 = vector.shape_cast %select_n3A_916 : vector<16xi32> to vector<16x1xi32>
        %gather3A_918 = vector.shape_cast %broadcast_in_dim3A_917 : vector<16x1xi32> to vector<16xi32>
        %gather3A_919 = tpu.dynamic_gather %mul3A_714[%gather3A_918] in [0] : vector<16xf32>, vector<16xi32> -> vector<16xf32>
        %lt3A_920 = arith.constant 0 : i32
        %lt3A_921 = vector.broadcast %lt3A_920 : i32 to vector<16xi32>
        %lt3A_922 = arith.cmpi slt, %broadcast_in_dim3A_909, %lt3A_921 : vector<16xi32>
        %add3A_923 = arith.constant 16 : i32
        %add3A_924 = vector.broadcast %add3A_923 : i32 to vector<16xi32>
        %add3A_925 = arith.addi %broadcast_in_dim3A_909, %add3A_924 : vector<16xi32>
        %select_n3A_926 = arith.select %lt3A_922, %add3A_925, %broadcast_in_dim3A_909 : vector<16xi1>, vector<16xi32>
        %broadcast_in_dim3A_927 = vector.shape_cast %select_n3A_926 : vector<16xi32> to vector<16x1xi32>
        %gather3A_928 = vector.shape_cast %broadcast_in_dim3A_927 : vector<16x1xi32> to vector<16xi32>
        %gather3A_929 = tpu.dynamic_gather %mul3A_716[%gather3A_928] in [0] : vector<16xf32>, vector<16xi32> -> vector<16xf32>
        %get3A_930 = arith.index_cast %add3A_907 : i32 to index
        %get3A_931 = arith.constant 0 : index
        %get3A_932 = tpu.vector_load %arg10[%get3A_930, %get3A_931] {strides = array<i32>} : memref<640x64xf32, #tpu.memory_space<vmem>>, vector<16xf32>,
        %mul3A_933 = arith.mulf %get3A_932, %gather3A_919 : vector<16xf32>
        %sub3A_934 = arith.subf %mul3A_933, %gather3A_929 : vector<16xf32>
        %mul3A_935 = arith.mulf %sub3A_934, %get3A_3 : vector<16xf32>
        %add3A_936 = arith.addf %mul3A_935, %get3A_11 : vector<16xf32>
        %swap3A_937 = arith.index_cast %add3A_907 : i32 to index
        %swap3A_938 = arith.constant 0 : index
        %swap3A_939 = tpu.vector_load %arg10[%swap3A_937, %swap3A_938] {strides = array<i32>} : memref<640x64xf32, #tpu.memory_space<vmem>>, vector<16xf32>,
        tpu.vector_store %arg10[%swap3A_937, %swap3A_938], %add3A_936 {strides = array<i32>} : memref<640x64xf32, #tpu.memory_space<vmem>>, vector<16xf32>,
        %get3A_940 = arith.index_cast %add3A_907 : i32 to index
        %get3A_941 = arith.constant 16 : index
        %get3A_942 = tpu.vector_load %arg10[%get3A_940, %get3A_941] {strides = array<i32>} : memref<640x64xf32, #tpu.memory_space<vmem>>, vector<16xf32>,
        %mul3A_943 = arith.mulf %get3A_942, %gather3A_919 : vector<16xf32>
        %sub3A_944 = arith.subf %mul3A_943, %gather3A_929 : vector<16xf32>
        %mul3A_945 = arith.mulf %sub3A_944, %get3A_5 : vector<16xf32>
        %add3A_946 = arith.addf %mul3A_945, %get3A_13 : vector<16xf32>
        %swap3A_947 = arith.index_cast %add3A_907 : i32 to index
        %swap3A_948 = arith.constant 16 : index
        %swap3A_949 = tpu.vector_load %arg10[%swap3A_947, %swap3A_948] {strides = array<i32>} : memref<640x64xf32, #tpu.memory_space<vmem>>, vector<16xf32>,
        tpu.vector_store %arg10[%swap3A_947, %swap3A_948], %add3A_946 {strides = array<i32>} : memref<640x64xf32, #tpu.memory_space<vmem>>, vector<16xf32>,
        %get3A_950 = arith.index_cast %add3A_907 : i32 to index
        %get3A_951 = arith.constant 32 : index
        %get3A_952 = tpu.vector_load %arg10[%get3A_950, %get3A_951] {strides = array<i32>} : memref<640x64xf32, #tpu.memory_space<vmem>>, vector<16xf32>,
        %mul3A_953 = arith.mulf %get3A_952, %gather3A_919 : vector<16xf32>
        %sub3A_954 = arith.subf %mul3A_953, %gather3A_929 : vector<16xf32>
        %mul3A_955 = arith.mulf %sub3A_954, %get3A_7 : vector<16xf32>
        %add3A_956 = arith.addf %mul3A_955, %get3A_15 : vector<16xf32>
        %swap3A_957 = arith.index_cast %add3A_907 : i32 to index
        %swap3A_958 = arith.constant 32 : index
        %swap3A_959 = tpu.vector_load %arg10[%swap3A_957, %swap3A_958] {strides = array<i32>} : memref<640x64xf32, #tpu.memory_space<vmem>>, vector<16xf32>,
        tpu.vector_store %arg10[%swap3A_957, %swap3A_958], %add3A_956 {strides = array<i32>} : memref<640x64xf32, #tpu.memory_space<vmem>>, vector<16xf32>,
        %get3A_960 = arith.index_cast %add3A_907 : i32 to index
        %get3A_961 = arith.constant 48 : index
        %get3A_962 = tpu.vector_load %arg10[%get3A_960, %get3A_961] {strides = array<i32>} : memref<640x64xf32, #tpu.memory_space<vmem>>, vector<16xf32>,
        %mul3A_963 = arith.mulf %get3A_962, %gather3A_919 : vector<16xf32>
        %sub3A_964 = arith.subf %mul3A_963, %gather3A_929 : vector<16xf32>
        %mul3A_965 = arith.mulf %sub3A_964, %get3A_9 : vector<16xf32>
        %add3A_966 = arith.addf %mul3A_965, %get3A_17 : vector<16xf32>
        %swap3A_967 = arith.index_cast %add3A_907 : i32 to index
        %swap3A_968 = arith.constant 48 : index
        %swap3A_969 = tpu.vector_load %arg10[%swap3A_967, %swap3A_968] {strides = array<i32>} : memref<640x64xf32, #tpu.memory_space<vmem>>, vector<16xf32>,
        tpu.vector_store %arg10[%swap3A_967, %swap3A_968], %add3A_966 {strides = array<i32>} : memref<640x64xf32, #tpu.memory_space<vmem>>, vector<16xf32>,
        %add3A_970 = arith.constant 4 : i32
        %add3A_971 = arith.addi %mul3A_41, %add3A_970 : i32
        %broadcast_in_dim3A_972 = arith.constant 4 : i32
        %broadcast_in_dim3A_973 = vector.broadcast %broadcast_in_dim3A_972 : i32 to vector<16xi32>
        %lt3A_974 = arith.constant 0 : i32
        %lt3A_975 = vector.broadcast %lt3A_974 : i32 to vector<16xi32>
        %lt3A_976 = arith.cmpi slt, %broadcast_in_dim3A_973, %lt3A_975 : vector<16xi32>
        %add3A_977 = arith.constant 16 : i32
        %add3A_978 = vector.broadcast %add3A_977 : i32 to vector<16xi32>
        %add3A_979 = arith.addi %broadcast_in_dim3A_973, %add3A_978 : vector<16xi32>
        %select_n3A_980 = arith.select %lt3A_976, %add3A_979, %broadcast_in_dim3A_973 : vector<16xi1>, vector<16xi32>
        %broadcast_in_dim3A_981 = vector.shape_cast %select_n3A_980 : vector<16xi32> to vector<16x1xi32>
        %gather3A_982 = vector.shape_cast %broadcast_in_dim3A_981 : vector<16x1xi32> to vector<16xi32>
        %gather3A_983 = tpu.dynamic_gather %mul3A_714[%gather3A_982] in [0] : vector<16xf32>, vector<16xi32> -> vector<16xf32>
        %lt3A_984 = arith.constant 0 : i32
        %lt3A_985 = vector.broadcast %lt3A_984 : i32 to vector<16xi32>
        %lt3A_986 = arith.cmpi slt, %broadcast_in_dim3A_973, %lt3A_985 : vector<16xi32>
        %add3A_987 = arith.constant 16 : i32
        %add3A_988 = vector.broadcast %add3A_987 : i32 to vector<16xi32>
        %add3A_989 = arith.addi %broadcast_in_dim3A_973, %add3A_988 : vector<16xi32>
        %select_n3A_990 = arith.select %lt3A_986, %add3A_989, %broadcast_in_dim3A_973 : vector<16xi1>, vector<16xi32>
        %broadcast_in_dim3A_991 = vector.shape_cast %select_n3A_990 : vector<16xi32> to vector<16x1xi32>
        %gather3A_992 = vector.shape_cast %broadcast_in_dim3A_991 : vector<16x1xi32> to vector<16xi32>
        %gather3A_993 = tpu.dynamic_gather %mul3A_716[%gather3A_992] in [0] : vector<16xf32>, vector<16xi32> -> vector<16xf32>
        %get3A_994 = arith.index_cast %add3A_971 : i32 to index
        %get3A_995 = arith.constant 0 : index
        %get3A_996 = tpu.vector_load %arg10[%get3A_994, %get3A_995] {strides = array<i32>} : memref<640x64xf32, #tpu.memory_space<vmem>>, vector<16xf32>,
        %mul3A_997 = arith.mulf %get3A_996, %gather3A_983 : vector<16xf32>
        %sub3A_998 = arith.subf %mul3A_997, %gather3A_993 : vector<16xf32>
        %mul3A_999 = arith.mulf %sub3A_998, %get3A_3 : vector<16xf32>
        %add3A_1000 = arith.addf %mul3A_999, %get3A_11 : vector<16xf32>
        %swap3A_1001 = arith.index_cast %add3A_971 : i32 to index
        %swap3A_1002 = arith.constant 0 : index
        %swap3A_1003 = tpu.vector_load %arg10[%swap3A_1001, %swap3A_1002] {strides = array<i32>} : memref<640x64xf32, #tpu.memory_space<vmem>>, vector<16xf32>,
        tpu.vector_store %arg10[%swap3A_1001, %swap3A_1002], %add3A_1000 {strides = array<i32>} : memref<640x64xf32, #tpu.memory_space<vmem>>, vector<16xf32>,
        %get3A_1004 = arith.index_cast %add3A_971 : i32 to index
        %get3A_1005 = arith.constant 16 : index
        %get3A_1006 = tpu.vector_load %arg10[%get3A_1004, %get3A_1005] {strides = array<i32>} : memref<640x64xf32, #tpu.memory_space<vmem>>, vector<16xf32>,
        %mul3A_1007 = arith.mulf %get3A_1006, %gather3A_983 : vector<16xf32>
        %sub3A_1008 = arith.subf %mul3A_1007, %gather3A_993 : vector<16xf32>
        %mul3A_1009 = arith.mulf %sub3A_1008, %get3A_5 : vector<16xf32>
        %add3A_1010 = arith.addf %mul3A_1009, %get3A_13 : vector<16xf32>
        %swap3A_1011 = arith.index_cast %add3A_971 : i32 to index
        %swap3A_1012 = arith.constant 16 : index
        %swap3A_1013 = tpu.vector_load %arg10[%swap3A_1011, %swap3A_1012] {strides = array<i32>} : memref<640x64xf32, #tpu.memory_space<vmem>>, vector<16xf32>,
        tpu.vector_store %arg10[%swap3A_1011, %swap3A_1012], %add3A_1010 {strides = array<i32>} : memref<640x64xf32, #tpu.memory_space<vmem>>, vector<16xf32>,
        %get3A_1014 = arith.index_cast %add3A_971 : i32 to index
        %get3A_1015 = arith.constant 32 : index
        %get3A_1016 = tpu.vector_load %arg10[%get3A_1014, %get3A_1015] {strides = array<i32>} : memref<640x64xf32, #tpu.memory_space<vmem>>, vector<16xf32>,
        %mul3A_1017 = arith.mulf %get3A_1016, %gather3A_983 : vector<16xf32>
        %sub3A_1018 = arith.subf %mul3A_1017, %gather3A_993 : vector<16xf32>
        %mul3A_1019 = arith.mulf %sub3A_1018, %get3A_7 : vector<16xf32>
        %add3A_1020 = arith.addf %mul3A_1019, %get3A_15 : vector<16xf32>
        %swap3A_1021 = arith.index_cast %add3A_971 : i32 to index
        %swap3A_1022 = arith.constant 32 : index
        %swap3A_1023 = tpu.vector_load %arg10[%swap3A_1021, %swap3A_1022] {strides = array<i32>} : memref<640x64xf32, #tpu.memory_space<vmem>>, vector<16xf32>,
        tpu.vector_store %arg10[%swap3A_1021, %swap3A_1022], %add3A_1020 {strides = array<i32>} : memref<640x64xf32, #tpu.memory_space<vmem>>, vector<16xf32>,
        %get3A_1024 = arith.index_cast %add3A_971 : i32 to index
        %get3A_1025 = arith.constant 48 : index
        %get3A_1026 = tpu.vector_load %arg10[%get3A_1024, %get3A_1025] {strides = array<i32>} : memref<640x64xf32, #tpu.memory_space<vmem>>, vector<16xf32>,
        %mul3A_1027 = arith.mulf %get3A_1026, %gather3A_983 : vector<16xf32>
        %sub3A_1028 = arith.subf %mul3A_1027, %gather3A_993 : vector<16xf32>
        %mul3A_1029 = arith.mulf %sub3A_1028, %get3A_9 : vector<16xf32>
        %add3A_1030 = arith.addf %mul3A_1029, %get3A_17 : vector<16xf32>
        %swap3A_1031 = arith.index_cast %add3A_971 : i32 to index
        %swap3A_1032 = arith.constant 48 : index
        %swap3A_1033 = tpu.vector_load %arg10[%swap3A_1031, %swap3A_1032] {strides = array<i32>} : memref<640x64xf32, #tpu.memory_space<vmem>>, vector<16xf32>,
        tpu.vector_store %arg10[%swap3A_1031, %swap3A_1032], %add3A_1030 {strides = array<i32>} : memref<640x64xf32, #tpu.memory_space<vmem>>, vector<16xf32>,
        %add3A_1034 = arith.constant 5 : i32
        %add3A_1035 = arith.addi %mul3A_41, %add3A_1034 : i32
        %broadcast_in_dim3A_1036 = arith.constant 5 : i32
        %broadcast_in_dim3A_1037 = vector.broadcast %broadcast_in_dim3A_1036 : i32 to vector<16xi32>
        %lt3A_1038 = arith.constant 0 : i32
        %lt3A_1039 = vector.broadcast %lt3A_1038 : i32 to vector<16xi32>
        %lt3A_1040 = arith.cmpi slt, %broadcast_in_dim3A_1037, %lt3A_1039 : vector<16xi32>
        %add3A_1041 = arith.constant 16 : i32
        %add3A_1042 = vector.broadcast %add3A_1041 : i32 to vector<16xi32>
        %add3A_1043 = arith.addi %broadcast_in_dim3A_1037, %add3A_1042 : vector<16xi32>
        %select_n3A_1044 = arith.select %lt3A_1040, %add3A_1043, %broadcast_in_dim3A_1037 : vector<16xi1>, vector<16xi32>
        %broadcast_in_dim3A_1045 = vector.shape_cast %select_n3A_1044 : vector<16xi32> to vector<16x1xi32>
        %gather3A_1046 = vector.shape_cast %broadcast_in_dim3A_1045 : vector<16x1xi32> to vector<16xi32>
        %gather3A_1047 = tpu.dynamic_gather %mul3A_714[%gather3A_1046] in [0] : vector<16xf32>, vector<16xi32> -> vector<16xf32>
        %lt3A_1048 = arith.constant 0 : i32
        %lt3A_1049 = vector.broadcast %lt3A_1048 : i32 to vector<16xi32>
        %lt3A_1050 = arith.cmpi slt, %broadcast_in_dim3A_1037, %lt3A_1049 : vector<16xi32>
        %add3A_1051 = arith.constant 16 : i32
        %add3A_1052 = vector.broadcast %add3A_1051 : i32 to vector<16xi32>
        %add3A_1053 = arith.addi %broadcast_in_dim3A_1037, %add3A_1052 : vector<16xi32>
        %select_n3A_1054 = arith.select %lt3A_1050, %add3A_1053, %broadcast_in_dim3A_1037 : vector<16xi1>, vector<16xi32>
        %broadcast_in_dim3A_1055 = vector.shape_cast %select_n3A_1054 : vector<16xi32> to vector<16x1xi32>
        %gather3A_1056 = vector.shape_cast %broadcast_in_dim3A_1055 : vector<16x1xi32> to vector<16xi32>
        %gather3A_1057 = tpu.dynamic_gather %mul3A_716[%gather3A_1056] in [0] : vector<16xf32>, vector<16xi32> -> vector<16xf32>
        %get3A_1058 = arith.index_cast %add3A_1035 : i32 to index
        %get3A_1059 = arith.constant 0 : index
        %get3A_1060 = tpu.vector_load %arg10[%get3A_1058, %get3A_1059] {strides = array<i32>} : memref<640x64xf32, #tpu.memory_space<vmem>>, vector<16xf32>,
        %mul3A_1061 = arith.mulf %get3A_1060, %gather3A_1047 : vector<16xf32>
        %sub3A_1062 = arith.subf %mul3A_1061, %gather3A_1057 : vector<16xf32>
        %mul3A_1063 = arith.mulf %sub3A_1062, %get3A_3 : vector<16xf32>
        %add3A_1064 = arith.addf %mul3A_1063, %get3A_11 : vector<16xf32>
        %swap3A_1065 = arith.index_cast %add3A_1035 : i32 to index
        %swap3A_1066 = arith.constant 0 : index
        %swap3A_1067 = tpu.vector_load %arg10[%swap3A_1065, %swap3A_1066] {strides = array<i32>} : memref<640x64xf32, #tpu.memory_space<vmem>>, vector<16xf32>,
        tpu.vector_store %arg10[%swap3A_1065, %swap3A_1066], %add3A_1064 {strides = array<i32>} : memref<640x64xf32, #tpu.memory_space<vmem>>, vector<16xf32>,
        %get3A_1068 = arith.index_cast %add3A_1035 : i32 to index
        %get3A_1069 = arith.constant 16 : index
        %get3A_1070 = tpu.vector_load %arg10[%get3A_1068, %get3A_1069] {strides = array<i32>} : memref<640x64xf32, #tpu.memory_space<vmem>>, vector<16xf32>,
        %mul3A_1071 = arith.mulf %get3A_1070, %gather3A_1047 : vector<16xf32>
        %sub3A_1072 = arith.subf %mul3A_1071, %gather3A_1057 : vector<16xf32>
        %mul3A_1073 = arith.mulf %sub3A_1072, %get3A_5 : vector<16xf32>
        %add3A_1074 = arith.addf %mul3A_1073, %get3A_13 : vector<16xf32>
        %swap3A_1075 = arith.index_cast %add3A_1035 : i32 to index
        %swap3A_1076 = arith.constant 16 : index
        %swap3A_1077 = tpu.vector_load %arg10[%swap3A_1075, %swap3A_1076] {strides = array<i32>} : memref<640x64xf32, #tpu.memory_space<vmem>>, vector<16xf32>,
        tpu.vector_store %arg10[%swap3A_1075, %swap3A_1076], %add3A_1074 {strides = array<i32>} : memref<640x64xf32, #tpu.memory_space<vmem>>, vector<16xf32>,
        %get3A_1078 = arith.index_cast %add3A_1035 : i32 to index
        %get3A_1079 = arith.constant 32 : index
        %get3A_1080 = tpu.vector_load %arg10[%get3A_1078, %get3A_1079] {strides = array<i32>} : memref<640x64xf32, #tpu.memory_space<vmem>>, vector<16xf32>,
        %mul3A_1081 = arith.mulf %get3A_1080, %gather3A_1047 : vector<16xf32>
        %sub3A_1082 = arith.subf %mul3A_1081, %gather3A_1057 : vector<16xf32>
        %mul3A_1083 = arith.mulf %sub3A_1082, %get3A_7 : vector<16xf32>
        %add3A_1084 = arith.addf %mul3A_1083, %get3A_15 : vector<16xf32>
        %swap3A_1085 = arith.index_cast %add3A_1035 : i32 to index
        %swap3A_1086 = arith.constant 32 : index
        %swap3A_1087 = tpu.vector_load %arg10[%swap3A_1085, %swap3A_1086] {strides = array<i32>} : memref<640x64xf32, #tpu.memory_space<vmem>>, vector<16xf32>,
        tpu.vector_store %arg10[%swap3A_1085, %swap3A_1086], %add3A_1084 {strides = array<i32>} : memref<640x64xf32, #tpu.memory_space<vmem>>, vector<16xf32>,
        %get3A_1088 = arith.index_cast %add3A_1035 : i32 to index
        %get3A_1089 = arith.constant 48 : index
        %get3A_1090 = tpu.vector_load %arg10[%get3A_1088, %get3A_1089] {strides = array<i32>} : memref<640x64xf32, #tpu.memory_space<vmem>>, vector<16xf32>,
        %mul3A_1091 = arith.mulf %get3A_1090, %gather3A_1047 : vector<16xf32>
        %sub3A_1092 = arith.subf %mul3A_1091, %gather3A_1057 : vector<16xf32>
        %mul3A_1093 = arith.mulf %sub3A_1092, %get3A_9 : vector<16xf32>
        %add3A_1094 = arith.addf %mul3A_1093, %get3A_17 : vector<16xf32>
        %swap3A_1095 = arith.index_cast %add3A_1035 : i32 to index
        %swap3A_1096 = arith.constant 48 : index
        %swap3A_1097 = tpu.vector_load %arg10[%swap3A_1095, %swap3A_1096] {strides = array<i32>} : memref<640x64xf32, #tpu.memory_space<vmem>>, vector<16xf32>,
        tpu.vector_store %arg10[%swap3A_1095, %swap3A_1096], %add3A_1094 {strides = array<i32>} : memref<640x64xf32, #tpu.memory_space<vmem>>, vector<16xf32>,
        %add3A_1098 = arith.constant 6 : i32
        %add3A_1099 = arith.addi %mul3A_41, %add3A_1098 : i32
        %broadcast_in_dim3A_1100 = arith.constant 6 : i32
        %broadcast_in_dim3A_1101 = vector.broadcast %broadcast_in_dim3A_1100 : i32 to vector<16xi32>
        %lt3A_1102 = arith.constant 0 : i32
        %lt3A_1103 = vector.broadcast %lt3A_1102 : i32 to vector<16xi32>
        %lt3A_1104 = arith.cmpi slt, %broadcast_in_dim3A_1101, %lt3A_1103 : vector<16xi32>
        %add3A_1105 = arith.constant 16 : i32
        %add3A_1106 = vector.broadcast %add3A_1105 : i32 to vector<16xi32>
        %add3A_1107 = arith.addi %broadcast_in_dim3A_1101, %add3A_1106 : vector<16xi32>
        %select_n3A_1108 = arith.select %lt3A_1104, %add3A_1107, %broadcast_in_dim3A_1101 : vector<16xi1>, vector<16xi32>
        %broadcast_in_dim3A_1109 = vector.shape_cast %select_n3A_1108 : vector<16xi32> to vector<16x1xi32>
        %gather3A_1110 = vector.shape_cast %broadcast_in_dim3A_1109 : vector<16x1xi32> to vector<16xi32>
        %gather3A_1111 = tpu.dynamic_gather %mul3A_714[%gather3A_1110] in [0] : vector<16xf32>, vector<16xi32> -> vector<16xf32>
        %lt3A_1112 = arith.constant 0 : i32
        %lt3A_1113 = vector.broadcast %lt3A_1112 : i32 to vector<16xi32>
        %lt3A_1114 = arith.cmpi slt, %broadcast_in_dim3A_1101, %lt3A_1113 : vector<16xi32>
        %add3A_1115 = arith.constant 16 : i32
        %add3A_1116 = vector.broadcast %add3A_1115 : i32 to vector<16xi32>
        %add3A_1117 = arith.addi %broadcast_in_dim3A_1101, %add3A_1116 : vector<16xi32>
        %select_n3A_1118 = arith.select %lt3A_1114, %add3A_1117, %broadcast_in_dim3A_1101 : vector<16xi1>, vector<16xi32>
        %broadcast_in_dim3A_1119 = vector.shape_cast %select_n3A_1118 : vector<16xi32> to vector<16x1xi32>
        %gather3A_1120 = vector.shape_cast %broadcast_in_dim3A_1119 : vector<16x1xi32> to vector<16xi32>
        %gather3A_1121 = tpu.dynamic_gather %mul3A_716[%gather3A_1120] in [0] : vector<16xf32>, vector<16xi32> -> vector<16xf32>
        %get3A_1122 = arith.index_cast %add3A_1099 : i32 to index
        %get3A_1123 = arith.constant 0 : index
        %get3A_1124 = tpu.vector_load %arg10[%get3A_1122, %get3A_1123] {strides = array<i32>} : memref<640x64xf32, #tpu.memory_space<vmem>>, vector<16xf32>,
        %mul3A_1125 = arith.mulf %get3A_1124, %gather3A_1111 : vector<16xf32>
        %sub3A_1126 = arith.subf %mul3A_1125, %gather3A_1121 : vector<16xf32>
        %mul3A_1127 = arith.mulf %sub3A_1126, %get3A_3 : vector<16xf32>
        %add3A_1128 = arith.addf %mul3A_1127, %get3A_11 : vector<16xf32>
        %swap3A_1129 = arith.index_cast %add3A_1099 : i32 to index
        %swap3A_1130 = arith.constant 0 : index
        %swap3A_1131 = tpu.vector_load %arg10[%swap3A_1129, %swap3A_1130] {strides = array<i32>} : memref<640x64xf32, #tpu.memory_space<vmem>>, vector<16xf32>,
        tpu.vector_store %arg10[%swap3A_1129, %swap3A_1130], %add3A_1128 {strides = array<i32>} : memref<640x64xf32, #tpu.memory_space<vmem>>, vector<16xf32>,
        %get3A_1132 = arith.index_cast %add3A_1099 : i32 to index
        %get3A_1133 = arith.constant 16 : index
        %get3A_1134 = tpu.vector_load %arg10[%get3A_1132, %get3A_1133] {strides = array<i32>} : memref<640x64xf32, #tpu.memory_space<vmem>>, vector<16xf32>,
        %mul3A_1135 = arith.mulf %get3A_1134, %gather3A_1111 : vector<16xf32>
        %sub3A_1136 = arith.subf %mul3A_1135, %gather3A_1121 : vector<16xf32>
        %mul3A_1137 = arith.mulf %sub3A_1136, %get3A_5 : vector<16xf32>
        %add3A_1138 = arith.addf %mul3A_1137, %get3A_13 : vector<16xf32>
        %swap3A_1139 = arith.index_cast %add3A_1099 : i32 to index
        %swap3A_1140 = arith.constant 16 : index
        %swap3A_1141 = tpu.vector_load %arg10[%swap3A_1139, %swap3A_1140] {strides = array<i32>} : memref<640x64xf32, #tpu.memory_space<vmem>>, vector<16xf32>,
        tpu.vector_store %arg10[%swap3A_1139, %swap3A_1140], %add3A_1138 {strides = array<i32>} : memref<640x64xf32, #tpu.memory_space<vmem>>, vector<16xf32>,
        %get3A_1142 = arith.index_cast %add3A_1099 : i32 to index
        %get3A_1143 = arith.constant 32 : index
        %get3A_1144 = tpu.vector_load %arg10[%get3A_1142, %get3A_1143] {strides = array<i32>} : memref<640x64xf32, #tpu.memory_space<vmem>>, vector<16xf32>,
        %mul3A_1145 = arith.mulf %get3A_1144, %gather3A_1111 : vector<16xf32>
        %sub3A_1146 = arith.subf %mul3A_1145, %gather3A_1121 : vector<16xf32>
        %mul3A_1147 = arith.mulf %sub3A_1146, %get3A_7 : vector<16xf32>
        %add3A_1148 = arith.addf %mul3A_1147, %get3A_15 : vector<16xf32>
        %swap3A_1149 = arith.index_cast %add3A_1099 : i32 to index
        %swap3A_1150 = arith.constant 32 : index
        %swap3A_1151 = tpu.vector_load %arg10[%swap3A_1149, %swap3A_1150] {strides = array<i32>} : memref<640x64xf32, #tpu.memory_space<vmem>>, vector<16xf32>,
        tpu.vector_store %arg10[%swap3A_1149, %swap3A_1150], %add3A_1148 {strides = array<i32>} : memref<640x64xf32, #tpu.memory_space<vmem>>, vector<16xf32>,
        %get3A_1152 = arith.index_cast %add3A_1099 : i32 to index
        %get3A_1153 = arith.constant 48 : index
        %get3A_1154 = tpu.vector_load %arg10[%get3A_1152, %get3A_1153] {strides = array<i32>} : memref<640x64xf32, #tpu.memory_space<vmem>>, vector<16xf32>,
        %mul3A_1155 = arith.mulf %get3A_1154, %gather3A_1111 : vector<16xf32>
        %sub3A_1156 = arith.subf %mul3A_1155, %gather3A_1121 : vector<16xf32>
        %mul3A_1157 = arith.mulf %sub3A_1156, %get3A_9 : vector<16xf32>
        %add3A_1158 = arith.addf %mul3A_1157, %get3A_17 : vector<16xf32>
        %swap3A_1159 = arith.index_cast %add3A_1099 : i32 to index
        %swap3A_1160 = arith.constant 48 : index
        %swap3A_1161 = tpu.vector_load %arg10[%swap3A_1159, %swap3A_1160] {strides = array<i32>} : memref<640x64xf32, #tpu.memory_space<vmem>>, vector<16xf32>,
        tpu.vector_store %arg10[%swap3A_1159, %swap3A_1160], %add3A_1158 {strides = array<i32>} : memref<640x64xf32, #tpu.memory_space<vmem>>, vector<16xf32>,
        %add3A_1162 = arith.constant 7 : i32
        %add3A_1163 = arith.addi %mul3A_41, %add3A_1162 : i32
        %broadcast_in_dim3A_1164 = arith.constant 7 : i32
        %broadcast_in_dim3A_1165 = vector.broadcast %broadcast_in_dim3A_1164 : i32 to vector<16xi32>
        %lt3A_1166 = arith.constant 0 : i32
        %lt3A_1167 = vector.broadcast %lt3A_1166 : i32 to vector<16xi32>
        %lt3A_1168 = arith.cmpi slt, %broadcast_in_dim3A_1165, %lt3A_1167 : vector<16xi32>
        %add3A_1169 = arith.constant 16 : i32
        %add3A_1170 = vector.broadcast %add3A_1169 : i32 to vector<16xi32>
        %add3A_1171 = arith.addi %broadcast_in_dim3A_1165, %add3A_1170 : vector<16xi32>
        %select_n3A_1172 = arith.select %lt3A_1168, %add3A_1171, %broadcast_in_dim3A_1165 : vector<16xi1>, vector<16xi32>
        %broadcast_in_dim3A_1173 = vector.shape_cast %select_n3A_1172 : vector<16xi32> to vector<16x1xi32>
        %gather3A_1174 = vector.shape_cast %broadcast_in_dim3A_1173 : vector<16x1xi32> to vector<16xi32>
        %gather3A_1175 = tpu.dynamic_gather %mul3A_714[%gather3A_1174] in [0] : vector<16xf32>, vector<16xi32> -> vector<16xf32>
        %lt3A_1176 = arith.constant 0 : i32
        %lt3A_1177 = vector.broadcast %lt3A_1176 : i32 to vector<16xi32>
        %lt3A_1178 = arith.cmpi slt, %broadcast_in_dim3A_1165, %lt3A_1177 : vector<16xi32>
        %add3A_1179 = arith.constant 16 : i32
        %add3A_1180 = vector.broadcast %add3A_1179 : i32 to vector<16xi32>
        %add3A_1181 = arith.addi %broadcast_in_dim3A_1165, %add3A_1180 : vector<16xi32>
        %select_n3A_1182 = arith.select %lt3A_1178, %add3A_1181, %broadcast_in_dim3A_1165 : vector<16xi1>, vector<16xi32>
        %broadcast_in_dim3A_1183 = vector.shape_cast %select_n3A_1182 : vector<16xi32> to vector<16x1xi32>
        %gather3A_1184 = vector.shape_cast %broadcast_in_dim3A_1183 : vector<16x1xi32> to vector<16xi32>
        %gather3A_1185 = tpu.dynamic_gather %mul3A_716[%gather3A_1184] in [0] : vector<16xf32>, vector<16xi32> -> vector<16xf32>
        %get3A_1186 = arith.index_cast %add3A_1163 : i32 to index
        %get3A_1187 = arith.constant 0 : index
        %get3A_1188 = tpu.vector_load %arg10[%get3A_1186, %get3A_1187] {strides = array<i32>} : memref<640x64xf32, #tpu.memory_space<vmem>>, vector<16xf32>,
        %mul3A_1189 = arith.mulf %get3A_1188, %gather3A_1175 : vector<16xf32>
        %sub3A_1190 = arith.subf %mul3A_1189, %gather3A_1185 : vector<16xf32>
        %mul3A_1191 = arith.mulf %sub3A_1190, %get3A_3 : vector<16xf32>
        %add3A_1192 = arith.addf %mul3A_1191, %get3A_11 : vector<16xf32>
        %swap3A_1193 = arith.index_cast %add3A_1163 : i32 to index
        %swap3A_1194 = arith.constant 0 : index
        %swap3A_1195 = tpu.vector_load %arg10[%swap3A_1193, %swap3A_1194] {strides = array<i32>} : memref<640x64xf32, #tpu.memory_space<vmem>>, vector<16xf32>,
        tpu.vector_store %arg10[%swap3A_1193, %swap3A_1194], %add3A_1192 {strides = array<i32>} : memref<640x64xf32, #tpu.memory_space<vmem>>, vector<16xf32>,
        %get3A_1196 = arith.index_cast %add3A_1163 : i32 to index
        %get3A_1197 = arith.constant 16 : index
        %get3A_1198 = tpu.vector_load %arg10[%get3A_1196, %get3A_1197] {strides = array<i32>} : memref<640x64xf32, #tpu.memory_space<vmem>>, vector<16xf32>,
        %mul3A_1199 = arith.mulf %get3A_1198, %gather3A_1175 : vector<16xf32>
        %sub3A_1200 = arith.subf %mul3A_1199, %gather3A_1185 : vector<16xf32>
        %mul3A_1201 = arith.mulf %sub3A_1200, %get3A_5 : vector<16xf32>
        %add3A_1202 = arith.addf %mul3A_1201, %get3A_13 : vector<16xf32>
        %swap3A_1203 = arith.index_cast %add3A_1163 : i32 to index
        %swap3A_1204 = arith.constant 16 : index
        %swap3A_1205 = tpu.vector_load %arg10[%swap3A_1203, %swap3A_1204] {strides = array<i32>} : memref<640x64xf32, #tpu.memory_space<vmem>>, vector<16xf32>,
        tpu.vector_store %arg10[%swap3A_1203, %swap3A_1204], %add3A_1202 {strides = array<i32>} : memref<640x64xf32, #tpu.memory_space<vmem>>, vector<16xf32>,
        %get3A_1206 = arith.index_cast %add3A_1163 : i32 to index
        %get3A_1207 = arith.constant 32 : index
        %get3A_1208 = tpu.vector_load %arg10[%get3A_1206, %get3A_1207] {strides = array<i32>} : memref<640x64xf32, #tpu.memory_space<vmem>>, vector<16xf32>,
        %mul3A_1209 = arith.mulf %get3A_1208, %gather3A_1175 : vector<16xf32>
        %sub3A_1210 = arith.subf %mul3A_1209, %gather3A_1185 : vector<16xf32>
        %mul3A_1211 = arith.mulf %sub3A_1210, %get3A_7 : vector<16xf32>
        %add3A_1212 = arith.addf %mul3A_1211, %get3A_15 : vector<16xf32>
        %swap3A_1213 = arith.index_cast %add3A_1163 : i32 to index
        %swap3A_1214 = arith.constant 32 : index
        %swap3A_1215 = tpu.vector_load %arg10[%swap3A_1213, %swap3A_1214] {strides = array<i32>} : memref<640x64xf32, #tpu.memory_space<vmem>>, vector<16xf32>,
        tpu.vector_store %arg10[%swap3A_1213, %swap3A_1214], %add3A_1212 {strides = array<i32>} : memref<640x64xf32, #tpu.memory_space<vmem>>, vector<16xf32>,
        %get3A_1216 = arith.index_cast %add3A_1163 : i32 to index
        %get3A_1217 = arith.constant 48 : index
        %get3A_1218 = tpu.vector_load %arg10[%get3A_1216, %get3A_1217] {strides = array<i32>} : memref<640x64xf32, #tpu.memory_space<vmem>>, vector<16xf32>,
        %mul3A_1219 = arith.mulf %get3A_1218, %gather3A_1175 : vector<16xf32>
        %sub3A_1220 = arith.subf %mul3A_1219, %gather3A_1185 : vector<16xf32>
        %mul3A_1221 = arith.mulf %sub3A_1220, %get3A_9 : vector<16xf32>
        %add3A_1222 = arith.addf %mul3A_1221, %get3A_17 : vector<16xf32>
        %swap3A_1223 = arith.index_cast %add3A_1163 : i32 to index
        %swap3A_1224 = arith.constant 48 : index
        %swap3A_1225 = tpu.vector_load %arg10[%swap3A_1223, %swap3A_1224] {strides = array<i32>} : memref<640x64xf32, #tpu.memory_space<vmem>>, vector<16xf32>,
        tpu.vector_store %arg10[%swap3A_1223, %swap3A_1224], %add3A_1222 {strides = array<i32>} : memref<640x64xf32, #tpu.memory_space<vmem>>, vector<16xf32>,
        %add3A_1226 = arith.constant 8 : i32
        %add3A_1227 = arith.addi %mul3A_41, %add3A_1226 : i32
        %broadcast_in_dim3A_1228 = arith.constant 8 : i32
        %broadcast_in_dim3A_1229 = vector.broadcast %broadcast_in_dim3A_1228 : i32 to vector<16xi32>
        %lt3A_1230 = arith.constant 0 : i32
        %lt3A_1231 = vector.broadcast %lt3A_1230 : i32 to vector<16xi32>
        %lt3A_1232 = arith.cmpi slt, %broadcast_in_dim3A_1229, %lt3A_1231 : vector<16xi32>
        %add3A_1233 = arith.constant 16 : i32
        %add3A_1234 = vector.broadcast %add3A_1233 : i32 to vector<16xi32>
        %add3A_1235 = arith.addi %broadcast_in_dim3A_1229, %add3A_1234 : vector<16xi32>
        %select_n3A_1236 = arith.select %lt3A_1232, %add3A_1235, %broadcast_in_dim3A_1229 : vector<16xi1>, vector<16xi32>
        %broadcast_in_dim3A_1237 = vector.shape_cast %select_n3A_1236 : vector<16xi32> to vector<16x1xi32>
        %gather3A_1238 = vector.shape_cast %broadcast_in_dim3A_1237 : vector<16x1xi32> to vector<16xi32>
        %gather3A_1239 = tpu.dynamic_gather %mul3A_714[%gather3A_1238] in [0] : vector<16xf32>, vector<16xi32> -> vector<16xf32>
        %lt3A_1240 = arith.constant 0 : i32
        %lt3A_1241 = vector.broadcast %lt3A_1240 : i32 to vector<16xi32>
        %lt3A_1242 = arith.cmpi slt, %broadcast_in_dim3A_1229, %lt3A_1241 : vector<16xi32>
        %add3A_1243 = arith.constant 16 : i32
        %add3A_1244 = vector.broadcast %add3A_1243 : i32 to vector<16xi32>
        %add3A_1245 = arith.addi %broadcast_in_dim3A_1229, %add3A_1244 : vector<16xi32>
        %select_n3A_1246 = arith.select %lt3A_1242, %add3A_1245, %broadcast_in_dim3A_1229 : vector<16xi1>, vector<16xi32>
        %broadcast_in_dim3A_1247 = vector.shape_cast %select_n3A_1246 : vector<16xi32> to vector<16x1xi32>
        %gather3A_1248 = vector.shape_cast %broadcast_in_dim3A_1247 : vector<16x1xi32> to vector<16xi32>
        %gather3A_1249 = tpu.dynamic_gather %mul3A_716[%gather3A_1248] in [0] : vector<16xf32>, vector<16xi32> -> vector<16xf32>
        %get3A_1250 = arith.index_cast %add3A_1227 : i32 to index
        %get3A_1251 = arith.constant 0 : index
        %get3A_1252 = tpu.vector_load %arg10[%get3A_1250, %get3A_1251] {strides = array<i32>} : memref<640x64xf32, #tpu.memory_space<vmem>>, vector<16xf32>,
        %mul3A_1253 = arith.mulf %get3A_1252, %gather3A_1239 : vector<16xf32>
        %sub3A_1254 = arith.subf %mul3A_1253, %gather3A_1249 : vector<16xf32>
        %mul3A_1255 = arith.mulf %sub3A_1254, %get3A_3 : vector<16xf32>
        %add3A_1256 = arith.addf %mul3A_1255, %get3A_11 : vector<16xf32>
        %swap3A_1257 = arith.index_cast %add3A_1227 : i32 to index
        %swap3A_1258 = arith.constant 0 : index
        %swap3A_1259 = tpu.vector_load %arg10[%swap3A_1257, %swap3A_1258] {strides = array<i32>} : memref<640x64xf32, #tpu.memory_space<vmem>>, vector<16xf32>,
        tpu.vector_store %arg10[%swap3A_1257, %swap3A_1258], %add3A_1256 {strides = array<i32>} : memref<640x64xf32, #tpu.memory_space<vmem>>, vector<16xf32>,
        %get3A_1260 = arith.index_cast %add3A_1227 : i32 to index
        %get3A_1261 = arith.constant 16 : index
        %get3A_1262 = tpu.vector_load %arg10[%get3A_1260, %get3A_1261] {strides = array<i32>} : memref<640x64xf32, #tpu.memory_space<vmem>>, vector<16xf32>,
        %mul3A_1263 = arith.mulf %get3A_1262, %gather3A_1239 : vector<16xf32>
        %sub3A_1264 = arith.subf %mul3A_1263, %gather3A_1249 : vector<16xf32>
        %mul3A_1265 = arith.mulf %sub3A_1264, %get3A_5 : vector<16xf32>
        %add3A_1266 = arith.addf %mul3A_1265, %get3A_13 : vector<16xf32>
        %swap3A_1267 = arith.index_cast %add3A_1227 : i32 to index
        %swap3A_1268 = arith.constant 16 : index
        %swap3A_1269 = tpu.vector_load %arg10[%swap3A_1267, %swap3A_1268] {strides = array<i32>} : memref<640x64xf32, #tpu.memory_space<vmem>>, vector<16xf32>,
        tpu.vector_store %arg10[%swap3A_1267, %swap3A_1268], %add3A_1266 {strides = array<i32>} : memref<640x64xf32, #tpu.memory_space<vmem>>, vector<16xf32>,
        %get3A_1270 = arith.index_cast %add3A_1227 : i32 to index
        %get3A_1271 = arith.constant 32 : index
        %get3A_1272 = tpu.vector_load %arg10[%get3A_1270, %get3A_1271] {strides = array<i32>} : memref<640x64xf32, #tpu.memory_space<vmem>>, vector<16xf32>,
        %mul3A_1273 = arith.mulf %get3A_1272, %gather3A_1239 : vector<16xf32>
        %sub3A_1274 = arith.subf %mul3A_1273, %gather3A_1249 : vector<16xf32>
        %mul3A_1275 = arith.mulf %sub3A_1274, %get3A_7 : vector<16xf32>
        %add3A_1276 = arith.addf %mul3A_1275, %get3A_15 : vector<16xf32>
        %swap3A_1277 = arith.index_cast %add3A_1227 : i32 to index
        %swap3A_1278 = arith.constant 32 : index
        %swap3A_1279 = tpu.vector_load %arg10[%swap3A_1277, %swap3A_1278] {strides = array<i32>} : memref<640x64xf32, #tpu.memory_space<vmem>>, vector<16xf32>,
        tpu.vector_store %arg10[%swap3A_1277, %swap3A_1278], %add3A_1276 {strides = array<i32>} : memref<640x64xf32, #tpu.memory_space<vmem>>, vector<16xf32>,
        %get3A_1280 = arith.index_cast %add3A_1227 : i32 to index
        %get3A_1281 = arith.constant 48 : index
        %get3A_1282 = tpu.vector_load %arg10[%get3A_1280, %get3A_1281] {strides = array<i32>} : memref<640x64xf32, #tpu.memory_space<vmem>>, vector<16xf32>,
        %mul3A_1283 = arith.mulf %get3A_1282, %gather3A_1239 : vector<16xf32>
        %sub3A_1284 = arith.subf %mul3A_1283, %gather3A_1249 : vector<16xf32>
        %mul3A_1285 = arith.mulf %sub3A_1284, %get3A_9 : vector<16xf32>
        %add3A_1286 = arith.addf %mul3A_1285, %get3A_17 : vector<16xf32>
        %swap3A_1287 = arith.index_cast %add3A_1227 : i32 to index
        %swap3A_1288 = arith.constant 48 : index
        %swap3A_1289 = tpu.vector_load %arg10[%swap3A_1287, %swap3A_1288] {strides = array<i32>} : memref<640x64xf32, #tpu.memory_space<vmem>>, vector<16xf32>,
        tpu.vector_store %arg10[%swap3A_1287, %swap3A_1288], %add3A_1286 {strides = array<i32>} : memref<640x64xf32, #tpu.memory_space<vmem>>, vector<16xf32>,
        %add3A_1290 = arith.constant 9 : i32
        %add3A_1291 = arith.addi %mul3A_41, %add3A_1290 : i32
        %broadcast_in_dim3A_1292 = arith.constant 9 : i32
        %broadcast_in_dim3A_1293 = vector.broadcast %broadcast_in_dim3A_1292 : i32 to vector<16xi32>
        %lt3A_1294 = arith.constant 0 : i32
        %lt3A_1295 = vector.broadcast %lt3A_1294 : i32 to vector<16xi32>
        %lt3A_1296 = arith.cmpi slt, %broadcast_in_dim3A_1293, %lt3A_1295 : vector<16xi32>
        %add3A_1297 = arith.constant 16 : i32
        %add3A_1298 = vector.broadcast %add3A_1297 : i32 to vector<16xi32>
        %add3A_1299 = arith.addi %broadcast_in_dim3A_1293, %add3A_1298 : vector<16xi32>
        %select_n3A_1300 = arith.select %lt3A_1296, %add3A_1299, %broadcast_in_dim3A_1293 : vector<16xi1>, vector<16xi32>
        %broadcast_in_dim3A_1301 = vector.shape_cast %select_n3A_1300 : vector<16xi32> to vector<16x1xi32>
        %gather3A_1302 = vector.shape_cast %broadcast_in_dim3A_1301 : vector<16x1xi32> to vector<16xi32>
        %gather3A_1303 = tpu.dynamic_gather %mul3A_714[%gather3A_1302] in [0] : vector<16xf32>, vector<16xi32> -> vector<16xf32>
        %lt3A_1304 = arith.constant 0 : i32
        %lt3A_1305 = vector.broadcast %lt3A_1304 : i32 to vector<16xi32>
        %lt3A_1306 = arith.cmpi slt, %broadcast_in_dim3A_1293, %lt3A_1305 : vector<16xi32>
        %add3A_1307 = arith.constant 16 : i32
        %add3A_1308 = vector.broadcast %add3A_1307 : i32 to vector<16xi32>
        %add3A_1309 = arith.addi %broadcast_in_dim3A_1293, %add3A_1308 : vector<16xi32>
        %select_n3A_1310 = arith.select %lt3A_1306, %add3A_1309, %broadcast_in_dim3A_1293 : vector<16xi1>, vector<16xi32>
        %broadcast_in_dim3A_1311 = vector.shape_cast %select_n3A_1310 : vector<16xi32> to vector<16x1xi32>
        %gather3A_1312 = vector.shape_cast %broadcast_in_dim3A_1311 : vector<16x1xi32> to vector<16xi32>
        %gather3A_1313 = tpu.dynamic_gather %mul3A_716[%gather3A_1312] in [0] : vector<16xf32>, vector<16xi32> -> vector<16xf32>
        %get3A_1314 = arith.index_cast %add3A_1291 : i32 to index
        %get3A_1315 = arith.constant 0 : index
        %get3A_1316 = tpu.vector_load %arg10[%get3A_1314, %get3A_1315] {strides = array<i32>} : memref<640x64xf32, #tpu.memory_space<vmem>>, vector<16xf32>,
        %mul3A_1317 = arith.mulf %get3A_1316, %gather3A_1303 : vector<16xf32>
        %sub3A_1318 = arith.subf %mul3A_1317, %gather3A_1313 : vector<16xf32>
        %mul3A_1319 = arith.mulf %sub3A_1318, %get3A_3 : vector<16xf32>
        %add3A_1320 = arith.addf %mul3A_1319, %get3A_11 : vector<16xf32>
        %swap3A_1321 = arith.index_cast %add3A_1291 : i32 to index
        %swap3A_1322 = arith.constant 0 : index
        %swap3A_1323 = tpu.vector_load %arg10[%swap3A_1321, %swap3A_1322] {strides = array<i32>} : memref<640x64xf32, #tpu.memory_space<vmem>>, vector<16xf32>,
        tpu.vector_store %arg10[%swap3A_1321, %swap3A_1322], %add3A_1320 {strides = array<i32>} : memref<640x64xf32, #tpu.memory_space<vmem>>, vector<16xf32>,
        %get3A_1324 = arith.index_cast %add3A_1291 : i32 to index
        %get3A_1325 = arith.constant 16 : index
        %get3A_1326 = tpu.vector_load %arg10[%get3A_1324, %get3A_1325] {strides = array<i32>} : memref<640x64xf32, #tpu.memory_space<vmem>>, vector<16xf32>,
        %mul3A_1327 = arith.mulf %get3A_1326, %gather3A_1303 : vector<16xf32>
        %sub3A_1328 = arith.subf %mul3A_1327, %gather3A_1313 : vector<16xf32>
        %mul3A_1329 = arith.mulf %sub3A_1328, %get3A_5 : vector<16xf32>
        %add3A_1330 = arith.addf %mul3A_1329, %get3A_13 : vector<16xf32>
        %swap3A_1331 = arith.index_cast %add3A_1291 : i32 to index
        %swap3A_1332 = arith.constant 16 : index
        %swap3A_1333 = tpu.vector_load %arg10[%swap3A_1331, %swap3A_1332] {strides = array<i32>} : memref<640x64xf32, #tpu.memory_space<vmem>>, vector<16xf32>,
        tpu.vector_store %arg10[%swap3A_1331, %swap3A_1332], %add3A_1330 {strides = array<i32>} : memref<640x64xf32, #tpu.memory_space<vmem>>, vector<16xf32>,
        %get3A_1334 = arith.index_cast %add3A_1291 : i32 to index
        %get3A_1335 = arith.constant 32 : index
        %get3A_1336 = tpu.vector_load %arg10[%get3A_1334, %get3A_1335] {strides = array<i32>} : memref<640x64xf32, #tpu.memory_space<vmem>>, vector<16xf32>,
        %mul3A_1337 = arith.mulf %get3A_1336, %gather3A_1303 : vector<16xf32>
        %sub3A_1338 = arith.subf %mul3A_1337, %gather3A_1313 : vector<16xf32>
        %mul3A_1339 = arith.mulf %sub3A_1338, %get3A_7 : vector<16xf32>
        %add3A_1340 = arith.addf %mul3A_1339, %get3A_15 : vector<16xf32>
        %swap3A_1341 = arith.index_cast %add3A_1291 : i32 to index
        %swap3A_1342 = arith.constant 32 : index
        %swap3A_1343 = tpu.vector_load %arg10[%swap3A_1341, %swap3A_1342] {strides = array<i32>} : memref<640x64xf32, #tpu.memory_space<vmem>>, vector<16xf32>,
        tpu.vector_store %arg10[%swap3A_1341, %swap3A_1342], %add3A_1340 {strides = array<i32>} : memref<640x64xf32, #tpu.memory_space<vmem>>, vector<16xf32>,
        %get3A_1344 = arith.index_cast %add3A_1291 : i32 to index
        %get3A_1345 = arith.constant 48 : index
        %get3A_1346 = tpu.vector_load %arg10[%get3A_1344, %get3A_1345] {strides = array<i32>} : memref<640x64xf32, #tpu.memory_space<vmem>>, vector<16xf32>,
        %mul3A_1347 = arith.mulf %get3A_1346, %gather3A_1303 : vector<16xf32>
        %sub3A_1348 = arith.subf %mul3A_1347, %gather3A_1313 : vector<16xf32>
        %mul3A_1349 = arith.mulf %sub3A_1348, %get3A_9 : vector<16xf32>
        %add3A_1350 = arith.addf %mul3A_1349, %get3A_17 : vector<16xf32>
        %swap3A_1351 = arith.index_cast %add3A_1291 : i32 to index
        %swap3A_1352 = arith.constant 48 : index
        %swap3A_1353 = tpu.vector_load %arg10[%swap3A_1351, %swap3A_1352] {strides = array<i32>} : memref<640x64xf32, #tpu.memory_space<vmem>>, vector<16xf32>,
        tpu.vector_store %arg10[%swap3A_1351, %swap3A_1352], %add3A_1350 {strides = array<i32>} : memref<640x64xf32, #tpu.memory_space<vmem>>, vector<16xf32>,
        %add3A_1354 = arith.constant 10 : i32
        %add3A_1355 = arith.addi %mul3A_41, %add3A_1354 : i32
        %broadcast_in_dim3A_1356 = arith.constant 10 : i32
        %broadcast_in_dim3A_1357 = vector.broadcast %broadcast_in_dim3A_1356 : i32 to vector<16xi32>
        %lt3A_1358 = arith.constant 0 : i32
        %lt3A_1359 = vector.broadcast %lt3A_1358 : i32 to vector<16xi32>
        %lt3A_1360 = arith.cmpi slt, %broadcast_in_dim3A_1357, %lt3A_1359 : vector<16xi32>
        %add3A_1361 = arith.constant 16 : i32
        %add3A_1362 = vector.broadcast %add3A_1361 : i32 to vector<16xi32>
        %add3A_1363 = arith.addi %broadcast_in_dim3A_1357, %add3A_1362 : vector<16xi32>
        %select_n3A_1364 = arith.select %lt3A_1360, %add3A_1363, %broadcast_in_dim3A_1357 : vector<16xi1>, vector<16xi32>
        %broadcast_in_dim3A_1365 = vector.shape_cast %select_n3A_1364 : vector<16xi32> to vector<16x1xi32>
        %gather3A_1366 = vector.shape_cast %broadcast_in_dim3A_1365 : vector<16x1xi32> to vector<16xi32>
        %gather3A_1367 = tpu.dynamic_gather %mul3A_714[%gather3A_1366] in [0] : vector<16xf32>, vector<16xi32> -> vector<16xf32>
        %lt3A_1368 = arith.constant 0 : i32
        %lt3A_1369 = vector.broadcast %lt3A_1368 : i32 to vector<16xi32>
        %lt3A_1370 = arith.cmpi slt, %broadcast_in_dim3A_1357, %lt3A_1369 : vector<16xi32>
        %add3A_1371 = arith.constant 16 : i32
        %add3A_1372 = vector.broadcast %add3A_1371 : i32 to vector<16xi32>
        %add3A_1373 = arith.addi %broadcast_in_dim3A_1357, %add3A_1372 : vector<16xi32>
        %select_n3A_1374 = arith.select %lt3A_1370, %add3A_1373, %broadcast_in_dim3A_1357 : vector<16xi1>, vector<16xi32>
        %broadcast_in_dim3A_1375 = vector.shape_cast %select_n3A_1374 : vector<16xi32> to vector<16x1xi32>
        %gather3A_1376 = vector.shape_cast %broadcast_in_dim3A_1375 : vector<16x1xi32> to vector<16xi32>
        %gather3A_1377 = tpu.dynamic_gather %mul3A_716[%gather3A_1376] in [0] : vector<16xf32>, vector<16xi32> -> vector<16xf32>
        %get3A_1378 = arith.index_cast %add3A_1355 : i32 to index
        %get3A_1379 = arith.constant 0 : index
        %get3A_1380 = tpu.vector_load %arg10[%get3A_1378, %get3A_1379] {strides = array<i32>} : memref<640x64xf32, #tpu.memory_space<vmem>>, vector<16xf32>,
        %mul3A_1381 = arith.mulf %get3A_1380, %gather3A_1367 : vector<16xf32>
        %sub3A_1382 = arith.subf %mul3A_1381, %gather3A_1377 : vector<16xf32>
        %mul3A_1383 = arith.mulf %sub3A_1382, %get3A_3 : vector<16xf32>
        %add3A_1384 = arith.addf %mul3A_1383, %get3A_11 : vector<16xf32>
        %swap3A_1385 = arith.index_cast %add3A_1355 : i32 to index
        %swap3A_1386 = arith.constant 0 : index
        %swap3A_1387 = tpu.vector_load %arg10[%swap3A_1385, %swap3A_1386] {strides = array<i32>} : memref<640x64xf32, #tpu.memory_space<vmem>>, vector<16xf32>,
        tpu.vector_store %arg10[%swap3A_1385, %swap3A_1386], %add3A_1384 {strides = array<i32>} : memref<640x64xf32, #tpu.memory_space<vmem>>, vector<16xf32>,
        %get3A_1388 = arith.index_cast %add3A_1355 : i32 to index
        %get3A_1389 = arith.constant 16 : index
        %get3A_1390 = tpu.vector_load %arg10[%get3A_1388, %get3A_1389] {strides = array<i32>} : memref<640x64xf32, #tpu.memory_space<vmem>>, vector<16xf32>,
        %mul3A_1391 = arith.mulf %get3A_1390, %gather3A_1367 : vector<16xf32>
        %sub3A_1392 = arith.subf %mul3A_1391, %gather3A_1377 : vector<16xf32>
        %mul3A_1393 = arith.mulf %sub3A_1392, %get3A_5 : vector<16xf32>
        %add3A_1394 = arith.addf %mul3A_1393, %get3A_13 : vector<16xf32>
        %swap3A_1395 = arith.index_cast %add3A_1355 : i32 to index
        %swap3A_1396 = arith.constant 16 : index
        %swap3A_1397 = tpu.vector_load %arg10[%swap3A_1395, %swap3A_1396] {strides = array<i32>} : memref<640x64xf32, #tpu.memory_space<vmem>>, vector<16xf32>,
        tpu.vector_store %arg10[%swap3A_1395, %swap3A_1396], %add3A_1394 {strides = array<i32>} : memref<640x64xf32, #tpu.memory_space<vmem>>, vector<16xf32>,
        %get3A_1398 = arith.index_cast %add3A_1355 : i32 to index
        %get3A_1399 = arith.constant 32 : index
        %get3A_1400 = tpu.vector_load %arg10[%get3A_1398, %get3A_1399] {strides = array<i32>} : memref<640x64xf32, #tpu.memory_space<vmem>>, vector<16xf32>,
        %mul3A_1401 = arith.mulf %get3A_1400, %gather3A_1367 : vector<16xf32>
        %sub3A_1402 = arith.subf %mul3A_1401, %gather3A_1377 : vector<16xf32>
        %mul3A_1403 = arith.mulf %sub3A_1402, %get3A_7 : vector<16xf32>
        %add3A_1404 = arith.addf %mul3A_1403, %get3A_15 : vector<16xf32>
        %swap3A_1405 = arith.index_cast %add3A_1355 : i32 to index
        %swap3A_1406 = arith.constant 32 : index
        %swap3A_1407 = tpu.vector_load %arg10[%swap3A_1405, %swap3A_1406] {strides = array<i32>} : memref<640x64xf32, #tpu.memory_space<vmem>>, vector<16xf32>,
        tpu.vector_store %arg10[%swap3A_1405, %swap3A_1406], %add3A_1404 {strides = array<i32>} : memref<640x64xf32, #tpu.memory_space<vmem>>, vector<16xf32>,
        %get3A_1408 = arith.index_cast %add3A_1355 : i32 to index
        %get3A_1409 = arith.constant 48 : index
        %get3A_1410 = tpu.vector_load %arg10[%get3A_1408, %get3A_1409] {strides = array<i32>} : memref<640x64xf32, #tpu.memory_space<vmem>>, vector<16xf32>,
        %mul3A_1411 = arith.mulf %get3A_1410, %gather3A_1367 : vector<16xf32>
        %sub3A_1412 = arith.subf %mul3A_1411, %gather3A_1377 : vector<16xf32>
        %mul3A_1413 = arith.mulf %sub3A_1412, %get3A_9 : vector<16xf32>
        %add3A_1414 = arith.addf %mul3A_1413, %get3A_17 : vector<16xf32>
        %swap3A_1415 = arith.index_cast %add3A_1355 : i32 to index
        %swap3A_1416 = arith.constant 48 : index
        %swap3A_1417 = tpu.vector_load %arg10[%swap3A_1415, %swap3A_1416] {strides = array<i32>} : memref<640x64xf32, #tpu.memory_space<vmem>>, vector<16xf32>,
        tpu.vector_store %arg10[%swap3A_1415, %swap3A_1416], %add3A_1414 {strides = array<i32>} : memref<640x64xf32, #tpu.memory_space<vmem>>, vector<16xf32>,
        %add3A_1418 = arith.constant 11 : i32
        %add3A_1419 = arith.addi %mul3A_41, %add3A_1418 : i32
        %broadcast_in_dim3A_1420 = arith.constant 11 : i32
        %broadcast_in_dim3A_1421 = vector.broadcast %broadcast_in_dim3A_1420 : i32 to vector<16xi32>
        %lt3A_1422 = arith.constant 0 : i32
        %lt3A_1423 = vector.broadcast %lt3A_1422 : i32 to vector<16xi32>
        %lt3A_1424 = arith.cmpi slt, %broadcast_in_dim3A_1421, %lt3A_1423 : vector<16xi32>
        %add3A_1425 = arith.constant 16 : i32
        %add3A_1426 = vector.broadcast %add3A_1425 : i32 to vector<16xi32>
        %add3A_1427 = arith.addi %broadcast_in_dim3A_1421, %add3A_1426 : vector<16xi32>
        %select_n3A_1428 = arith.select %lt3A_1424, %add3A_1427, %broadcast_in_dim3A_1421 : vector<16xi1>, vector<16xi32>
        %broadcast_in_dim3A_1429 = vector.shape_cast %select_n3A_1428 : vector<16xi32> to vector<16x1xi32>
        %gather3A_1430 = vector.shape_cast %broadcast_in_dim3A_1429 : vector<16x1xi32> to vector<16xi32>
        %gather3A_1431 = tpu.dynamic_gather %mul3A_714[%gather3A_1430] in [0] : vector<16xf32>, vector<16xi32> -> vector<16xf32>
        %lt3A_1432 = arith.constant 0 : i32
        %lt3A_1433 = vector.broadcast %lt3A_1432 : i32 to vector<16xi32>
        %lt3A_1434 = arith.cmpi slt, %broadcast_in_dim3A_1421, %lt3A_1433 : vector<16xi32>
        %add3A_1435 = arith.constant 16 : i32
        %add3A_1436 = vector.broadcast %add3A_1435 : i32 to vector<16xi32>
        %add3A_1437 = arith.addi %broadcast_in_dim3A_1421, %add3A_1436 : vector<16xi32>
        %select_n3A_1438 = arith.select %lt3A_1434, %add3A_1437, %broadcast_in_dim3A_1421 : vector<16xi1>, vector<16xi32>
        %broadcast_in_dim3A_1439 = vector.shape_cast %select_n3A_1438 : vector<16xi32> to vector<16x1xi32>
        %gather3A_1440 = vector.shape_cast %broadcast_in_dim3A_1439 : vector<16x1xi32> to vector<16xi32>
        %gather3A_1441 = tpu.dynamic_gather %mul3A_716[%gather3A_1440] in [0] : vector<16xf32>, vector<16xi32> -> vector<16xf32>
        %get3A_1442 = arith.index_cast %add3A_1419 : i32 to index
        %get3A_1443 = arith.constant 0 : index
        %get3A_1444 = tpu.vector_load %arg10[%get3A_1442, %get3A_1443] {strides = array<i32>} : memref<640x64xf32, #tpu.memory_space<vmem>>, vector<16xf32>,
        %mul3A_1445 = arith.mulf %get3A_1444, %gather3A_1431 : vector<16xf32>
        %sub3A_1446 = arith.subf %mul3A_1445, %gather3A_1441 : vector<16xf32>
        %mul3A_1447 = arith.mulf %sub3A_1446, %get3A_3 : vector<16xf32>
        %add3A_1448 = arith.addf %mul3A_1447, %get3A_11 : vector<16xf32>
        %swap3A_1449 = arith.index_cast %add3A_1419 : i32 to index
        %swap3A_1450 = arith.constant 0 : index
        %swap3A_1451 = tpu.vector_load %arg10[%swap3A_1449, %swap3A_1450] {strides = array<i32>} : memref<640x64xf32, #tpu.memory_space<vmem>>, vector<16xf32>,
        tpu.vector_store %arg10[%swap3A_1449, %swap3A_1450], %add3A_1448 {strides = array<i32>} : memref<640x64xf32, #tpu.memory_space<vmem>>, vector<16xf32>,
        %get3A_1452 = arith.index_cast %add3A_1419 : i32 to index
        %get3A_1453 = arith.constant 16 : index
        %get3A_1454 = tpu.vector_load %arg10[%get3A_1452, %get3A_1453] {strides = array<i32>} : memref<640x64xf32, #tpu.memory_space<vmem>>, vector<16xf32>,
        %mul3A_1455 = arith.mulf %get3A_1454, %gather3A_1431 : vector<16xf32>
        %sub3A_1456 = arith.subf %mul3A_1455, %gather3A_1441 : vector<16xf32>
        %mul3A_1457 = arith.mulf %sub3A_1456, %get3A_5 : vector<16xf32>
        %add3A_1458 = arith.addf %mul3A_1457, %get3A_13 : vector<16xf32>
        %swap3A_1459 = arith.index_cast %add3A_1419 : i32 to index
        %swap3A_1460 = arith.constant 16 : index
        %swap3A_1461 = tpu.vector_load %arg10[%swap3A_1459, %swap3A_1460] {strides = array<i32>} : memref<640x64xf32, #tpu.memory_space<vmem>>, vector<16xf32>,
        tpu.vector_store %arg10[%swap3A_1459, %swap3A_1460], %add3A_1458 {strides = array<i32>} : memref<640x64xf32, #tpu.memory_space<vmem>>, vector<16xf32>,
        %get3A_1462 = arith.index_cast %add3A_1419 : i32 to index
        %get3A_1463 = arith.constant 32 : index
        %get3A_1464 = tpu.vector_load %arg10[%get3A_1462, %get3A_1463] {strides = array<i32>} : memref<640x64xf32, #tpu.memory_space<vmem>>, vector<16xf32>,
        %mul3A_1465 = arith.mulf %get3A_1464, %gather3A_1431 : vector<16xf32>
        %sub3A_1466 = arith.subf %mul3A_1465, %gather3A_1441 : vector<16xf32>
        %mul3A_1467 = arith.mulf %sub3A_1466, %get3A_7 : vector<16xf32>
        %add3A_1468 = arith.addf %mul3A_1467, %get3A_15 : vector<16xf32>
        %swap3A_1469 = arith.index_cast %add3A_1419 : i32 to index
        %swap3A_1470 = arith.constant 32 : index
        %swap3A_1471 = tpu.vector_load %arg10[%swap3A_1469, %swap3A_1470] {strides = array<i32>} : memref<640x64xf32, #tpu.memory_space<vmem>>, vector<16xf32>,
        tpu.vector_store %arg10[%swap3A_1469, %swap3A_1470], %add3A_1468 {strides = array<i32>} : memref<640x64xf32, #tpu.memory_space<vmem>>, vector<16xf32>,
        %get3A_1472 = arith.index_cast %add3A_1419 : i32 to index
        %get3A_1473 = arith.constant 48 : index
        %get3A_1474 = tpu.vector_load %arg10[%get3A_1472, %get3A_1473] {strides = array<i32>} : memref<640x64xf32, #tpu.memory_space<vmem>>, vector<16xf32>,
        %mul3A_1475 = arith.mulf %get3A_1474, %gather3A_1431 : vector<16xf32>
        %sub3A_1476 = arith.subf %mul3A_1475, %gather3A_1441 : vector<16xf32>
        %mul3A_1477 = arith.mulf %sub3A_1476, %get3A_9 : vector<16xf32>
        %add3A_1478 = arith.addf %mul3A_1477, %get3A_17 : vector<16xf32>
        %swap3A_1479 = arith.index_cast %add3A_1419 : i32 to index
        %swap3A_1480 = arith.constant 48 : index
        %swap3A_1481 = tpu.vector_load %arg10[%swap3A_1479, %swap3A_1480] {strides = array<i32>} : memref<640x64xf32, #tpu.memory_space<vmem>>, vector<16xf32>,
        tpu.vector_store %arg10[%swap3A_1479, %swap3A_1480], %add3A_1478 {strides = array<i32>} : memref<640x64xf32, #tpu.memory_space<vmem>>, vector<16xf32>,
        %add3A_1482 = arith.constant 12 : i32
        %add3A_1483 = arith.addi %mul3A_41, %add3A_1482 : i32
        %broadcast_in_dim3A_1484 = arith.constant 12 : i32
        %broadcast_in_dim3A_1485 = vector.broadcast %broadcast_in_dim3A_1484 : i32 to vector<16xi32>
        %lt3A_1486 = arith.constant 0 : i32
        %lt3A_1487 = vector.broadcast %lt3A_1486 : i32 to vector<16xi32>
        %lt3A_1488 = arith.cmpi slt, %broadcast_in_dim3A_1485, %lt3A_1487 : vector<16xi32>
        %add3A_1489 = arith.constant 16 : i32
        %add3A_1490 = vector.broadcast %add3A_1489 : i32 to vector<16xi32>
        %add3A_1491 = arith.addi %broadcast_in_dim3A_1485, %add3A_1490 : vector<16xi32>
        %select_n3A_1492 = arith.select %lt3A_1488, %add3A_1491, %broadcast_in_dim3A_1485 : vector<16xi1>, vector<16xi32>
        %broadcast_in_dim3A_1493 = vector.shape_cast %select_n3A_1492 : vector<16xi32> to vector<16x1xi32>
        %gather3A_1494 = vector.shape_cast %broadcast_in_dim3A_1493 : vector<16x1xi32> to vector<16xi32>
        %gather3A_1495 = tpu.dynamic_gather %mul3A_714[%gather3A_1494] in [0] : vector<16xf32>, vector<16xi32> -> vector<16xf32>
        %lt3A_1496 = arith.constant 0 : i32
        %lt3A_1497 = vector.broadcast %lt3A_1496 : i32 to vector<16xi32>
        %lt3A_1498 = arith.cmpi slt, %broadcast_in_dim3A_1485, %lt3A_1497 : vector<16xi32>
        %add3A_1499 = arith.constant 16 : i32
        %add3A_1500 = vector.broadcast %add3A_1499 : i32 to vector<16xi32>
        %add3A_1501 = arith.addi %broadcast_in_dim3A_1485, %add3A_1500 : vector<16xi32>
        %select_n3A_1502 = arith.select %lt3A_1498, %add3A_1501, %broadcast_in_dim3A_1485 : vector<16xi1>, vector<16xi32>
        %broadcast_in_dim3A_1503 = vector.shape_cast %select_n3A_1502 : vector<16xi32> to vector<16x1xi32>
        %gather3A_1504 = vector.shape_cast %broadcast_in_dim3A_1503 : vector<16x1xi32> to vector<16xi32>
        %gather3A_1505 = tpu.dynamic_gather %mul3A_716[%gather3A_1504] in [0] : vector<16xf32>, vector<16xi32> -> vector<16xf32>
        %get3A_1506 = arith.index_cast %add3A_1483 : i32 to index
        %get3A_1507 = arith.constant 0 : index
        %get3A_1508 = tpu.vector_load %arg10[%get3A_1506, %get3A_1507] {strides = array<i32>} : memref<640x64xf32, #tpu.memory_space<vmem>>, vector<16xf32>,
        %mul3A_1509 = arith.mulf %get3A_1508, %gather3A_1495 : vector<16xf32>
        %sub3A_1510 = arith.subf %mul3A_1509, %gather3A_1505 : vector<16xf32>
        %mul3A_1511 = arith.mulf %sub3A_1510, %get3A_3 : vector<16xf32>
        %add3A_1512 = arith.addf %mul3A_1511, %get3A_11 : vector<16xf32>
        %swap3A_1513 = arith.index_cast %add3A_1483 : i32 to index
        %swap3A_1514 = arith.constant 0 : index
        %swap3A_1515 = tpu.vector_load %arg10[%swap3A_1513, %swap3A_1514] {strides = array<i32>} : memref<640x64xf32, #tpu.memory_space<vmem>>, vector<16xf32>,
        tpu.vector_store %arg10[%swap3A_1513, %swap3A_1514], %add3A_1512 {strides = array<i32>} : memref<640x64xf32, #tpu.memory_space<vmem>>, vector<16xf32>,
        %get3A_1516 = arith.index_cast %add3A_1483 : i32 to index
        %get3A_1517 = arith.constant 16 : index
        %get3A_1518 = tpu.vector_load %arg10[%get3A_1516, %get3A_1517] {strides = array<i32>} : memref<640x64xf32, #tpu.memory_space<vmem>>, vector<16xf32>,
        %mul3A_1519 = arith.mulf %get3A_1518, %gather3A_1495 : vector<16xf32>
        %sub3A_1520 = arith.subf %mul3A_1519, %gather3A_1505 : vector<16xf32>
        %mul3A_1521 = arith.mulf %sub3A_1520, %get3A_5 : vector<16xf32>
        %add3A_1522 = arith.addf %mul3A_1521, %get3A_13 : vector<16xf32>
        %swap3A_1523 = arith.index_cast %add3A_1483 : i32 to index
        %swap3A_1524 = arith.constant 16 : index
        %swap3A_1525 = tpu.vector_load %arg10[%swap3A_1523, %swap3A_1524] {strides = array<i32>} : memref<640x64xf32, #tpu.memory_space<vmem>>, vector<16xf32>,
        tpu.vector_store %arg10[%swap3A_1523, %swap3A_1524], %add3A_1522 {strides = array<i32>} : memref<640x64xf32, #tpu.memory_space<vmem>>, vector<16xf32>,
        %get3A_1526 = arith.index_cast %add3A_1483 : i32 to index
        %get3A_1527 = arith.constant 32 : index
        %get3A_1528 = tpu.vector_load %arg10[%get3A_1526, %get3A_1527] {strides = array<i32>} : memref<640x64xf32, #tpu.memory_space<vmem>>, vector<16xf32>,
        %mul3A_1529 = arith.mulf %get3A_1528, %gather3A_1495 : vector<16xf32>
        %sub3A_1530 = arith.subf %mul3A_1529, %gather3A_1505 : vector<16xf32>
        %mul3A_1531 = arith.mulf %sub3A_1530, %get3A_7 : vector<16xf32>
        %add3A_1532 = arith.addf %mul3A_1531, %get3A_15 : vector<16xf32>
        %swap3A_1533 = arith.index_cast %add3A_1483 : i32 to index
        %swap3A_1534 = arith.constant 32 : index
        %swap3A_1535 = tpu.vector_load %arg10[%swap3A_1533, %swap3A_1534] {strides = array<i32>} : memref<640x64xf32, #tpu.memory_space<vmem>>, vector<16xf32>,
        tpu.vector_store %arg10[%swap3A_1533, %swap3A_1534], %add3A_1532 {strides = array<i32>} : memref<640x64xf32, #tpu.memory_space<vmem>>, vector<16xf32>,
        %get3A_1536 = arith.index_cast %add3A_1483 : i32 to index
        %get3A_1537 = arith.constant 48 : index
        %get3A_1538 = tpu.vector_load %arg10[%get3A_1536, %get3A_1537] {strides = array<i32>} : memref<640x64xf32, #tpu.memory_space<vmem>>, vector<16xf32>,
        %mul3A_1539 = arith.mulf %get3A_1538, %gather3A_1495 : vector<16xf32>
        %sub3A_1540 = arith.subf %mul3A_1539, %gather3A_1505 : vector<16xf32>
        %mul3A_1541 = arith.mulf %sub3A_1540, %get3A_9 : vector<16xf32>
        %add3A_1542 = arith.addf %mul3A_1541, %get3A_17 : vector<16xf32>
        %swap3A_1543 = arith.index_cast %add3A_1483 : i32 to index
        %swap3A_1544 = arith.constant 48 : index
        %swap3A_1545 = tpu.vector_load %arg10[%swap3A_1543, %swap3A_1544] {strides = array<i32>} : memref<640x64xf32, #tpu.memory_space<vmem>>, vector<16xf32>,
        tpu.vector_store %arg10[%swap3A_1543, %swap3A_1544], %add3A_1542 {strides = array<i32>} : memref<640x64xf32, #tpu.memory_space<vmem>>, vector<16xf32>,
        %add3A_1546 = arith.constant 13 : i32
        %add3A_1547 = arith.addi %mul3A_41, %add3A_1546 : i32
        %broadcast_in_dim3A_1548 = arith.constant 13 : i32
        %broadcast_in_dim3A_1549 = vector.broadcast %broadcast_in_dim3A_1548 : i32 to vector<16xi32>
        %lt3A_1550 = arith.constant 0 : i32
        %lt3A_1551 = vector.broadcast %lt3A_1550 : i32 to vector<16xi32>
        %lt3A_1552 = arith.cmpi slt, %broadcast_in_dim3A_1549, %lt3A_1551 : vector<16xi32>
        %add3A_1553 = arith.constant 16 : i32
        %add3A_1554 = vector.broadcast %add3A_1553 : i32 to vector<16xi32>
        %add3A_1555 = arith.addi %broadcast_in_dim3A_1549, %add3A_1554 : vector<16xi32>
        %select_n3A_1556 = arith.select %lt3A_1552, %add3A_1555, %broadcast_in_dim3A_1549 : vector<16xi1>, vector<16xi32>
        %broadcast_in_dim3A_1557 = vector.shape_cast %select_n3A_1556 : vector<16xi32> to vector<16x1xi32>
        %gather3A_1558 = vector.shape_cast %broadcast_in_dim3A_1557 : vector<16x1xi32> to vector<16xi32>
        %gather3A_1559 = tpu.dynamic_gather %mul3A_714[%gather3A_1558] in [0] : vector<16xf32>, vector<16xi32> -> vector<16xf32>
        %lt3A_1560 = arith.constant 0 : i32
        %lt3A_1561 = vector.broadcast %lt3A_1560 : i32 to vector<16xi32>
        %lt3A_1562 = arith.cmpi slt, %broadcast_in_dim3A_1549, %lt3A_1561 : vector<16xi32>
        %add3A_1563 = arith.constant 16 : i32
        %add3A_1564 = vector.broadcast %add3A_1563 : i32 to vector<16xi32>
        %add3A_1565 = arith.addi %broadcast_in_dim3A_1549, %add3A_1564 : vector<16xi32>
        %select_n3A_1566 = arith.select %lt3A_1562, %add3A_1565, %broadcast_in_dim3A_1549 : vector<16xi1>, vector<16xi32>
        %broadcast_in_dim3A_1567 = vector.shape_cast %select_n3A_1566 : vector<16xi32> to vector<16x1xi32>
        %gather3A_1568 = vector.shape_cast %broadcast_in_dim3A_1567 : vector<16x1xi32> to vector<16xi32>
        %gather3A_1569 = tpu.dynamic_gather %mul3A_716[%gather3A_1568] in [0] : vector<16xf32>, vector<16xi32> -> vector<16xf32>
        %get3A_1570 = arith.index_cast %add3A_1547 : i32 to index
        %get3A_1571 = arith.constant 0 : index
        %get3A_1572 = tpu.vector_load %arg10[%get3A_1570, %get3A_1571] {strides = array<i32>} : memref<640x64xf32, #tpu.memory_space<vmem>>, vector<16xf32>,
        %mul3A_1573 = arith.mulf %get3A_1572, %gather3A_1559 : vector<16xf32>
        %sub3A_1574 = arith.subf %mul3A_1573, %gather3A_1569 : vector<16xf32>
        %mul3A_1575 = arith.mulf %sub3A_1574, %get3A_3 : vector<16xf32>
        %add3A_1576 = arith.addf %mul3A_1575, %get3A_11 : vector<16xf32>
        %swap3A_1577 = arith.index_cast %add3A_1547 : i32 to index
        %swap3A_1578 = arith.constant 0 : index
        %swap3A_1579 = tpu.vector_load %arg10[%swap3A_1577, %swap3A_1578] {strides = array<i32>} : memref<640x64xf32, #tpu.memory_space<vmem>>, vector<16xf32>,
        tpu.vector_store %arg10[%swap3A_1577, %swap3A_1578], %add3A_1576 {strides = array<i32>} : memref<640x64xf32, #tpu.memory_space<vmem>>, vector<16xf32>,
        %get3A_1580 = arith.index_cast %add3A_1547 : i32 to index
        %get3A_1581 = arith.constant 16 : index
        %get3A_1582 = tpu.vector_load %arg10[%get3A_1580, %get3A_1581] {strides = array<i32>} : memref<640x64xf32, #tpu.memory_space<vmem>>, vector<16xf32>,
        %mul3A_1583 = arith.mulf %get3A_1582, %gather3A_1559 : vector<16xf32>
        %sub3A_1584 = arith.subf %mul3A_1583, %gather3A_1569 : vector<16xf32>
        %mul3A_1585 = arith.mulf %sub3A_1584, %get3A_5 : vector<16xf32>
        %add3A_1586 = arith.addf %mul3A_1585, %get3A_13 : vector<16xf32>
        %swap3A_1587 = arith.index_cast %add3A_1547 : i32 to index
        %swap3A_1588 = arith.constant 16 : index
        %swap3A_1589 = tpu.vector_load %arg10[%swap3A_1587, %swap3A_1588] {strides = array<i32>} : memref<640x64xf32, #tpu.memory_space<vmem>>, vector<16xf32>,
        tpu.vector_store %arg10[%swap3A_1587, %swap3A_1588], %add3A_1586 {strides = array<i32>} : memref<640x64xf32, #tpu.memory_space<vmem>>, vector<16xf32>,
        %get3A_1590 = arith.index_cast %add3A_1547 : i32 to index
        %get3A_1591 = arith.constant 32 : index
        %get3A_1592 = tpu.vector_load %arg10[%get3A_1590, %get3A_1591] {strides = array<i32>} : memref<640x64xf32, #tpu.memory_space<vmem>>, vector<16xf32>,
        %mul3A_1593 = arith.mulf %get3A_1592, %gather3A_1559 : vector<16xf32>
        %sub3A_1594 = arith.subf %mul3A_1593, %gather3A_1569 : vector<16xf32>
        %mul3A_1595 = arith.mulf %sub3A_1594, %get3A_7 : vector<16xf32>
        %add3A_1596 = arith.addf %mul3A_1595, %get3A_15 : vector<16xf32>
        %swap3A_1597 = arith.index_cast %add3A_1547 : i32 to index
        %swap3A_1598 = arith.constant 32 : index
        %swap3A_1599 = tpu.vector_load %arg10[%swap3A_1597, %swap3A_1598] {strides = array<i32>} : memref<640x64xf32, #tpu.memory_space<vmem>>, vector<16xf32>,
        tpu.vector_store %arg10[%swap3A_1597, %swap3A_1598], %add3A_1596 {strides = array<i32>} : memref<640x64xf32, #tpu.memory_space<vmem>>, vector<16xf32>,
        %get3A_1600 = arith.index_cast %add3A_1547 : i32 to index
        %get3A_1601 = arith.constant 48 : index
        %get3A_1602 = tpu.vector_load %arg10[%get3A_1600, %get3A_1601] {strides = array<i32>} : memref<640x64xf32, #tpu.memory_space<vmem>>, vector<16xf32>,
        %mul3A_1603 = arith.mulf %get3A_1602, %gather3A_1559 : vector<16xf32>
        %sub3A_1604 = arith.subf %mul3A_1603, %gather3A_1569 : vector<16xf32>
        %mul3A_1605 = arith.mulf %sub3A_1604, %get3A_9 : vector<16xf32>
        %add3A_1606 = arith.addf %mul3A_1605, %get3A_17 : vector<16xf32>
        %swap3A_1607 = arith.index_cast %add3A_1547 : i32 to index
        %swap3A_1608 = arith.constant 48 : index
        %swap3A_1609 = tpu.vector_load %arg10[%swap3A_1607, %swap3A_1608] {strides = array<i32>} : memref<640x64xf32, #tpu.memory_space<vmem>>, vector<16xf32>,
        tpu.vector_store %arg10[%swap3A_1607, %swap3A_1608], %add3A_1606 {strides = array<i32>} : memref<640x64xf32, #tpu.memory_space<vmem>>, vector<16xf32>,
        %add3A_1610 = arith.constant 14 : i32
        %add3A_1611 = arith.addi %mul3A_41, %add3A_1610 : i32
        %broadcast_in_dim3A_1612 = arith.constant 14 : i32
        %broadcast_in_dim3A_1613 = vector.broadcast %broadcast_in_dim3A_1612 : i32 to vector<16xi32>
        %lt3A_1614 = arith.constant 0 : i32
        %lt3A_1615 = vector.broadcast %lt3A_1614 : i32 to vector<16xi32>
        %lt3A_1616 = arith.cmpi slt, %broadcast_in_dim3A_1613, %lt3A_1615 : vector<16xi32>
        %add3A_1617 = arith.constant 16 : i32
        %add3A_1618 = vector.broadcast %add3A_1617 : i32 to vector<16xi32>
        %add3A_1619 = arith.addi %broadcast_in_dim3A_1613, %add3A_1618 : vector<16xi32>
        %select_n3A_1620 = arith.select %lt3A_1616, %add3A_1619, %broadcast_in_dim3A_1613 : vector<16xi1>, vector<16xi32>
        %broadcast_in_dim3A_1621 = vector.shape_cast %select_n3A_1620 : vector<16xi32> to vector<16x1xi32>
        %gather3A_1622 = vector.shape_cast %broadcast_in_dim3A_1621 : vector<16x1xi32> to vector<16xi32>
        %gather3A_1623 = tpu.dynamic_gather %mul3A_714[%gather3A_1622] in [0] : vector<16xf32>, vector<16xi32> -> vector<16xf32>
        %lt3A_1624 = arith.constant 0 : i32
        %lt3A_1625 = vector.broadcast %lt3A_1624 : i32 to vector<16xi32>
        %lt3A_1626 = arith.cmpi slt, %broadcast_in_dim3A_1613, %lt3A_1625 : vector<16xi32>
        %add3A_1627 = arith.constant 16 : i32
        %add3A_1628 = vector.broadcast %add3A_1627 : i32 to vector<16xi32>
        %add3A_1629 = arith.addi %broadcast_in_dim3A_1613, %add3A_1628 : vector<16xi32>
        %select_n3A_1630 = arith.select %lt3A_1626, %add3A_1629, %broadcast_in_dim3A_1613 : vector<16xi1>, vector<16xi32>
        %broadcast_in_dim3A_1631 = vector.shape_cast %select_n3A_1630 : vector<16xi32> to vector<16x1xi32>
        %gather3A_1632 = vector.shape_cast %broadcast_in_dim3A_1631 : vector<16x1xi32> to vector<16xi32>
        %gather3A_1633 = tpu.dynamic_gather %mul3A_716[%gather3A_1632] in [0] : vector<16xf32>, vector<16xi32> -> vector<16xf32>
        %get3A_1634 = arith.index_cast %add3A_1611 : i32 to index
        %get3A_1635 = arith.constant 0 : index
        %get3A_1636 = tpu.vector_load %arg10[%get3A_1634, %get3A_1635] {strides = array<i32>} : memref<640x64xf32, #tpu.memory_space<vmem>>, vector<16xf32>,
        %mul3A_1637 = arith.mulf %get3A_1636, %gather3A_1623 : vector<16xf32>
        %sub3A_1638 = arith.subf %mul3A_1637, %gather3A_1633 : vector<16xf32>
        %mul3A_1639 = arith.mulf %sub3A_1638, %get3A_3 : vector<16xf32>
        %add3A_1640 = arith.addf %mul3A_1639, %get3A_11 : vector<16xf32>
        %swap3A_1641 = arith.index_cast %add3A_1611 : i32 to index
        %swap3A_1642 = arith.constant 0 : index
        %swap3A_1643 = tpu.vector_load %arg10[%swap3A_1641, %swap3A_1642] {strides = array<i32>} : memref<640x64xf32, #tpu.memory_space<vmem>>, vector<16xf32>,
        tpu.vector_store %arg10[%swap3A_1641, %swap3A_1642], %add3A_1640 {strides = array<i32>} : memref<640x64xf32, #tpu.memory_space<vmem>>, vector<16xf32>,
        %get3A_1644 = arith.index_cast %add3A_1611 : i32 to index
        %get3A_1645 = arith.constant 16 : index
        %get3A_1646 = tpu.vector_load %arg10[%get3A_1644, %get3A_1645] {strides = array<i32>} : memref<640x64xf32, #tpu.memory_space<vmem>>, vector<16xf32>,
        %mul3A_1647 = arith.mulf %get3A_1646, %gather3A_1623 : vector<16xf32>
        %sub3A_1648 = arith.subf %mul3A_1647, %gather3A_1633 : vector<16xf32>
        %mul3A_1649 = arith.mulf %sub3A_1648, %get3A_5 : vector<16xf32>
        %add3A_1650 = arith.addf %mul3A_1649, %get3A_13 : vector<16xf32>
        %swap3A_1651 = arith.index_cast %add3A_1611 : i32 to index
        %swap3A_1652 = arith.constant 16 : index
        %swap3A_1653 = tpu.vector_load %arg10[%swap3A_1651, %swap3A_1652] {strides = array<i32>} : memref<640x64xf32, #tpu.memory_space<vmem>>, vector<16xf32>,
        tpu.vector_store %arg10[%swap3A_1651, %swap3A_1652], %add3A_1650 {strides = array<i32>} : memref<640x64xf32, #tpu.memory_space<vmem>>, vector<16xf32>,
        %get3A_1654 = arith.index_cast %add3A_1611 : i32 to index
        %get3A_1655 = arith.constant 32 : index
        %get3A_1656 = tpu.vector_load %arg10[%get3A_1654, %get3A_1655] {strides = array<i32>} : memref<640x64xf32, #tpu.memory_space<vmem>>, vector<16xf32>,
        %mul3A_1657 = arith.mulf %get3A_1656, %gather3A_1623 : vector<16xf32>
        %sub3A_1658 = arith.subf %mul3A_1657, %gather3A_1633 : vector<16xf32>
        %mul3A_1659 = arith.mulf %sub3A_1658, %get3A_7 : vector<16xf32>
        %add3A_1660 = arith.addf %mul3A_1659, %get3A_15 : vector<16xf32>
        %swap3A_1661 = arith.index_cast %add3A_1611 : i32 to index
        %swap3A_1662 = arith.constant 32 : index
        %swap3A_1663 = tpu.vector_load %arg10[%swap3A_1661, %swap3A_1662] {strides = array<i32>} : memref<640x64xf32, #tpu.memory_space<vmem>>, vector<16xf32>,
        tpu.vector_store %arg10[%swap3A_1661, %swap3A_1662], %add3A_1660 {strides = array<i32>} : memref<640x64xf32, #tpu.memory_space<vmem>>, vector<16xf32>,
        %get3A_1664 = arith.index_cast %add3A_1611 : i32 to index
        %get3A_1665 = arith.constant 48 : index
        %get3A_1666 = tpu.vector_load %arg10[%get3A_1664, %get3A_1665] {strides = array<i32>} : memref<640x64xf32, #tpu.memory_space<vmem>>, vector<16xf32>,
        %mul3A_1667 = arith.mulf %get3A_1666, %gather3A_1623 : vector<16xf32>
        %sub3A_1668 = arith.subf %mul3A_1667, %gather3A_1633 : vector<16xf32>
        %mul3A_1669 = arith.mulf %sub3A_1668, %get3A_9 : vector<16xf32>
        %add3A_1670 = arith.addf %mul3A_1669, %get3A_17 : vector<16xf32>
        %swap3A_1671 = arith.index_cast %add3A_1611 : i32 to index
        %swap3A_1672 = arith.constant 48 : index
        %swap3A_1673 = tpu.vector_load %arg10[%swap3A_1671, %swap3A_1672] {strides = array<i32>} : memref<640x64xf32, #tpu.memory_space<vmem>>, vector<16xf32>,
        tpu.vector_store %arg10[%swap3A_1671, %swap3A_1672], %add3A_1670 {strides = array<i32>} : memref<640x64xf32, #tpu.memory_space<vmem>>, vector<16xf32>,
        %add3A_1674 = arith.constant 15 : i32
        %add3A_1675 = arith.addi %mul3A_41, %add3A_1674 : i32
        %broadcast_in_dim3A_1676 = arith.constant 15 : i32
        %broadcast_in_dim3A_1677 = vector.broadcast %broadcast_in_dim3A_1676 : i32 to vector<16xi32>
        %lt3A_1678 = arith.constant 0 : i32
        %lt3A_1679 = vector.broadcast %lt3A_1678 : i32 to vector<16xi32>
        %lt3A_1680 = arith.cmpi slt, %broadcast_in_dim3A_1677, %lt3A_1679 : vector<16xi32>
        %add3A_1681 = arith.constant 16 : i32
        %add3A_1682 = vector.broadcast %add3A_1681 : i32 to vector<16xi32>
        %add3A_1683 = arith.addi %broadcast_in_dim3A_1677, %add3A_1682 : vector<16xi32>
        %select_n3A_1684 = arith.select %lt3A_1680, %add3A_1683, %broadcast_in_dim3A_1677 : vector<16xi1>, vector<16xi32>
        %broadcast_in_dim3A_1685 = vector.shape_cast %select_n3A_1684 : vector<16xi32> to vector<16x1xi32>
        %gather3A_1686 = vector.shape_cast %broadcast_in_dim3A_1685 : vector<16x1xi32> to vector<16xi32>
        %gather3A_1687 = tpu.dynamic_gather %mul3A_714[%gather3A_1686] in [0] : vector<16xf32>, vector<16xi32> -> vector<16xf32>
        %lt3A_1688 = arith.constant 0 : i32
        %lt3A_1689 = vector.broadcast %lt3A_1688 : i32 to vector<16xi32>
        %lt3A_1690 = arith.cmpi slt, %broadcast_in_dim3A_1677, %lt3A_1689 : vector<16xi32>
        %add3A_1691 = arith.constant 16 : i32
        %add3A_1692 = vector.broadcast %add3A_1691 : i32 to vector<16xi32>
        %add3A_1693 = arith.addi %broadcast_in_dim3A_1677, %add3A_1692 : vector<16xi32>
        %select_n3A_1694 = arith.select %lt3A_1690, %add3A_1693, %broadcast_in_dim3A_1677 : vector<16xi1>, vector<16xi32>
        %broadcast_in_dim3A_1695 = vector.shape_cast %select_n3A_1694 : vector<16xi32> to vector<16x1xi32>
        %gather3A_1696 = vector.shape_cast %broadcast_in_dim3A_1695 : vector<16x1xi32> to vector<16xi32>
        %gather3A_1697 = tpu.dynamic_gather %mul3A_716[%gather3A_1696] in [0] : vector<16xf32>, vector<16xi32> -> vector<16xf32>
        %get3A_1698 = arith.index_cast %add3A_1675 : i32 to index
        %get3A_1699 = arith.constant 0 : index
        %get3A_1700 = tpu.vector_load %arg10[%get3A_1698, %get3A_1699] {strides = array<i32>} : memref<640x64xf32, #tpu.memory_space<vmem>>, vector<16xf32>,
        %mul3A_1701 = arith.mulf %get3A_1700, %gather3A_1687 : vector<16xf32>
        %sub3A_1702 = arith.subf %mul3A_1701, %gather3A_1697 : vector<16xf32>
        %mul3A_1703 = arith.mulf %sub3A_1702, %get3A_3 : vector<16xf32>
        %add3A_1704 = arith.addf %mul3A_1703, %get3A_11 : vector<16xf32>
        %swap3A_1705 = arith.index_cast %add3A_1675 : i32 to index
        %swap3A_1706 = arith.constant 0 : index
        %swap3A_1707 = tpu.vector_load %arg10[%swap3A_1705, %swap3A_1706] {strides = array<i32>} : memref<640x64xf32, #tpu.memory_space<vmem>>, vector<16xf32>,
        tpu.vector_store %arg10[%swap3A_1705, %swap3A_1706], %add3A_1704 {strides = array<i32>} : memref<640x64xf32, #tpu.memory_space<vmem>>, vector<16xf32>,
        %get3A_1708 = arith.index_cast %add3A_1675 : i32 to index
        %get3A_1709 = arith.constant 16 : index
        %get3A_1710 = tpu.vector_load %arg10[%get3A_1708, %get3A_1709] {strides = array<i32>} : memref<640x64xf32, #tpu.memory_space<vmem>>, vector<16xf32>,
        %mul3A_1711 = arith.mulf %get3A_1710, %gather3A_1687 : vector<16xf32>
        %sub3A_1712 = arith.subf %mul3A_1711, %gather3A_1697 : vector<16xf32>
        %mul3A_1713 = arith.mulf %sub3A_1712, %get3A_5 : vector<16xf32>
        %add3A_1714 = arith.addf %mul3A_1713, %get3A_13 : vector<16xf32>
        %swap3A_1715 = arith.index_cast %add3A_1675 : i32 to index
        %swap3A_1716 = arith.constant 16 : index
        %swap3A_1717 = tpu.vector_load %arg10[%swap3A_1715, %swap3A_1716] {strides = array<i32>} : memref<640x64xf32, #tpu.memory_space<vmem>>, vector<16xf32>,
        tpu.vector_store %arg10[%swap3A_1715, %swap3A_1716], %add3A_1714 {strides = array<i32>} : memref<640x64xf32, #tpu.memory_space<vmem>>, vector<16xf32>,
        %get3A_1718 = arith.index_cast %add3A_1675 : i32 to index
        %get3A_1719 = arith.constant 32 : index
        %get3A_1720 = tpu.vector_load %arg10[%get3A_1718, %get3A_1719] {strides = array<i32>} : memref<640x64xf32, #tpu.memory_space<vmem>>, vector<16xf32>,
        %mul3A_1721 = arith.mulf %get3A_1720, %gather3A_1687 : vector<16xf32>
        %sub3A_1722 = arith.subf %mul3A_1721, %gather3A_1697 : vector<16xf32>
        %mul3A_1723 = arith.mulf %sub3A_1722, %get3A_7 : vector<16xf32>
        %add3A_1724 = arith.addf %mul3A_1723, %get3A_15 : vector<16xf32>
        %swap3A_1725 = arith.index_cast %add3A_1675 : i32 to index
        %swap3A_1726 = arith.constant 32 : index
        %swap3A_1727 = tpu.vector_load %arg10[%swap3A_1725, %swap3A_1726] {strides = array<i32>} : memref<640x64xf32, #tpu.memory_space<vmem>>, vector<16xf32>,
        tpu.vector_store %arg10[%swap3A_1725, %swap3A_1726], %add3A_1724 {strides = array<i32>} : memref<640x64xf32, #tpu.memory_space<vmem>>, vector<16xf32>,
        %get3A_1728 = arith.index_cast %add3A_1675 : i32 to index
        %get3A_1729 = arith.constant 48 : index
        %get3A_1730 = tpu.vector_load %arg10[%get3A_1728, %get3A_1729] {strides = array<i32>} : memref<640x64xf32, #tpu.memory_space<vmem>>, vector<16xf32>,
        %mul3A_1731 = arith.mulf %get3A_1730, %gather3A_1687 : vector<16xf32>
        %sub3A_1732 = arith.subf %mul3A_1731, %gather3A_1697 : vector<16xf32>
        %mul3A_1733 = arith.mulf %sub3A_1732, %get3A_9 : vector<16xf32>
        %add3A_1734 = arith.addf %mul3A_1733, %get3A_17 : vector<16xf32>
        %swap3A_1735 = arith.index_cast %add3A_1675 : i32 to index
        %swap3A_1736 = arith.constant 48 : index
        %swap3A_1737 = tpu.vector_load %arg10[%swap3A_1735, %swap3A_1736] {strides = array<i32>} : memref<640x64xf32, #tpu.memory_space<vmem>>, vector<16xf32>,
        tpu.vector_store %arg10[%swap3A_1735, %swap3A_1736], %add3A_1734 {strides = array<i32>} : memref<640x64xf32, #tpu.memory_space<vmem>>, vector<16xf32>,
      }
      %scan3A_37 = arith.constant 40 : i32
      %add3A_38 = arith.addi %mul3A_2, %mul3A_25 : i32
      "tpu.region"() ({
        %run_scoped3A = tpu.sem_alloc : memref<!tpu.dma_semaphore, #tpu.memory_space<semaphore_mem>>
        %dma_start3A_39 = arith.constant 0 : i32
        %dma_start3A_40 = tpu.memref_slice %arg7[%add3A_38, %dma_start3A_39] : memref<204800x64xf32, #tpu.memory_space<hbm>> -> memref<640x64xf32, #tpu.memory_space<hbm>>
        %dma_start3A_41 = arith.constant 0 : i32
        %dma_start3A_42 = tpu.memref_slice %arg7[%add3A_38, %dma_start3A_41] : memref<204800x64xf32, #tpu.memory_space<hbm>> -> memref<640x64xf32, #tpu.memory_space<hbm>>
        tpu.enqueue_dma source(%arg10 : memref<640x64xf32, #tpu.memory_space<vmem>>) target(%dma_start3A_42 : memref<640x64xf32, #tpu.memory_space<hbm>>) target_semaphore(%run_scoped3A : memref<!tpu.dma_semaphore, #tpu.memory_space<semaphore_mem>>)
        %dma_wait3A_43 = arith.constant 0 : i32
        %dma_wait3A_44 = tpu.memref_slice %arg7[%add3A_38, %dma_wait3A_43] : memref<204800x64xf32, #tpu.memory_space<hbm>> -> memref<640x64xf32, #tpu.memory_space<hbm>>
        %dma_wait3A_45 = arith.constant 0 : i32
        %dma_wait3A_46 = tpu.memref_slice %arg7[%add3A_38, %dma_wait3A_45] : memref<204800x64xf32, #tpu.memory_space<hbm>> -> memref<640x64xf32, #tpu.memory_space<hbm>>
        tpu.wait_dma2 semaphore(%run_scoped3A : memref<!tpu.dma_semaphore, #tpu.memory_space<semaphore_mem>>) src(%arg10 : memref<640x64xf32, #tpu.memory_space<vmem>>) dst(%dma_wait3A_46 : memref<640x64xf32, #tpu.memory_space<hbm>>)
        tpu.yield
      }) : () -> ()
    }
    %scan3A_22 = arith.constant 10 : i32
    return
  }
}

</mosaic_0001>

<sc_bundles>
// kernel: _run.3.cloned.1.call-start
scs
__scs_entry_jumppad:
0x0: {  	(pc) =	sbr.rel $0x88, $3  }
0x1: {  	(tag) =	ssettag $0x0;
	lr =	simm.s32 $0x1  }
0x2: {  	[smem:$0x3F9C] =	sst lr;
	_ =	strace $0xD0000000  }
0x3: {  	_ = 	snop  }
0x4: {  	_ = 	snop  }
0x5: {  	_ = 	snop  }
0x6: {  	_ = 	snop  }
0x7: {  	_ = 	snop  }
__scs_overlays_trampoline_lowered:
0x8: {  	[smem:$0x3FAB] =	sst s0  }
0x9: {  	[smem:$0x3FAC] =	sst s1  }
0xa: {  	[smem:$0x3FAD] =	sst s2  }
0xb: {  	[smem:$0x3FAE] =	sst s3  }
0xc: {  	[smem:$0x3FAF] =	sst s4  }
0xd: {  	[smem:$0x3FB0] =	sst s5  }
0xe: {  	[smem:$0x3FB1] =	sst s6  }
0xf: {  	[smem:$0x3FB2] =	sst s7  }
0x10: {  	[smem:$0x3FB3] =	sst s8  }
0x11: {  	[smem:$0x3FB4] =	sst s9;
	s0 =	simm.s32 @!p0 $0x0  }
0x12: {  	s1 =	sld [smem:$0x3F9A];
	s0 =	simm.s32 @p0 $0x1  }
0x13: {  	[smem:$0x3FB5] =	sst s0;
	s0 =	simm.s32 @!p1 $0x0  }
0x14: {  	s2 =	sld [smem:$0x3F99];
	s0 =	simm.s32 @p1 $0x1  }
0x15: {  	[smem:$0x3FB6] =	sst s0;
	s0 =	simm.s32 @!p2 $0x0  }
0x16: {  	s3 =	sld [smem:$0x3FDB];
	s0 =	simm.s32 @p2 $0x1  }
0x17: {  	s4 =	simm.s32 $0x1BF5;
	[smem:$0x3FB8] =	sst s0  }
0x18: {  	s0 =	sld [smem:$0x3F9B];
	_ =	swait.ge [sflag:s4], $0x0  }
0x19: {  	s7 =	sld [smem:$0x3F9C]  }
0x1a: {  	s8 =	sadd.s32 $0xFFFFE003, lr  }
0x1b: {  	s9 =	sadd.s32 $0xFFFFFEF7, lr;
	s5 =	simm.s32 $0xFFFFFFFF;
	p2 =	slt.u32 s8, $0xFFFFF086  }
0x1c: {  	p1 =	slt.u32 s9, $0xF7A;
	s5 =	simm.s32 @!p2 $0x0  }
0x1d: {  	s5 =	simm.s32 @p1 $0x1;
	p0 =	seq.s32 s7, s2  }
0x1e: {  	s7 =	smul.u32 @!p0 $0xF7A, s2;
	p2 =	seq.s32 @!p0 s5, $0x0  }
0x1f: {  	s9 =	smul.u32 $0xF7A, s1;
	s8 =	simm.s32 @!p0 $0x1BF5;
	p2 =	por !p2, p0  }
0x20: {  	[sflag:s8] =	ssyncset.s32 @!p0 $0xFFFFF086;
	s6 =	sadd.s32 @!p0 s3, s7;
	s7 =	simm.s32 @!p0 $0x108  }
0x21: {  	s3 =	sadd.s32 s3, s9;
	s6 =	sadd.s32 @!p0 $0x88, s6;
	s7 =	simm.s32 @p2 $0x1082  }
0x22: {  	[simem:s7], [sflag:s8] =	dma.local @!p0 [hbm:s6], $0xF7A  }
0x23: {  	s9 =	sor.u32 $0xD0000000, s2;
	s6 =	simm.s32 $0x108;
	_ =	swait.ge @!p0 [sflag:s8], $0x0  }
0x24: {  	s3 =	sadd.s32 $0x88, s3;
	s6 =	simm.s32 @!p1 $0x1082;
	[sflag:s4] =	ssyncset.s32 $0xFFFFF086  }
0x25: {  	[simem:s6], [sflag:s4] =	dma.local [hbm:s3], $0xF7A  }
0x26: {  	[smem:$0x3F9C] =	sst s1;
	(tag) =	ssettag s2;
	_ =	strace s9  }
0x27: {  	s1 =	sld [smem:$0x3FAC]  }
0x28: {  	s2 =	sld [smem:$0x3FAD]  }
0x29: {  	s4 =	sld [smem:$0x3FAF]  }
0x2a: {  	p0 =	seq.s32 s5, $0x0;
	s5 =	sld [smem:$0x3FB0]  }
0x2b: {  	s6 =	sld [smem:$0x3FB1]  }
0x2c: {  	s7 =	sld [smem:$0x3FB2]  }
0x2d: {  	s3 =	simm.s32 $0x108;
	s8 =	sld [smem:$0x3FB3]  }
0x2e: {  	s3 =	simm.s32 @!p0 $0x1082;
	s9 =	sld [smem:$0x3FB4]  }
0x2f: {  	lr =	sadd.s32 s0, s3;
	s0 =	sld [smem:$0x3FAB]  }
0x30: {  	s3 =	sld [smem:$0x3FAE]  }
0x31: {  	[smem:$0x3FB7] =	sst s10  }
0x32: {  	s10 =	sld [smem:$0x3FB5];
	_ =	sdelay $0x3  }
0x33: {  	p0 =	seq.s32 s10, $0x1;
	s10 =	sld [smem:$0x3FB7];
	_ =	sdelay $0x3  }
0x34: {  	[smem:$0x3FB7] =	sst s10  }
0x35: {  	s10 =	sld [smem:$0x3FB6];
	_ =	sdelay $0x3  }
0x36: {  	p1 =	seq.s32 s10, $0x1;
	s10 =	sld [smem:$0x3FB7];
	_ =	sdelay $0x3  }
0x37: {  	[smem:$0x3FB7] =	sst s10  }
0x38: {  	s10 =	sld [smem:$0x3FB8]  }
0x39: {  	_ = 	snop;
	(pc) =	sbr.ind lr, $3  }
0x3a: {  	_ = 	snop  }
0x3b: {  	_ = 	snop  }
0x3c: {  	p2 =	seq.s32 s10, $0x1;
	s10 =	sld [smem:$0x3FB7]  }
0x3d: {  	_ =	shalt  }
0x3e: {  	_ =	shalt  }
0x3f: {  	_ =	shalt  }
0x40: {  	_ =	shalt  }
0x41: {  	_ =	shalt  }
0x42: {  	_ =	shalt  }
0x43: {  	_ =	shalt  }
0x44: {  	_ =	shalt  }
0x45: {  	_ =	shalt  }
0x46: {  	_ =	shalt  }
0x47: {  	_ =	shalt  }
0x48: {  	_ =	shalt  }
0x49: {  	_ =	shalt  }
0x4a: {  	_ =	shalt  }
0x4b: {  	_ =	shalt  }
0x4c: {  	_ =	shalt  }
0x4d: {  	_ =	shalt  }
0x4e: {  	_ =	shalt  }
0x4f: {  	_ =	shalt  }
0x50: {  	_ =	shalt  }
0x51: {  	_ =	shalt  }
0x52: {  	_ =	shalt  }
0x53: {  	_ =	shalt  }
0x54: {  	_ =	shalt  }
0x55: {  	_ =	shalt  }
0x56: {  	_ =	shalt  }
0x57: {  	_ =	shalt  }
0x58: {  	_ =	shalt  }
0x59: {  	_ =	shalt  }
0x5a: {  	_ =	shalt  }
0x5b: {  	_ =	shalt  }
0x5c: {  	_ =	shalt  }
0x5d: {  	_ =	shalt  }
0x5e: {  	_ =	shalt  }
0x5f: {  	_ =	shalt  }
0x60: {  	_ =	shalt  }
0x61: {  	_ =	shalt  }
0x62: {  	_ =	shalt  }
0x63: {  	_ =	shalt  }
0x64: {  	_ =	shalt  }
0x65: {  	_ =	shalt  }
0x66: {  	_ =	shalt  }
0x67: {  	_ =	shalt  }
0x68: {  	_ =	shalt  }
0x69: {  	_ =	shalt  }
0x6a: {  	_ =	shalt  }
0x6b: {  	_ =	shalt  }
0x6c: {  	_ =	shalt  }
0x6d: {  	_ =	shalt  }
0x6e: {  	_ =	shalt  }
0x6f: {  	_ =	shalt  }
0x70: {  	_ =	shalt  }
0x71: {  	_ =	shalt  }
0x72: {  	_ =	shalt  }
0x73: {  	_ =	shalt  }
0x74: {  	_ =	shalt  }
0x75: {  	_ =	shalt  }
0x76: {  	_ =	shalt  }
0x77: {  	_ =	shalt  }
0x78: {  	_ =	shalt  }
0x79: {  	_ =	shalt  }
0x7a: {  	_ =	shalt  }
0x7b: {  	_ =	shalt  }
0x7c: {  	_ =	shalt  }
0x7d: {  	_ =	shalt  }
0x7e: {  	_ =	shalt  }
0x7f: {  	_ =	shalt  }
0x80: {  	_ =	shalt  }
0x81: {  	_ =	shalt  }
0x82: {  	_ =	shalt  }
0x83: {  	_ =	shalt  }
0x84: {  	_ =	shalt  }
0x85: {  	_ =	shalt  }
0x86: {  	_ =	shalt  }
0x87: {  	_ =	shalt  }
.Lfunc_end0:
.L_simem_size_0:
called_computation.1_lowered:
.L_overlay_start_0:
0x88: {  	s2 =	sld [smem:$0x3FD9]  }
0x89: {  	s3 =	sld [smem:$0x3FFE];
	_ =	sdelay $0x1  }
0x8a: {  	s1 =	srdreg.scid  }
0x8b: {  	s0 =	sand.u32 $0x1, s1  }
0x8c: {  	s17 =	sshll.u32 s0, $0xA;
	s2 =	sadd.s32 s3, s2  }
0x8d: {  	s2 =	sadd.s32 s2, s17  }
0x8e: {  	[smem:$0x3FC3] =	sst s2  }
0x8f: {  	_ = 	snop  }
0x90: {  	s2 =	sld [smem:$0x3FC9]  }
0x91: {  	s18 =	sld [smem:$0x3FC8]  }
0x92: {  	s4 =	sld [smem:$0x3FC6]  }
0x93: {  	s5 =	sld [smem:$0x3FC5]  }
0x94: {  	s6 =	sld [smem:$0x3FD0];
	(tm) =	ssettm $0x1  }
0x95: {  	s7 =	sld [smem:$0x3FFB];
	_ =	sdelay $0x3  }
0x96: {  	_ =	strace s7  }
0x97: {  	s7 =	sld [smem:$0x3FFC];
	_ =	sdelay $0x3  }
0x98: {  	_ =	strace s7  }
0x99: {  	s7 =	sld [smem:$0x3FFD];
	_ =	sdelay $0x3  }
0x9a: {  	_ =	strace s7  }
0x9b: {  	_ =	strace $0x8FFFFFFF  }
0x9c: {  	s19 =	sld [smem:$0x3FDB];
	_ =	sdelay $0x1  }
0x9d: {  	s8 =	simm.s32 $_scs_section_size  }
0x9e: {  	s9 =	simm.s32 $_size__tile_overlayer_lowered;
	s10 =	simm.s32 $_tile_overlayer_lowered  }
0x9f: {  	s22 =	simm.s32 $0x1BFF;
	s21 =	sshll.u32 s10, $0x1;
	s7 =	sadd.s32 s8, s19  }
0xa0: {  	s11 =	simm.s32 $0x0;
	s20 =	sshll.u32 s9, $0x1;
	s9 =	sadd.s32 s21, s7  }
0xa1: {  	[timem:s11], [sflag:s22] =	dma.local [hbm:s9], s20  }
0xa2: {  	_ =	swait.ge [sflag:s22], s20  }
0xa3: {  	s8 =	ssub.s32 $0x0, s20;
	[sflag:s22] =	ssyncset.done $0x0  }
0xa4: {  	[sflag:s22] =	ssyncadd.s32 s8;
	_ =	sdelay $0x1  }
0xa5: {  	s23 =	simm.s32 $0x1B8B  }
0xa6: {  	_ =	swait.ge [sflag:s23], $0x1  }
0xa7: {  	[sflag:s23] =	ssyncset.done $0x0  }
0xa8: {  	s25 =	simm.s32 $0x1B8E;
	s24 =	sld [smem:$0x3FFE];
	[sflag:s23] =	ssyncadd.s32 $0xFFFFFFFF  }
0xa9: {  	s26 =	simm.s32 $execute0_lowered;
	[smem:$0x3FD2] =	sst s25  }
0xaa: {  	s9 =	sshll.u32 s26, $0x1;
	_ =	strace $0x80000046;
	[dreg:$0x1] =	wrdreg $0xFFFFFFFF  }
0xab: {  	s28 =	simm.s32 $_size_execute0_lowered;
	s7 =	sadd.s32 s7, s9;
	[dreg:$0x0] =	wrdreg $0x0  }
0xac: {  	s9 =	sshll.u32 s28, $0x1;
	[dreg:$0x2] =	wrdreg s7  }
0xad: {  	[dreg:$0x3] =	wrdreg s9  }
0xae: {  	[dreg:$0x4] =	wrdreg $0xC0  }
0xaf: {  	_ =	task [dreg:s11], $0x5FFFF  }
0xb0: {  	[dreg:$0x1] =	wrdreg $0xFFFFFFFF  }
0xb1: {  	[dreg:$0x0] =	wrdreg $0x60  }
0xb2: {  	[dreg:$0x2] =	wrdreg s2  }
0xb3: {  	[dreg:$0x3] =	wrdreg s18  }
0xb4: {  	[dreg:$0x4] =	wrdreg s24  }
0xb5: {  	[dreg:$0x5] =	wrdreg s4  }
0xb6: {  	[dreg:$0x6] =	wrdreg s5  }
0xb7: {  	[dreg:$0x7] =	wrdreg s6  }
0xb8: {  	[dreg:$0x8] =	wrdreg $0x9  }
0xb9: {  	_ =	task.clear_ibuf [dreg:s11], $0x9FFFF;
	_ =	strace $0x90000046  }
0xba: {  	s29 =	simm.s32 $0x9;
	_ =	strace $0x80000048  }
0xbb: {  	_ =	swait.ge [sflag:s29], $0x1  }
0xbc: {  	[sflag:s29] =	ssyncadd.s32 $0xFFFFFFFF  }
0xbd: {  	_ =	strace $0x90000048  }
0xbe: {  	_ =	sfence  }
0xbf: {  	s30 =	sld [smem:$0x0];
	_ =	sdelay $0x2  }
0xc0: {  	s31 =	sshll.u32 s1, $0xD;
	s1 =	sshrl.u32 s1, $0x2  }
0xc1: {  	s3 =	sand.u32 $0x4000, s31;
	s1 =	sadd.s32 s1, s30  }
0xc2: {  	s0 =	sor.u32 s3, s0;
	s1 =	sshll.u32 s1, $0x11  }
0xc3: {  	s0 =	sor.u32 s1, s0  }
0xc4: {  	s0 =	sadd.s32 $0x8F2B, s0  }
0xc5: {  	[sflag:s0] =	ssyncadd.remote.s32 $0x1  }
0xc6: {  	_ =	sfence.sel $0xFFFF  }
0xc7: {  	[dreg:$0x0] =	wrdreg $0xFFFFFFFF;
	(pc) =	sbr.abs _section_cstart, $3  }
0xc8: {  	[dreg:$0x1] =	wrdreg $0xFFFFFFFF  }
0xc9: {  	_ =	task.clear_ibuf [dreg:s11], $0x2FFFF;
	_ =	strace $0x9FFFFFFF  }
0xca: {  	(tm) =	ssettm $0x7FFFFFFF  }
0xcb: {  	_ =	shalt  }
tec
execute0_lowered:
.L_overlay_start_1:
0x0: {  	(tag) =	ssettag $0x1  }
0x1: {  	s8 =	rddreg [dreg:$0x0]  }
0x2: {  	s9 =	rddreg [dreg:$0x1]  }
0x3: {  	s7 =	rddreg [dreg:$0x2]  }
0x4: {  	s1 =	rddreg [dreg:$0x3];
	s3 =	srdreg.scid  }
0x5: {  	s0 =	stileid.u32;
	s2 =	rddreg [dreg:$0x4]  }
0x6: {  	s4 =	rddreg [dreg:$0x5];
	s5 =	simm.s32 $0x0;
	s13 =	simm.s32 $0xD240  }
0x7: {  	s14 =	simm.s32 $0x280;
	s15 =	simm.s32 $0x3200;
	s16 =	simm.s32 $0x1  }
0x8: {  	s17 =	simm.s32 $0x0;
	s10 =	sand.u32 $0x1, s3;
	s31 =	sshll.u32 s0, $0x1  }
0x9: {  	vm0 =	vmmov $0x1;
	vm1 =	vmmov $0x3;
	vm2 =	vmmov $0x7;
	s3 =	rddreg [dreg:$0x6];
	s6 =	sor.u32 s10, s31;
	s10 =	ssub.s32 $0x2, s10  }
0xa: {  	vm3 =	vmmov $0xf;
	vm4 =	vmmov $0x1f;
	vm5 =	vmmov $0x3f;
	[smem:$0x7FF] =	sst s5;
	s6 =	smul.u32 $0x1900, s6;
	s11 =	sshrl.u32 s10, $0x1  }
0xb: {  	vm6 =	vmmov $0x7f;
	vm7 =	vmmov $0xff;
	vm8 =	vmmov $0x1ff;
	s7 =	sadd.s32 $0xF42C00, s7;
	_ =	strace $0x80000047;
	s10 =	ssub.s32 s10, s11  }
0xc: {  	vm9 =	vmmov $0x3ff;
	vm10 =	vmmov $0x7ff;
	vm11 =	vmmov $0xfff;
	s11 =	simm.s32 $0x2;
	s12 =	sshrl.u32 s6, $0x3;
	s10 =	smax.u32 s10, $0x1  }
0xd: {  	vm12 =	vmmov $0x1fff;
	vm13 =	vmmov $0x3fff;
	vm14 =	vmmov $0x7fff;
	s8 =	sadd.s32 s8, s12;
	s9 =	sadd.s32 s9, s12;
	s12 =	simm.s32 $0xD200  }
.LBB2_1:
0xe: {  	[tilespmem:s5], [sflag:$0x2] =	stream.linear.gather [hbm4b:s8+s5], $0x1900, $0x38;
	[tilespmem:$0xD280] =	vst v63  }
0xf: {  	_ =	swait.ge [sflag:s11], $0x1900  }
0x10: {  	[sflag:s11] =	ssyncset.done $0x0  }
0x11: {  	s18 =	simm.s32 $0x1900;
	[sflag:s11] =	ssyncadd.s32 $0xFFFFE700  }
0x12: {  	[tilespmem:s18], [sflag:$0x2] =	stream.linear.gather [hbm4b:s9+s5], $0x1900, $0x38;
	[tilespmem:$0xD280] =	vst v63  }
0x13: {  	_ =	swait.ge [sflag:s11], $0x1900  }
0x14: {  	[sflag:s11] =	ssyncset.done $0x0  }
0x15: {  	[sflag:s11] =	ssyncadd.s32 $0xFFFFE700  }
0x16: {  	[tilespmem:s12], [sflag:$0x2] =	stream.linear.gather [hbm4b:s1+s5], $0x40, $0x38;
	[tilespmem:$0xD280] =	vst v63  }
0x17: {  	_ =	swait.ge [sflag:s11], $0x40  }
0x18: {  	[sflag:s11] =	ssyncset.done $0x0  }
0x19: {  	[sflag:s11] =	ssyncadd.s32 $0xFFFFFFC0  }
0x1a: {  	[tilespmem:s13], [sflag:$0x2] =	stream.linear.gather [hbm4b:s2+s5], $0x40, $0x38;
	[tilespmem:$0xD280] =	vst v63  }
0x1b: {  	_ =	swait.ge [sflag:s11], $0x40  }
0x1c: {  	[sflag:s11] =	ssyncset.done $0x0  }
0x1d: {  	[sflag:s11] =	ssyncadd.s32 $0xFFFFFFC0  }
0x1e: {  	v16 =	vld [tilespmem:$0xD200]  }
0x1f: {  	v17 =	vld [tilespmem:$0xD210]  }
0x20: {  	v18 =	vld [tilespmem:$0xD220]  }
0x21: {  	v19 =	vld [tilespmem:$0xD230]  }
0x22: {  	v20 =	vld [tilespmem:$0xD240]  }
0x23: {  	v21 =	vld [tilespmem:$0xD250]  }
0x24: {  	v22 =	vld [tilespmem:$0xD260]  }
0x25: {  	s19 =	simm.s32 $0x0;
	v23 =	vld [tilespmem:$0xD270]  }
.LBB2_2:
0x26: {  	s20 =	smul.u32 $0x280, s19;
	_ =	sdelay $0x1  }
0x27: {  	[tilespmem:s15], [sflag:$0x1] =	stream.indirect.gather [hbm4b:s7+s14], $0x40, s20, s14, $0xb8;
	[tilespmem:$0xD280] =	vst v63  }
0x28: {  	_ =	swait.ge [sflag:s16], $0xA000  }
0x29: {  	[sflag:s16] =	ssyncset.done $0x0  }
0x2a: {  	s21 =	simm.s32 $0x3400;
	[sflag:s16] =	ssyncadd.s32 $0xFFFF6000  }
0x2b: {  	v3 =	vld [tilespmem:s21+$0x1F0]  }
0x2c: {  	v1 =	vld [tilespmem:s21+$0x1E0]  }
0x2d: {  	v0 =	vld [tilespmem:s21+$0x1D0]  }
0x2e: {  	v2 =	vld [tilespmem:s21+$0x1C0]  }
0x2f: {  	v4 =	vld [tilespmem:s21+$0x1B0]  }
0x30: {  	v5 =	vld [tilespmem:s21+$0x1A0]  }
0x31: {  	v7 =	vld [tilespmem:s21+$0x190]  }
0x32: {  	v6 =	vld [tilespmem:s21+$0x180]  }
0x33: {  	v8 =	vld [tilespmem:s21+$0x170]  }
0x34: {  	v9 =	vld [tilespmem:s21+$0x160]  }
0x35: {  	v10 =	vld [tilespmem:s21+$0x150]  }
0x36: {  	v11 =	vld [tilespmem:s21+$0x140]  }
0x37: {  	v12 =	vld [tilespmem:s21+$0x130]  }
0x38: {  	v13 =	vld [tilespmem:s21+$0x120]  }
0x39: {  	v14 =	vld [tilespmem:s21+$0x110]  }
0x3a: {  	v15 =	vld [tilespmem:s21+$0x100]  }
0x3b: {  	v24 =	vld [tilespmem:s21+$0xF0]  }
0x3c: {  	v25 =	vld [tilespmem:s21+$0xE0]  }
0x3d: {  	v26 =	vld [tilespmem:s21+$0xD0]  }
0x3e: {  	v27 =	vld [tilespmem:s21+$0xC0];
	[tilespmem:$0x1FFF0] =	vst v3  }
0x3f: {  	v28 =	vld [tilespmem:s21+$0xB0];
	[tilespmem:$0x1FD40] =	vst v4  }
0x40: {  	v30 =	vld [tilespmem:s21+$0xA0];
	[tilespmem:$0x1FD50] =	vst v5  }
0x41: {  	v49 =	vld [tilespmem:s21+$0xFFFFFF70];
	[tilespmem:$0x1FD60] =	vst v6  }
0x42: {  	v50 =	vld [tilespmem:s21+$0xFFFFFF60];
	[tilespmem:$0x1FD70] =	vst v7  }
0x43: {  	v45 =	vld [tilespmem:s21+$0x70];
	v62 =	vmov v0;
	v0 =	vadd.f32 v0, v2;
	v63 =	vmov v1;
	[tilespmem:$0x1FD80] =	vst v10  }
0x44: {  	v34 =	vld [tilespmem:s21+$0x60];
	v1 =	vadd.f32 v3, v1;
	v53 =	vmul.f32 v4, v4;
	v3 =	vadd.f32 v7, v6;
	[tilespmem:$0x1FD90] =	vst v11  }
0x45: {  	v35 =	vld [tilespmem:s21+$0x50];
	v4 =	vadd.f32 v4, v5;
	v5 =	vmul.f32 v5, v5;
	v6 =	vmul.f32 v6, v6;
	[tilespmem:$0x1FDA0] =	vst v8  }
0x46: {  	v40 =	vld [tilespmem:s21+$0x0];
	v60 =	vmov v2;
	v7 =	vmul.f32 v7, v7;
	[tilespmem:$0x1FDB0] =	vst v9;
	v55 =	vmul.f32 v12, v12  }
0x47: {  	v36 =	vld [tilespmem:s21+$0x40];
	v56 =	vmul.f32 v13, v13;
	[tilespmem:$0x1FDC0] =	vst v14;
	v47 =	vadd.f32 v49, v50;
	v1 =	vadd.f32 v1, v0  }
0x48: {  	v39 =	vld [tilespmem:s21+$0x10];
	[tilespmem:$0x1FDD0] =	vst v15;
	v57 =	vmul.f32 v24, v24;
	v3 =	vadd.f32 v4, v3;
	v54 =	vadd.f32 v7, v6  }
0x49: {  	v29 =	vld [tilespmem:s21+$0x90];
	[tilespmem:$0x1FDE0] =	vst v12;
	v33 =	vmul.f32 v45, v45;
	v2 =	vadd.f32 v53, v5;
	v4 =	vadd.f32 v10, v11  }
0x4a: {  	v32 =	vld [tilespmem:s21+$0x80];
	[tilespmem:$0x1FDF0] =	vst v13;
	v48 =	vmul.f32 v34, v34;
	v5 =	vadd.f32 v8, v9;
	v8 =	vadd.f32 v14, v15  }
0x4b: {  	v37 =	vld [tilespmem:s21+$0x30];
	[tilespmem:$0x1FE00] =	vst v24;
	v51 =	vmul.f32 v40, v40;
	v9 =	vadd.f32 v12, v13;
	v0 =	vadd.f32 v55, v56  }
0x4c: {  	v38 =	vld [tilespmem:s21+$0x20];
	[tilespmem:$0x1FE10] =	vst v25;
	v7 =	vmul.f32 v14, v14;
	v10 =	vadd.f32 v26, v27;
	v11 =	vadd.f32 v24, v25  }
0x4d: {  	v61 =	vld [tilespmem:s21+$0xFFFFFFF0];
	[tilespmem:$0x1FE30] =	vst v26;
	v13 =	vmul.f32 v26, v26;
	v14 =	vadd.f32 v35, v36;
	v26 =	vadd.f32 v39, v40  }
0x4e: {  	v52 =	vld [tilespmem:s21+$0xFFFFFF50];
	[tilespmem:$0x1FE20] =	vst v27;
	v12 =	vmul.f32 v25, v25;
	v6 =	vadd.f32 v2, v54;
	v4 =	vadd.f32 v5, v4  }
0x4f: {  	v59 =	vld [tilespmem:s21+$0xFFFFFFB0];
	[tilespmem:$0x1FE40] =	vst v29;
	v25 =	vmul.f32 v39, v39;
	v31 =	vadd.f32 v9, v8;
	v42 =	vadd.f32 v11, v10  }
0x50: {  	v43 =	vld [tilespmem:s21+$0xFFFFFFC0];
	[tilespmem:$0x1FE70] =	vst v36;
	v5 =	vmul.f32 v15, v15;
	v2 =	vadd.f32 v57, v12;
	v11 =	vadd.f32 v28, v30  }
0x51: {  	v44 =	vld [tilespmem:s21+$0xFFFFFFA0];
	[tilespmem:$0x1FE80] =	vst v45;
	v9 =	vmul.f32 v27, v27;
	v15 =	vadd.f32 v45, v34;
	v27 =	vadd.f32 v37, v38  }
0x52: {  	v24 =	vmul.f32 v36, v36;
	v10 =	vld [tilespmem:s21+$0xFFFFFFD0];
	(xrf2) =	vadd.scan.msk.f32 $0xffff, v1;
	v53 =	vadd.f32 v25, v51;
	v7 =	vadd.f32 v7, v5  }
0x53: {  	v8 =	vld [tilespmem:s21+$0xFFFFFF80];
	v45 =	vmul.f32 v52, v52;
	(xrf2) =	vadd.scan.msk.f32 $0xffff, v3;
	v58 =	vadd.f32 v13, v9;
	v13 =	vadd.f32 v29, v32  }
0x54: {  	v3 =	vld [tilespmem:s21+$0xFFFFFF40];
	v29 =	vmovc v30;
	v25 =	vadd.f32 v27, v26;
	v26 =	vmul.f32 v59, v59;
	v7 =	vadd.f32 v0, v7  }
0x55: {  	v41 =	vld [tilespmem:s21+$0xFFFFFFE0];
	(xrf2) =	vadd.scan.msk.f32 $0xffff, v6;
	v12 =	vadd.f32 v2, v58;
	v30 =	vadd.f32 v11, v13;
	v13 =	vmul.f32 v35, v35  }
0x56: {  	[tilespmem:$0x1FF00] =	vst v59;
	(xrf2) =	vadd.scan.msk.f32 $0xffff, v4;
	v5 =	vmovc v28;
	v28 =	vld [tilespmem:s21+$0xFFFFFF90];
	v2 =	vadd.f32 v33, v48;
	v58 =	vadd.f32 v59, v44  }
0x57: {  	v46 =	vld [tilespmem:s21+$0xFFFFFED0];
	v6 =	vmul.f32 v50, v50;
	(xrf2) =	vadd.scan.msk.f32 $0xffff, v31;
	v54 =	vadd.f32 v10, v43;
	v24 =	vadd.f32 v13, v24  }
0x58: {  	v55 =	vld [tilespmem:s21+$0xFFFFFF20];
	v13 =	vadd.f32 v15, v14;
	v14 =	vmul.f32 v37, v37;
	v15 =	vmul.f32 v38, v38;
	(xrf2) =	vadd.scan.msk.f32 $0xffff, v7  }
0x59: {  	v57 =	vld [tilespmem:s21+$0xFFFFFF00];
	v56 =	vmul.f32 v8, v8;
	v36 =	vmul.f32 v3, v3;
	(xrf2) =	vadd.scan.msk.f32 $0xffff, v42;
	v24 =	vadd.f32 v2, v24  }
0x5a: {  	v4 =	vld [tilespmem:s21+$0xFFFFFF30];
	[tilespmem:$0x1FEF0] =	vst v8;
	v14 =	vadd.f32 v14, v15;
	v15 =	vadd.f32 v61, v41;
	(xrf2) =	vadd.scan.msk.f32 $0xffff, v12  }
0x5b: {  	v59 =	vld [tilespmem:s21+$0xFFFFFEF0];
	v12 =	vmul.f32 v44, v44;
	v1 =	vadd.f32 v45, v36;
	[tilespmem:$0x1FEE0] =	vst v28;
	(xrf2) =	vadd.scan.msk.f32 $0xffff, v30  }
0x5c: {  	v7 =	vld [tilespmem:s21+$0xFFFFFF10];
	v14 =	vadd.f32 v14, v53;
	v27 =	vadd.f32 v15, v54;
	v15 =	vmul.f32 v28, v28;
	(xrf2) =	vadd.scan.msk.f32 $0xffff, v13  }
0x5d: {  	v28 =	vadd.f32 v28, v8;
	v13 =	vadd.f32 v26, v12;
	v26 =	vmul.f32 v49, v49;
	v8, _, _ =	vpop (xrf2);
	v12 =	vld [tilespmem:s21+$0xFFFFFEC0];
	(xrf2) =	vadd.scan.msk.f32 $0xffff, v24  }
0x5e: {  	[tilespmem:$0x1FE50] =	vst v32;
	v24 =	vadd.f32 v52, v3;
	v30 =	vadd.f32 v15, v56;
	v15 =	vld [tilespmem:s21+$0xFFFFFEE0];
	(xrf2) =	vadd.scan.msk.f32 $0xffff, v25  }
0x5f: {  	[tilespmem:$0x1FE60] =	vst v35;
	v36, _, _ =	vpop (xrf2);
	v26 =	vadd.f32 v26, v6;
	(xrf2) =	vadd.scan.msk.f32 $0xffff, v14;
	v14 =	vadd.f32 v58, v28  }
0x60: {  	[tilespmem:$0x1FE90] =	vst v34;
	v54 =	vld [tilespmem:s21+$0xFFFFFE90];
	v48, _, _ =	vpop (xrf2);
	v24 =	vadd.f32 v47, v24;
	v28 =	vadd.f32 v13, v30;
	(xrf2) =	vadd.scan.msk.f32 $0xffff, v27  }
0x61: {  	[tilespmem:$0x1FF50] =	vst v49;
	v49, _, _ =	vpop (xrf2);
	v27 =	vadd.f32 v7, v57;
	v30 =	vadd.f32 v4, v55;
	v13 =	vld [tilespmem:s21+$0xFFFFFEB0];
	(xrf2) =	vadd.scan.msk.f32 $0xffff, v14  }
0x62: {  	[tilespmem:$0x1FEA0] =	vst v39;
	v26 =	vadd.f32 v26, v1;
	v35, _, _ =	vpop (xrf2);
	v14 =	vld [tilespmem:s21+$0xFFFFFEA0];
	(xrf2) =	vadd.scan.msk.f32 $0xffff, v28;
	v28 =	vadd.f32 v46, v12  }
0x63: {  	[tilespmem:$0x1FF60] =	vst v50;
	v50, _, _ =	vpop (xrf2);
	v27 =	vadd.f32 v30, v27;
	v51 =	vadd.f32 v59, v15;
	(xrf2) =	vadd.scan.msk.f32 $0xffff, v24;
	v24 =	vld [tilespmem:s21+$0xFFFFFE80]  }
0x64: {  	[tilespmem:$0x1FEB0] =	vst v40;
	v30 =	vmul.f32 v59, v59;
	v40, _, _ =	vpop (xrf2);
	v58 =	vmul.f32 v15, v15;
	(xrf2) =	vadd.scan.msk.f32 $0xffff, v26;
	v26 =	vld [tilespmem:s21+$0xFFFFFE70]  }
0x65: {  	[tilespmem:$0x1FEC0] =	vst v37;
	v9 =	vmov v57;
	v57, _, _ =	vpop (xrf2);
	v28 =	vadd.f32 v51, v28;
	(xrf2) =	vadd.scan.msk.f32 $0xffff, v27;
	v27 =	vld [tilespmem:s21+$0xFFFFFE60]  }
0x66: {  	[tilespmem:$0x1FED0] =	vst v38;
	v32 =	vadd.f32 v30, v58;
	v30 =	vld [tilespmem:s21+$0xFFFFFE40]  }
0x67: {  	[tilespmem:$0x1FF10] =	vst v44;
	v31 =	vmov v10;
	v10 =	vmov v41;
	v41, _, _ =	vpop (xrf2);
	(xrf2) =	vadd.scan.msk.f32 $0xffff, v28;
	v28 =	vld [tilespmem:s21+$0xFFFFFE50]  }
0x68: {  	v0 =	vmul.f32 v46, v46;
	[tilespmem:$0x1FFB0] =	vst v59;
	v59 =	vmul.f32 v12, v12  }
0x69: {  	[tilespmem:$0x1FF30] =	vst v52;
	v11 =	vmov v43;
	v43, _, _ =	vpop (xrf2);
	v52 =	vadd.f32 v13, v14;
	v2 =	vadd.f32 v54, v24  }
0x6a: {  	v33 =	vmov v7;
	[tilespmem:$0x1FF90] =	vst v50;
	v50 =	vmul.f32 v54, v54;
	v34 =	vadd.f32 v0, v59;
	v39, _, _ =	vpop (xrf2)  }
0x6b: {  	[tilespmem:$0x1FF70] =	vst v48;
	v1 =	vmul.f32 v13, v13;
	v48 =	vmul.f32 v14, v14;
	v44, _, _ =	vpop (xrf2);
	v38 =	vadd.f32 v52, v2  }
0x6c: {  	[tilespmem:$0x1FF80] =	vst v49;
	v49 =	vmul.f32 v24, v24;
	v42, _, _ =	vpop (xrf2);
	v52 =	vadd.f32 v26, v27;
	v51 =	vadd.f32 v28, v30  }
0x6d: {  	[tilespmem:$0x1FFD0] =	vst v46;
	v7 =	vmov v61;
	v34 =	vadd.f32 v32, v34;
	v37 =	vadd.f32 v1, v48;
	v46, _, _ =	vpop (xrf2)  }
0x6e: {  	[tilespmem:$0x1FF40] =	vst v3;
	v50 =	vadd.f32 v50, v49;
	v47, _, _ =	vpop (xrf2);
	v56 =	vadd.f32 v52, v51;
	v52 =	vmul.f32 v61, v61;
	v61 =	vld [tilespmem:$0x1FFF0]  }
0x6f: {  	[tilespmem:$0x1FF20] =	vst v8;
	v45, _, _ =	vpop (xrf2)  }
0x70: {  	[tilespmem:$0x1FFC0] =	vst v15;
	v32 =	vld [tilespmem:s21+$0xFFFFFE30];
	(xrf2) =	vadd.scan.msk.f32 $0xffff, v34;
	v53 =	vadd.f32 v37, v50;
	v49, _, _ =	vpop (xrf2)  }
0x71: {  	v8 =	vmov v55;
	[tilespmem:$0x1FFA0] =	vst v57;
	v34 =	vld [tilespmem:s21+$0xFFFFFE20];
	v55 =	vmul.f32 v26, v26;
	(xrf2) =	vadd.scan.msk.f32 $0xffff, v38;
	v48, _, _ =	vpop (xrf2)  }
0x72: {  	v57 =	vmul.f32 v27, v27;
	v58 =	vmul.f32 v30, v30;
	v37 =	vld [tilespmem:s21+$0xFFFFFE10];
	(xrf2) =	vadd.scan.msk.f32 $0xffff, v53;
	v53 =	vmov s18;
	v50, _, _ =	vpop (xrf2)  }
0x73: {  	s22 =	simm.s32 $0x0;
	s23 =	simm.s32 $0x40;
	v6 =	vmov v4;
	v59 =	vmul.f32 v28, v28;
	v38 =	vld [tilespmem:s21+$0xFFFFFE00];
	[tilespmem:$0x1FFE0] =	vst v53;
	v51, _, _ =	vpop (xrf2);
	v53 =	vmul.f32 v61, v61  }
.LBB2_3:
0x74: {  	_ = 	snop  }
0x75: {  	[tilespmem:$0x1FD10] =	vst v60;
	v0 =	vadd.f32 v59, v58;
	v55 =	vadd.f32 v55, v57;
	v57 =	vmul.f32 v63, v63  }
0x76: {  	[tilespmem:$0x1FD20] =	vst v62;
	v1 =	vld [tilespmem:$0x1FDA0];
	v59 =	vmul.f32 v60, v60;
	v60 =	vmul.f32 v62, v62  }
0x77: {  	(xrf2) =	vadd.scan.msk.f32 $0xffff, v56;
	v55 =	vadd.f32 v55, v0;
	v56 =	vmul.f32 v32, v32;
	v62 =	vmul.f32 v34, v34  }
0x78: {  	[tilespmem:$0x1FD30] =	vst v63;
	v61 =	vadd.f32 v37, v38;
	v63 =	vmul.f32 v38, v38;
	v0 =	vmul.f32 v37, v37  }
0x79: {  	[tilespmem:$0x1FCA0] =	vst v8;
	v4 =	vld [tilespmem:$0x1FE50];
	v15 =	vadd.f32 v32, v34;
	v56 =	vadd.f32 v56, v62;
	v62 =	vmul.f32 v8, v8  }
0x7a: {  	v0 =	vadd.f32 v0, v63;
	v63 =	vmul.f32 v9, v9;
	v8 =	vmovc v33;
	v33 =	vmul.f32 v33, v33  }
0x7b: {  	v3 =	vmul.f32 v31, v31;
	[tilespmem:$0x1FDA0] =	vst v1;
	v15 =	vadd.f32 v15, v61  }
0x7c: {  	v61 =	vmul.f32 v1, v1;
	v58, _, _ =	vpop (xrf2);
	(xrf2) =	vadd.scan.msk.f32 $0xffff, v55;
	v1 =	vadd.f32 v33, v63;
	v63 =	vmul.f32 v11, v11  }
0x7d: {  	v25, _, _ =	vpop (xrf2);
	(xrf2) =	vadd.scan.msk.f32 $0xffff, v15  }
0x7e: {  	[tilespmem:$0x1FE50] =	vst v4;
	v55 =	vmul.f32 v6, v6;
	v3 =	vadd.f32 v3, v63;
	v63 =	vmul.f32 v4, v4;
	v4 =	vld [tilespmem:$0x1FE40]  }
0x7f: {  	v2 =	vld [tilespmem:$0x1FD80]  }
0x80: {  	v55 =	vadd.f32 v55, v62  }
0x81: {  	v0 =	vadd.f32 v56, v0  }
0x82: {  	[tilespmem:$0x1FD00] =	vst v5;
	v62 =	vmul.f32 v10, v10;
	v33 =	vadd.f32 v55, v1;
	v1 =	vmul.f32 v5, v5;
	v5 =	vld [tilespmem:$0x1FF80]  }
0x83: {  	v40 =	vbroadcast v40, $0xF;
	[tilespmem:$0x1FE40] =	vst v4;
	v4 =	vmul.f32 v4, v4  }
0x84: {  	[tilespmem:$0x1FD80] =	vst v2;
	v15 =	vmul.f32 v2, v2;
	v56 =	vld [tilespmem:$0x1FDB0];
	v2, _, _ =	vpop (xrf2);
	(xrf2) =	vadd.scan.msk.f32 $0xffff, v0;
	v52 =	vadd.f32 v52, v62  }
0x85: {  	[tilespmem:$0x1FCC0] =	vst v11;
	v43 =	vbroadcast v43, $0xF;
	v53 =	vadd.f32 v53, v57;
	v11 =	vld [tilespmem:$0x1FD90];
	v57, _, _ =	vpop (xrf2);
	v62 =	vmul.f32 v29, v29  }
0x86: {  	v41 =	vbroadcast v41, $0xF;
	v0 =	vadd.f32 v52, v3;
	v3 =	vbroadcast v35, $0xF;
	v35, _, _ =	vpop (xrf2)  }
0x87: {  	(xrf2) =	vadd.scan.msk.f32 $0xffff, v33;
	v1 =	vadd.f32 v1, v62;
	v33 =	vbroadcast v5, $0xF;
	v5 =	vadd.f32 v4, v63;
	v4, _, _ =	vpop (xrf2)  }
0x88: {  	v57 =	vbroadcast v57, $0xF;
	v4 =	vbroadcast v4, $0xF  }
0x89: {  	[tilespmem:$0x1FDB0] =	vst v56;
	v56 =	vmul.f32 v56, v56;
	v62 =	vbroadcast v25, $0xF;
	v1 =	vadd.f32 v1, v5  }
0x8a: {  	v55 =	vmul.f32 v11, v11;
	v25 =	vbroadcast v51, $0xF;
	(xrf2) =	vadd.scan.msk.f32 $0xffff, v0;
	v4 =	vsel vm0, v4, v57  }
0x8b: {  	v52 =	vadd.f32 v61, v56;
	(xrf2) =	vadd.scan.msk.f32 $0xffff, v1;
	v1 =	vsel vm1, v4, v62;
	v4 =	vbroadcast v50, $0xF  }
0x8c: {  	v56 =	vbroadcast v49, $0xF;
	v15 =	vadd.f32 v15, v55;
	v1 =	vsel vm2, v1, v25  }
0x8d: {  	v44 =	vbroadcast v44, $0xF;
	v47 =	vbroadcast v47, $0xF;
	v1 =	vsel vm3, v1, v4  }
0x8e: {  	v0 =	vbroadcast v46, $0xF;
	v15 =	vadd.f32 v52, v15;
	v63, _, _ =	vpop (xrf2);
	v1 =	vsel vm4, v1, v56  }
0x8f: {  	v5 =	vbroadcast v35, $0xF;
	v51 =	vbroadcast v63, $0xF;
	v1 =	vsel vm5, v1, v47  }
0x90: {  	v59 =	vadd.f32 v60, v59;
	v2 =	vbroadcast v2, $0xF;
	v0 =	vsel vm6, v1, v0  }
0x91: {  	(xrf2) =	vadd.scan.msk.f32 $0xffff, v15;
	v15 =	vsel vm0, v51, v5;
	v5 =	vbroadcast v58, $0xF;
	v49, _, _ =	vpop (xrf2);
	v0 =	vsel vm7, v0, v44  }
0x92: {  	v2 =	vsel vm1, v15, v2;
	v4 =	vbroadcast v49, $0xF;
	v0 =	vsel vm8, v0, v43  }
0x93: {  	v15 =	vbroadcast v48, $0xF;
	v2 =	vsel vm2, v2, v5;
	v0 =	vsel vm9, v0, v41  }
0x94: {  	v52 =	vld [tilespmem:$0x1FFA0];
	v2 =	vsel vm3, v2, v4;
	v4 =	vbroadcast v45, $0xF;
	v25, _, _ =	vpop (xrf2);
	v0 =	vsel vm10, v0, v40  }
0x95: {  	v2 =	vsel vm4, v2, v15;
	v50 =	vbroadcast v25, $0xF;
	v0 =	vsel vm11, v0, v3;
	v3 =	vld [tilespmem:$0x1FF90]  }
0x96: {  	v2 =	vsel vm5, v2, v4;
	v4 =	vbroadcast v42, $0xF  }
0x97: {  	v53 =	vadd.f32 v53, v59;
	v51 =	vbroadcast v39, $0xF;
	v1 =	vsel vm6, v2, v50;
	v15, _, _ =	vpop (xrf2)  }
0x98: {  	v1 =	vsel vm7, v1, v4;
	v5 =	vbroadcast v15, $0xF  }
0x99: {  	(xrf2) =	vadd.scan.msk.f32 $0xffff, v53;
	v2 =	vbroadcast v52, $0xF;
	v1 =	vsel vm8, v1, v51  }
0x9a: {  	v1 =	vsel vm9, v1, v5;
	v3 =	vbroadcast v3, $0xF  }
0x9b: {  	v56 =	vld [tilespmem:$0x1FFE0];
	v1 =	vsel vm10, v1, v2  }
0x9c: {  	v1 =	vsel vm11, v1, v3;
	v3 =	vld [tilespmem:$0x1FF70]  }
0x9d: {  	v55 =	vld [tilespmem:$0x1FF20];
	_ =	sdelay $0x1  }
0x9e: {  	v36 =	vbroadcast v36, $0xF;
	v4, _, _ =	vpop (xrf2)  }
0x9f: {  	v0 =	vsel vm12, v0, v33;
	v53 =	vbroadcast v4, $0xF  }
0xa0: {  	v0 =	vsel vm13, v0, v36;
	v4 =	vbroadcast v3, $0xF  }
0xa1: {  	v0 =	vsel vm14, v0, v55;
	v1 =	vsel vm12, v1, v53  }
0xa2: {  	s24 =	sshra.s32 s22, $0x2;
	v0 =	vmul.f32 $1.562500000e-02, v0;
	v3, _, _ =	vpop (xrf2);
	v1 =	vsel vm13, v1, v4  }
0xa3: {  	v2 =	vld.idx.msk [tilespmem:v56+s24+$0x0 ss:$0x1], $0xffff;
	v1 =	vsel vm14, v1, v3  }
0xa4: {  	v3 =	vmul.f32 v0, v0;
	v1 =	vmul.f32 $1.562500000e-02, v1;
	_ =	sdelay $0x1  }
0xa5: {  	v1 =	vsub.f32 v1, v3;
	_ =	sdelay $0x1  }
0xa6: {  	v1 =	vmul.f32 v1, v2;
	_ =	sdelay $0x1  }
0xa7: {  	v1 =	vmul.f32 v1, v2;
	_ =	sdelay $0x1  }
0xa8: {  	v1 =	vadd.f32 $9.999999740e-06, v1;
	_ =	sdelay $0x1  }
0xa9: {  	v3 =	vshra.s32 v1, $0x1;
	v1 =	vmul.f32 $5.000000000e-01, v1  }
0xaa: {  	v3 =	vsub.s32 $0x5F3759DF, v3  }
0xab: {  	v4 =	vmul.f32 v3, v1;
	_ =	sdelay $0x1  }
0xac: {  	v4 =	vmul.f32 v3, v4;
	_ =	sdelay $0x1  }
0xad: {  	v4 =	vsub.f32 $1.500000000e+00, v4;
	_ =	sdelay $0x1  }
0xae: {  	v3 =	vmul.f32 v3, v4;
	_ =	sdelay $0x1  }
0xaf: {  	v4 =	vmul.f32 v3, v1;
	_ =	sdelay $0x1  }
0xb0: {  	v4 =	vmul.f32 v4, v3;
	_ =	sdelay $0x1  }
0xb1: {  	v4 =	vsub.f32 $1.500000000e+00, v4;
	_ =	sdelay $0x1  }
0xb2: {  	v3 =	vmul.f32 v4, v3;
	_ =	sdelay $0x1  }
0xb3: {  	v1 =	vmul.f32 v3, v1;
	_ =	sdelay $0x1  }
0xb4: {  	v1 =	vmul.f32 v1, v3;
	_ =	sdelay $0x1  }
0xb5: {  	v1 =	vsub.f32 $1.500000000e+00, v1;
	_ =	sdelay $0x1  }
0xb6: {  	v1 =	vmul.f32 v1, v3;
	_ =	sdelay $0x1  }
0xb7: {  	v0 =	vmul.f32 v0, v2;
	v25 =	vmul.f32 v1, v2  }
0xb8: {  	v61 =	vimm.s32 $0x0  }
0xb9: {  	v15 =	vmul.f32 v1, v0;
	v58 =	vperm.xlane v25, v61;
	_ =	sdelay $0x1  }
0xba: {  	v3 =	vperm.xlane v15, v61;
	v4 =	vmul.f32 v58, v38;
	_ =	sdelay $0x1  }
0xbb: {  	v60 =	vimm.s32 $0x1;
	v4 =	vsub.f32 v4, v3  }
0xbc: {  	v59 =	vperm.xlane v25, v60;
	v5 =	vmul.f32 v58, v37  }
0xbd: {  	[tilespmem:$0x1FCB0] =	vst v6;
	v6 =	vmovc v9;
	v9 =	vimm.s32 $0x2;
	v63 =	vmul.f32 v58, v34;
	v4 =	vmul.f32 v4, v16  }
0xbe: {  	v0 =	vmul.f32 v58, v32;
	v30 =	vmul.f32 v59, v30;
	v5 =	vsub.f32 v5, v3  }
0xbf: {  	v28 =	vmul.f32 v59, v28;
	v36 =	vsub.f32 v63, v3;
	v4 =	vadd.f32 v4, v20  }
0xc0: {  	v0 =	vsub.f32 v0, v3;
	v3 =	vperm.xlane v15, v60;
	v5 =	vmul.f32 v5, v17  }
0xc1: {  	v57 =	vimm.s32 $0x7;
	v1 =	vmul.f32 v59, v26;
	[tilespmem:s21+$0xFFFFFE00] =	vst v4;
	v4 =	vmul.f32 v59, v27  }
0xc2: {  	v26 =	vperm.xlane v25, v9;
	v30 =	vsub.f32 v30, v3;
	v5 =	vadd.f32 v5, v21  }
0xc3: {  	[tilespmem:$0x1FCD0] =	vst v31;
	v31 =	vperm.xlane v25, v57;
	v1 =	vsub.f32 v1, v3;
	v4 =	vsub.f32 v4, v3  }
0xc4: {  	[tilespmem:s21+$0xFFFFFE10] =	vst v5;
	v5 =	vsub.f32 v28, v3;
	v27 =	vperm.xlane v15, v9;
	v3 =	vmul.f32 v26, v24  }
0xc5: {  	v39 =	vmul.f32 v4, v18;
	v4 =	vmul.f32 v26, v54  }
0xc6: {  	v62 =	vmul.f32 v31, v7;
	v3 =	vsub.f32 v3, v27  }
0xc7: {  	v7 =	vld [tilespmem:$0x1FFC0];
	v38 =	vmul.f32 v5, v17;
	v5 =	vmul.f32 v26, v14;
	v4 =	vsub.f32 v4, v27  }
0xc8: {  	[tilespmem:$0x1FCE0] =	vst v10;
	v10 =	vimm.s32 $0x3;
	v41 =	vmul.f32 v3, v16  }
0xc9: {  	v3 =	vmul.f32 v26, v13;
	v42 =	vmul.f32 v4, v17;
	v4 =	vsub.f32 v5, v27  }
0xca: {  	v5 =	vperm.xlane v25, v10  }
0xcb: {  	v46 =	vld [tilespmem:$0x1FFD0];
	v44 =	vsub.f32 v3, v27;
	v3 =	vperm.xlane v15, v10;
	v4 =	vmul.f32 v4, v18  }
0xcc: {  	v12 =	vmul.f32 v5, v12;
	v10 =	vmul.f32 v5, v7;
	v7 =	vld [tilespmem:$0x1FFB0];
	_ =	sdelay $0x1  }
0xcd: {  	v1 =	vmul.f32 v1, v19;
	v47 =	vadd.f32 v4, v22;
	v4 =	vsub.f32 v12, v3;
	_ =	sdelay $0x1  }
0xce: {  	v40 =	vadd.f32 v1, v23;
	v1 =	vmul.f32 v5, v46;
	v48 =	vmul.f32 v4, v16  }
0xcf: {  	v4 =	vsub.f32 v10, v3;
	v5 =	vmul.f32 v5, v7;
	v7 =	vimm.s32 $0x4  }
0xd0: {  	v9 =	vperm.xlane v25, v7  }
0xd1: {  	v1 =	vsub.f32 v1, v3;
	v4 =	vmul.f32 v4, v18  }
0xd2: {  	v50 =	vsub.f32 v5, v3;
	v3 =	vperm.xlane v15, v7;
	v5 =	vmul.f32 v9, v6  }
0xd3: {  	v6 =	vld [tilespmem:$0x1FCB0]  }
0xd4: {  	v51 =	vadd.f32 v4, v22;
	v4 =	vsub.f32 v5, v3;
	v5 =	vld [tilespmem:$0x1FCA0];
	_ =	sdelay $0x2  }
0xd5: {  	v7 =	vmul.f32 v9, v8  }
0xd6: {  	v6 =	vmul.f32 v9, v6  }
0xd7: {  	v53 =	vsub.f32 v7, v3;
	v5 =	vmul.f32 v9, v5  }
0xd8: {  	v7 =	vimm.s32 $0x5;
	v54 =	vmul.f32 v4, v16;
	v56 =	vsub.f32 v6, v3;
	v6 =	vld [tilespmem:$0x1FF40]  }
0xd9: {  	v4 =	vsub.f32 v5, v3;
	v5 =	vperm.xlane v25, v7;
	v3 =	vperm.xlane v15, v7;
	v7 =	vld [tilespmem:$0x1FF30];
	_ =	sdelay $0x3  }
0xda: {  	v4 =	vmul.f32 v4, v18;
	v6 =	vmul.f32 v5, v6  }
0xdb: {  	v7 =	vmul.f32 v5, v7  }
0xdc: {  	[tilespmem:$0x1FCF0] =	vst v29;
	v29 =	vperm.xlane v15, v57;
	v57 =	vadd.f32 v4, v22;
	v4 =	vsub.f32 v6, v3;
	v6 =	vld [tilespmem:$0x1FF60]  }
0xdd: {  	v59 =	vsub.f32 v7, v3;
	v7 =	vld [tilespmem:$0x1FF50];
	_ =	sdelay $0x4  }
0xde: {  	v6 =	vmul.f32 v5, v6;
	v5 =	vmul.f32 v5, v7;
	_ =	sdelay $0x1  }
0xdf: {  	v63 =	vsub.f32 v5, v3;
	v5 =	vld [tilespmem:$0x1FEF0];
	_ =	sdelay $0x1  }
0xe0: {  	v32 =	vmul.f32 v36, v18;
	v7 =	vimm.s32 $0x6  }
0xe1: {  	v60 =	vmul.f32 v4, v16;
	v4 =	vsub.f32 v6, v3;
	v6 =	vperm.xlane v25, v7  }
0xe2: {  	v3 =	vperm.xlane v15, v7  }
0xe3: {  	v32 =	vadd.f32 v32, v22;
	v4 =	vmul.f32 v4, v18;
	v5 =	vmul.f32 v6, v5  }
0xe4: {  	v7 =	vld [tilespmem:$0x1FEE0]  }
0xe5: {  	[tilespmem:s21+$0xFFFFFE20] =	vst v32;
	v32 =	vadd.f32 v4, v22;
	v4 =	vsub.f32 v5, v3;
	v5 =	vld [tilespmem:$0x1FF10];
	_ =	sdelay $0x3  }
0xe6: {  	v7 =	vmul.f32 v6, v7  }
0xe7: {  	v5 =	vmul.f32 v6, v5  }
0xe8: {  	v34 =	vsub.f32 v7, v3;
	v7 =	vld [tilespmem:$0x1FF00]  }
0xe9: {  	v2 =	vsub.f32 v62, v29;
	v35 =	vmul.f32 v4, v16;
	v4 =	vsub.f32 v5, v3;
	v5 =	vld [tilespmem:$0x1FCC0];
	_ =	sdelay $0x1  }
0xea: {  	v2 =	vmul.f32 v2, v19;
	_ =	sdelay $0x1  }
0xeb: {  	v2 =	vadd.f32 v2, v23;
	v37 =	vmul.f32 v30, v16;
	v6 =	vmul.f32 v6, v7  }
0xec: {  	v0 =	vmul.f32 v0, v19;
	v5 =	vmul.f32 v31, v5  }
0xed: {  	[tilespmem:s21+$0xFFFFFFF0] =	vst v2;
	v2 =	vadd.f32 v37, v20;
	v37 =	vsub.f32 v6, v3;
	v3 =	vld [tilespmem:$0x1FCD0]  }
0xee: {  	v0 =	vadd.f32 v0, v23;
	v4 =	vmul.f32 v4, v18;
	v5 =	vsub.f32 v5, v29;
	_ =	sdelay $0x1  }
0xef: {  	[tilespmem:s21+$0xFFFFFE30] =	vst v0;
	v0 =	vadd.f32 v38, v21;
	v38 =	vadd.f32 v4, v22;
	v4 =	vmul.f32 v5, v16;
	v5 =	vld [tilespmem:$0x1FCE0];
	_ =	sdelay $0x1  }
0xf0: {  	v3 =	vmul.f32 v31, v3;
	_ =	sdelay $0x1  }
0xf1: {  	v3 =	vsub.f32 v3, v29  }
0xf2: {  	v6 =	vimm.s32 $0x8;
	v5 =	vmul.f32 v31, v5  }
0xf3: {  	[tilespmem:s21+$0xFFFFFE70] =	vst v40;
	v43 =	vadd.f32 v41, v20;
	v40 =	vmul.f32 v3, v17;
	v3 =	vperm.xlane v25, v6  }
0xf4: {  	v41 =	vadd.f32 v4, v20;
	v4 =	vsub.f32 v5, v29;
	v5 =	vperm.xlane v15, v6;
	v6 =	vld [tilespmem:$0x1FEA0];
	_ =	sdelay $0x2  }
0xf5: {  	v49 =	vmul.f32 v1, v17;
	v1 =	vmul.f32 v50, v19  }
0xf6: {  	v45 =	vmul.f32 v44, v19;
	v44 =	vmul.f32 v4, v18;
	v4 =	vld [tilespmem:$0x1FED0]  }
0xf7: {  	v52 =	vadd.f32 v1, v23;
	v1 =	vmul.f32 v56, v19;
	v6 =	vmul.f32 v3, v6  }
0xf8: {  	[tilespmem:s21+$0xFFFFFE80] =	vst v43;
	v43 =	vld [tilespmem:$0x1FEB0]  }
0xf9: {  	v58 =	vadd.f32 v1, v23;
	v1 =	vmul.f32 v63, v19;
	v46 =	vsub.f32 v6, v5;
	v6 =	vld [tilespmem:$0x1FEC0];
	_ =	sdelay $0x1  }
0xfa: {  	v33 =	vadd.f32 v1, v23;
	v1 =	vmul.f32 v37, v19;
	v4 =	vmul.f32 v3, v4  }
0xfb: {  	[tilespmem:s21+$0xFFFFFE40] =	vst v2;
	v2 =	vadd.f32 v39, v22  }
0xfc: {  	v39 =	vadd.f32 v1, v23;
	v1 =	vmul.f32 v3, v43;
	v4 =	vsub.f32 v4, v5  }
0xfd: {  	[tilespmem:s21+$0xFFFFFE50] =	vst v0;
	v0 =	vadd.f32 v45, v23;
	v3 =	vmul.f32 v3, v6  }
0xfe: {  	[tilespmem:s21+$0xFFFFFEA0] =	vst v47;
	v7 =	vimm.s32 $0x9;
	v45 =	vsub.f32 v1, v5;
	v47 =	vmul.f32 v4, v18;
	v4 =	vld [tilespmem:$0x1FE70]  }
0xff: {  	v6 =	vperm.xlane v25, v7;
	v3 =	vsub.f32 v3, v5;
	v5 =	vperm.xlane v15, v7;
	v7 =	vld [tilespmem:$0x1FE60];
	_ =	sdelay $0x2  }
0x100: {  	[tilespmem:s21+$0xFFFFFE60] =	vst v2;
	v2 =	vadd.f32 v42, v21  }
0x101: {  	v3 =	vmul.f32 v3, v19  }
0x102: {  	[tilespmem:s21+$0xFFFFFE90] =	vst v2;
	v2 =	vadd.f32 v48, v20;
	v8 =	vld [tilespmem:$0x1FE80];
	v4 =	vmul.f32 v6, v4;
	v7 =	vmul.f32 v6, v7  }
0x103: {  	[tilespmem:s21+$0xFFFFFEB0] =	vst v0;
	v0 =	vadd.f32 v49, v21;
	v48 =	vadd.f32 v3, v23;
	v3 =	vld [tilespmem:$0x1FE90]  }
0x104: {  	v49 =	vsub.f32 v4, v5;
	v4 =	vsub.f32 v7, v5;
	_ =	sdelay $0x1  }
0x105: {  	[tilespmem:s21+$0xFFFFFEF0] =	vst v52;
	v52 =	vmul.f32 v4, v17;
	v4 =	vld [tilespmem:$0x1FE50];
	_ =	sdelay $0x1  }
0x106: {  	v3 =	vmul.f32 v6, v3;
	v6 =	vmul.f32 v6, v8;
	v8 =	vimm.s32 $0xA  }
0x107: {  	v7 =	vperm.xlane v25, v8  }
0x108: {  	v50 =	vsub.f32 v3, v5  }
0x109: {  	v3 =	vsub.f32 v6, v5;
	v5 =	vperm.xlane v15, v8;
	v6 =	vld [tilespmem:$0x1FE40];
	v4 =	vmul.f32 v7, v4  }
0x10a: {  	v8 =	vld [tilespmem:$0x1FD00]  }
0x10b: {  	v55 =	vmul.f32 v53, v17;
	v53 =	vsub.f32 v4, v5;
	v4 =	vld [tilespmem:$0x1FCF0]  }
0x10c: {  	v3 =	vmul.f32 v3, v19;
	_ =	sdelay $0x1  }
0x10d: {  	v3 =	vadd.f32 v3, v23  }
0x10e: {  	[tilespmem:s21+$0xFFFFFEC0] =	vst v2;
	v6 =	vmul.f32 v7, v6  }
0x10f: {  	v2 =	vadd.f32 v54, v20;
	[tilespmem:s21+$0x70] =	vst v3;
	v3 =	vld [tilespmem:$0x1FE20];
	v4 =	vmul.f32 v7, v4;
	v7 =	vmul.f32 v7, v8  }
0x110: {  	[tilespmem:s21+$0xFFFFFED0] =	vst v0;
	v0 =	vadd.f32 v55, v21;
	v54 =	vsub.f32 v6, v5  }
0x111: {  	v8 =	vimm.s32 $0xB;
	v55 =	vsub.f32 v4, v5;
	v4 =	vsub.f32 v7, v5;
	v5 =	vld [tilespmem:$0x1FE30]  }
0x112: {  	v6 =	vperm.xlane v25, v8;
	_ =	sdelay $0x1  }
0x113: {  	v8 =	vperm.xlane v15, v8;
	v3 =	vmul.f32 v6, v3;
	_ =	sdelay $0x1  }
0x114: {  	v3 =	vsub.f32 v3, v8;
	v5 =	vmul.f32 v6, v5;
	_ =	sdelay $0x1  }
0x115: {  	[tilespmem:s21+$0xFFFFFF30] =	vst v58;
	v58 =	vmul.f32 v3, v16;
	v3 =	vsub.f32 v5, v8;
	v5 =	vld [tilespmem:$0x1FE00];
	_ =	sdelay $0x2  }
0x116: {  	v4 =	vmul.f32 v4, v19;
	_ =	sdelay $0x1  }
0x117: {  	[tilespmem:s21+$0xFFFFFF20] =	vst v57;
	v57 =	vadd.f32 v4, v23;
	v4 =	vld [tilespmem:$0x1FE10];
	v5 =	vmul.f32 v6, v5;
	_ =	sdelay $0x1  }
0x118: {  	[tilespmem:s21+$0xFFFFFF00] =	vst v2;
	v2 =	vadd.f32 v60, v20;
	v60 =	vmul.f32 v3, v17;
	v3 =	vsub.f32 v5, v8;
	_ =	sdelay $0x1  }
0x119: {  	v63 =	vmul.f32 v3, v19;
	v3 =	vld [tilespmem:$0x1FDC0]  }
0x11a: {  	v4 =	vmul.f32 v6, v4  }
0x11b: {  	v6 =	vimm.s32 $0xC  }
0x11c: {  	v62 =	vmul.f32 v59, v17;
	v59 =	vsub.f32 v4, v8;
	v4 =	vperm.xlane v25, v6  }
0x11d: {  	v5 =	vld [tilespmem:$0x1FDD0]  }
0x11e: {  	v6 =	vperm.xlane v15, v6;
	v3 =	vmul.f32 v4, v3  }
0x11f: {  	v7 =	vld [tilespmem:$0x1FDF0]  }
0x120: {  	[tilespmem:s21+$0xFFFFFF70] =	vst v33;
	v33 =	vsub.f32 v3, v6;
	v3 =	vld [tilespmem:$0x1FDE0];
	_ =	sdelay $0x1  }
0x121: {  	v5 =	vmul.f32 v4, v5  }
0x122: {  	[tilespmem:s21+$0xFFFFFF10] =	vst v0;
	v0 =	vadd.f32 v62, v21;
	v36 =	vmul.f32 v34, v17  }
0x123: {  	v7 =	vmul.f32 v4, v7;
	v5 =	vsub.f32 v5, v6  }
0x124: {  	[tilespmem:s21+$0xFFFFFF50] =	vst v0;
	v0 =	vadd.f32 v36, v21;
	v3 =	vmul.f32 v4, v3  }
0x125: {  	v34 =	vmul.f32 v5, v16;
	v4 =	vsub.f32 v7, v6;
	v7 =	vimm.s32 $0xD  }
0x126: {  	v5 =	vperm.xlane v25, v7;
	v36 =	vsub.f32 v3, v6;
	v3 =	vperm.xlane v15, v7;
	v7 =	vld [tilespmem:$0x1FD80];
	_ =	sdelay $0x3  }
0x127: {  	v4 =	vmul.f32 v4, v18;
	v6 =	vmul.f32 v5, v11  }
0x128: {  	v7 =	vmul.f32 v5, v7  }
0x129: {  	v37 =	vadd.f32 v4, v22;
	v4 =	vsub.f32 v6, v3;
	v6 =	vld [tilespmem:$0x1FDB0]  }
0x12a: {  	[tilespmem:s21+$0xFFFFFFB0] =	vst v39;
	v39 =	vsub.f32 v7, v3;
	v7 =	vld [tilespmem:$0x1FDA0];
	_ =	sdelay $0x3  }
0x12b: {  	[tilespmem:s21+$0xFFFFFEE0] =	vst v51  }
0x12c: {  	[tilespmem:s21+$0xFFFFFF40] =	vst v2;
	v42 =	vadd.f32 v40, v21;
	v6 =	vmul.f32 v5, v6;
	v5 =	vmul.f32 v5, v7  }
0x12d: {  	[tilespmem:s21+$0xFFFFFF60] =	vst v32;
	v2 =	vadd.f32 v35, v20  }
0x12e: {  	[tilespmem:s21+$0xFFFFFFD0] =	vst v42;
	v40 =	vmul.f32 v4, v16;
	v7 =	vimm.s32 $0xE;
	v42 =	vsub.f32 v5, v3;
	v5 =	vld [tilespmem:$0x1FD60]  }
0x12f: {  	[tilespmem:s21+$0xFFFFFF80] =	vst v2;
	v4 =	vsub.f32 v6, v3;
	v6 =	vperm.xlane v25, v7;
	v3 =	vperm.xlane v15, v7;
	v7 =	vld [tilespmem:$0x1FD70]  }
0x130: {  	[tilespmem:s21+$0xFFFFFF90] =	vst v0;
	v0 =	vmul.f32 v45, v16  }
0x131: {  	[tilespmem:s21+$0xFFFFFFA0] =	vst v38;
	v2 =	vadd.f32 v44, v22  }
0x132: {  	[tilespmem:s21+$0xFFFFFFC0] =	vst v41;
	v0 =	vadd.f32 v0, v20;
	v1 =	vmul.f32 v46, v17;
	v51 =	vmul.f32 v49, v16  }
0x133: {  	[tilespmem:s21+$0xFFFFFFE0] =	vst v2;
	v2 =	vadd.f32 v47, v22;
	v4 =	vmul.f32 v4, v18;
	v5 =	vmul.f32 v6, v5  }
0x134: {  	[tilespmem:s21+$0x0] =	vst v0;
	v1 =	vadd.f32 v1, v21;
	v0 =	vadd.f32 v51, v20;
	v7 =	vmul.f32 v6, v7  }
0x135: {  	[tilespmem:s21+$0x20] =	vst v2;
	v2 =	vmul.f32 v50, v18;
	v43 =	vadd.f32 v4, v22;
	v4 =	vsub.f32 v5, v3;
	v5 =	vld [tilespmem:$0x1FD50]  }
0x136: {  	[tilespmem:s21+$0x10] =	vst v1;
	v1 =	vadd.f32 v52, v21;
	v45 =	vsub.f32 v7, v3;
	v7 =	vld [tilespmem:$0x1FD40]  }
0x137: {  	[tilespmem:s21+$0x40] =	vst v0;
	v2 =	vadd.f32 v2, v22;
	v0 =	vmul.f32 v53, v16  }
0x138: {  	[tilespmem:s21+$0x50] =	vst v1;
	v1 =	vmul.f32 v54, v17  }
0x139: {  	[tilespmem:s21+$0x60] =	vst v2;
	v0 =	vadd.f32 v0, v20;
	v2 =	vmul.f32 v55, v18  }
0x13a: {  	[tilespmem:s21+$0x30] =	vst v48;
	v1 =	vadd.f32 v1, v21  }
0x13b: {  	[tilespmem:s21+$0x80] =	vst v0;
	v56 =	vadd.f32 v2, v22;
	v5 =	vmul.f32 v6, v5;
	v6 =	vmul.f32 v6, v7  }
0x13c: {  	[tilespmem:s21+$0x90] =	vst v1;
	v1 =	vadd.f32 v58, v20;
	v62 =	vadd.f32 v60, v21;
	v0 =	vmul.f32 v59, v18  }
0x13d: {  	[tilespmem:s21+$0xA0] =	vst v56;
	v46 =	vmul.f32 v4, v16;
	v7 =	vimm.s32 $0xF;
	v48 =	vsub.f32 v6, v3;
	v6 =	vld [tilespmem:$0x1FD10]  }
0x13e: {  	[tilespmem:s21+$0xB0] =	vst v57;
	v4 =	vsub.f32 v5, v3;
	v5 =	vperm.xlane v25, v7;
	v3 =	vperm.xlane v15, v7;
	v7 =	vld [tilespmem:$0x1FD20]  }
0x13f: {  	[tilespmem:s21+$0xC0] =	vst v1;
	v0 =	vadd.f32 v0, v22  }
0x140: {  	[tilespmem:s21+$0xD0] =	vst v62;
	v32 =	vadd.f32 v63, v23;
	v35 =	vmul.f32 v33, v17  }
0x141: {  	[tilespmem:s21+$0xE0] =	vst v0;
	v0 =	vadd.f32 v34, v20;
	v2 =	vmul.f32 v36, v19  }
0x142: {  	[tilespmem:s21+$0xF0] =	vst v32;
	v1 =	vadd.f32 v35, v21;
	v4 =	vmul.f32 v4, v18;
	v6 =	vmul.f32 v5, v6  }
0x143: {  	[tilespmem:s21+$0x100] =	vst v0;
	v38 =	vadd.f32 v2, v23;
	v7 =	vmul.f32 v5, v7  }
0x144: {  	[tilespmem:s21+$0x110] =	vst v1;
	v41 =	vmul.f32 v39, v17;
	v49 =	vadd.f32 v4, v22;
	v4 =	vsub.f32 v6, v3;
	v6 =	vld [tilespmem:$0x1FD30]  }
0x145: {  	[tilespmem:s21+$0x120] =	vst v37;
	v0 =	vadd.f32 v40, v20;
	v51 =	vsub.f32 v7, v3;
	v7 =	vld [tilespmem:$0x1FFF0]  }
0x146: {  	[tilespmem:s21+$0x130] =	vst v38;
	v1 =	vadd.f32 v41, v21;
	v2 =	vmul.f32 v42, v19  }
0x147: {  	[tilespmem:s21+$0x140] =	vst v0  }
0x148: {  	[tilespmem:s21+$0x150] =	vst v1;
	v44 =	vadd.f32 v2, v23;
	v47 =	vmul.f32 v45, v17  }
0x149: {  	[tilespmem:s21+$0x160] =	vst v43;
	v0 =	vadd.f32 v46, v20;
	v6 =	vmul.f32 v5, v6  }
0x14a: {  	[tilespmem:s21+$0x170] =	vst v44;
	v1 =	vadd.f32 v47, v21;
	v2 =	vmul.f32 v48, v19;
	v5 =	vmul.f32 v5, v7  }
0x14b: {  	[tilespmem:s21+$0x180] =	vst v0;
	v52 =	vmul.f32 v4, v16;
	v4 =	vsub.f32 v6, v3  }
0x14c: {  	[tilespmem:s21+$0x190] =	vst v1;
	v50 =	vadd.f32 v2, v23;
	v53 =	vmul.f32 v51, v17;
	v54 =	vsub.f32 v5, v3  }
0x14d: {  	[tilespmem:s21+$0x1A0] =	vst v49;
	v0 =	vadd.f32 v52, v20;
	v3 =	vmul.f32 v4, v18  }
0x14e: {  	[tilespmem:s21+$0x1B0] =	vst v50;
	v1 =	vadd.f32 v53, v21;
	v2 =	vmul.f32 v54, v19  }
0x14f: {  	[tilespmem:s21+$0x1C0] =	vst v0;
	v55 =	vadd.f32 v3, v22  }
0x150: {  	[tilespmem:s21+$0x1D0] =	vst v1;
	v56 =	vadd.f32 v2, v23  }
0x151: {  	[tilespmem:s21+$0x1E0] =	vst v55  }
0x152: {  	[tilespmem:s21+$0x1F0] =	vst v56;
	s21 =	sadd.s32 $0x400, s21  }
0x153: {  	v51 =	vld [tilespmem:s21+$0x1F0]  }
0x154: {  	v1 =	vld [tilespmem:s21+$0x1E0]  }
0x155: {  	v0 =	vld [tilespmem:s21+$0x1D0]  }
0x156: {  	v57 =	vld [tilespmem:s21+$0x1C0]  }
0x157: {  	v3 =	vld [tilespmem:s21+$0x1B0]  }
0x158: {  	v4 =	vld [tilespmem:s21+$0x1A0]  }
0x159: {  	v6 =	vld [tilespmem:s21+$0x190]  }
0x15a: {  	v5 =	vld [tilespmem:s21+$0x180]  }
0x15b: {  	v7 =	vld [tilespmem:s21+$0x170]  }
0x15c: {  	v8 =	vld [tilespmem:s21+$0x160]  }
0x15d: {  	v9 =	vld [tilespmem:s21+$0x150]  }
0x15e: {  	v10 =	vld [tilespmem:s21+$0x140];
	[tilespmem:$0x1FD40] =	vst v3  }
0x15f: {  	v11 =	vld [tilespmem:s21+$0x130];
	[tilespmem:$0x1FD50] =	vst v4  }
0x160: {  	v12 =	vld [tilespmem:s21+$0x120];
	v62 =	vmov v0;
	v0 =	vadd.f32 v0, v57;
	v63 =	vmov v1;
	[tilespmem:$0x1FD60] =	vst v5  }
0x161: {  	v13 =	vld [tilespmem:s21+$0x110];
	v1 =	vadd.f32 v51, v1;
	v58 =	vmul.f32 v3, v3;
	v59 =	vadd.f32 v6, v5;
	[tilespmem:$0x1FD70] =	vst v6  }
0x162: {  	v3 =	vadd.f32 v3, v4;
	v4 =	vmul.f32 v4, v4;
	[tilespmem:$0x1FDA0] =	vst v7;
	v36 =	vadd.f32 v7, v8;
	v7 =	vld [tilespmem:s21+$0xF0]  }
0x163: {  	v5 =	vmul.f32 v5, v5;
	v6 =	vmul.f32 v6, v6;
	[tilespmem:$0x1FD80] =	vst v9;
	v35 =	vadd.f32 v9, v10;
	v9 =	vld [tilespmem:s21+$0xD0]  }
0x164: {  	[tilespmem:$0x1FD90] =	vst v10;
	v10 =	vld [tilespmem:s21+$0xC0];
	v0 =	vadd.f32 v1, v0  }
0x165: {  	v33 =	vadd.f32 v6, v5;
	v2 =	vadd.f32 v58, v4;
	v5 =	vld [tilespmem:s21+$0x100]  }
0x166: {  	v37 =	vmul.f32 v11, v11;
	[tilespmem:$0x1FDE0] =	vst v11;
	v32 =	vadd.f32 v3, v59;
	v3 =	vadd.f32 v11, v12;
	v11 =	vld [tilespmem:s21+$0xB0]  }
0x167: {  	[tilespmem:$0x1FDF0] =	vst v12;
	v4 =	vmul.f32 v12, v12;
	v12 =	vld [tilespmem:s21+$0xA0];
	(xrf2) =	vadd.scan.msk.f32 $0xffff, v0;
	v34 =	vadd.f32 v2, v33  }
0x168: {  	[tilespmem:$0x1FDB0] =	vst v8;
	v8 =	vld [tilespmem:s21+$0xE0];
	v1 =	vadd.f32 v36, v35;
	(xrf2) =	vadd.scan.msk.f32 $0xffff, v32  }
0x169: {  	(xrf2) =	vadd.scan.msk.f32 $0xffff, v34  }
0x16a: {  	v6 =	vmul.f32 v13, v13;
	v14 =	vadd.f32 v13, v5;
	(xrf2) =	vadd.scan.msk.f32 $0xffff, v1  }
0x16b: {  	v25 =	vld [tilespmem:s21+$0xFFFFFF90];
	v0 =	vadd.f32 v37, v4;
	v15 =	vadd.f32 v9, v10;
	[tilespmem:$0x1FDD0] =	vst v5;
	v5 =	vmul.f32 v5, v5  }
0x16c: {  	[tilespmem:$0x1FDC0] =	vst v13;
	v41 =	vmul.f32 v7, v7;
	v13 =	vld [tilespmem:s21+$0x90];
	v48 =	vadd.f32 v11, v12;
	v38 =	vadd.f32 v3, v14  }
0x16d: {  	v4 =	vmul.f32 v8, v8;
	v29 =	vmovc v12;
	v12 =	vld [tilespmem:s21+$0x20];
	v40 =	vadd.f32 v6, v5;
	v3 =	vadd.f32 v7, v8  }
0x16e: {  	v14 =	vld [tilespmem:s21+$0x80];
	v5 =	vmul.f32 v10, v10;
	v6 =	vmul.f32 v9, v9  }
0x16f: {  	[tilespmem:$0x1FE00] =	vst v7;
	v7 =	vld [tilespmem:s21+$0x70];
	v0 =	vadd.f32 v0, v40;
	v42 =	vadd.f32 v3, v15  }
0x170: {  	[tilespmem:$0x1FE20] =	vst v10;
	v10 =	vld [tilespmem:s21+$0x60];
	v44 =	vadd.f32 v6, v5;
	v3 =	vadd.f32 v41, v4  }
0x171: {  	v15 =	vld [tilespmem:s21+$0x50];
	v39, _, _ =	vpop (xrf2);
	(xrf2) =	vadd.scan.msk.f32 $0xffff, v38  }
0x172: {  	[tilespmem:$0x1FEE0] =	vst v25;
	v6 =	vld [tilespmem:s21+$0x40];
	v45 =	vadd.f32 v3, v44;
	v36, _, _ =	vpop (xrf2);
	(xrf2) =	vadd.scan.msk.f32 $0xffff, v0  }
0x173: {  	[tilespmem:$0x1FE10] =	vst v8;
	v5 =	vmov v11;
	v11 =	vld [tilespmem:s21+$0x30];
	v43, _, _ =	vpop (xrf2);
	(xrf2) =	vadd.scan.msk.f32 $0xffff, v42  }
0x174: {  	[tilespmem:$0x1FE40] =	vst v13;
	v47 =	vadd.f32 v13, v14;
	v13 =	vld [tilespmem:s21+$0x10];
	v46, _, _ =	vpop (xrf2);
	(xrf2) =	vadd.scan.msk.f32 $0xffff, v45  }
0x175: {  	v3 =	vadd.f32 v7, v10;
	[tilespmem:$0x1FE90] =	vst v10;
	v4 =	vmul.f32 v10, v10;
	v10 =	vld [tilespmem:s21+$0x0]  }
0x176: {  	v49 =	vmul.f32 v7, v7;
	[tilespmem:$0x1FE80] =	vst v7  }
0x177: {  	v52 =	vld [tilespmem:s21+$0xFFFFFFF0];
	v8 =	vadd.f32 v15, v6;
	[tilespmem:$0x1FE70] =	vst v6;
	v6 =	vmul.f32 v6, v6;
	v7 =	vmul.f32 v15, v15  }
0x178: {  	v24 =	vld [tilespmem:s21+$0xFFFFFFC0];
	[tilespmem:$0x1FED0] =	vst v12;
	v1 =	vadd.f32 v48, v47;
	v0 =	vadd.f32 v49, v4  }
0x179: {  	[tilespmem:$0x1FE50] =	vst v14;
	v14 =	vld [tilespmem:s21+$0xFFFFFFE0];
	v50 =	vadd.f32 v3, v8;
	v54 =	vadd.f32 v7, v6  }
0x17a: {  	[tilespmem:$0x1FE60] =	vst v15;
	v15 =	vld [tilespmem:s21+$0xFFFFFFD0];
	v4 =	vmul.f32 v12, v12;
	v3 =	vadd.f32 v11, v12;
	v8 =	vadd.f32 v13, v10  }
0x17b: {  	v12 =	vld [tilespmem:s21+$0xFFFFFFB0];
	v6 =	vmul.f32 v10, v10;
	v7 =	vmul.f32 v13, v13;
	v0 =	vadd.f32 v0, v54;
	v35, _, _ =	vpop (xrf2);
	(xrf2) =	vadd.scan.msk.f32 $0xffff, v1  }
0x17c: {  	[tilespmem:$0x1FEA0] =	vst v13;
	v13 =	vld [tilespmem:s21+$0xFFFFFFA0];
	v56 =	vadd.f32 v3, v8;
	v53, _, _ =	vpop (xrf2);
	(xrf2) =	vadd.scan.msk.f32 $0xffff, v50  }
0x17d: {  	[tilespmem:$0x1FF20] =	vst v39;
	v58 =	vadd.f32 v7, v6;
	v6 =	vld [tilespmem:s21+$0xFFFFFF80];
	v40, _, _ =	vpop (xrf2);
	(xrf2) =	vadd.scan.msk.f32 $0xffff, v0  }
0x17e: {  	v26 =	vld [tilespmem:s21+$0xFFFFFED0];
	v60 =	vmov v57;
	[tilespmem:$0x1FF70] =	vst v43;
	v57, _, _ =	vpop (xrf2);
	(xrf2) =	vadd.scan.msk.f32 $0xffff, v56  }
0x17f: {  	v55 =	vmul.f32 v11, v11;
	[tilespmem:$0x1FEB0] =	vst v10;
	v10 =	vmov v14;
	v33 =	vadd.f32 v52, v14;
	v14 =	vld [tilespmem:s21+$0xFFFFFF70]  }
0x180: {  	[tilespmem:$0x1FEC0] =	vst v11;
	v11 =	vmovc v24;
	v31 =	vmov v15;
	v32 =	vadd.f32 v15, v24;
	v15 =	vld [tilespmem:s21+$0xFFFFFF60];
	v7 =	vmul.f32 v25, v25  }
0x181: {  	v24 =	vld [tilespmem:s21+$0xFFFFFF50];
	v34 =	vmul.f32 v12, v12;
	[tilespmem:$0x1FF00] =	vst v12;
	v1 =	vadd.f32 v55, v4;
	v3 =	vadd.f32 v12, v13  }
0x182: {  	v4 =	vmul.f32 v13, v13;
	v12 =	vld [tilespmem:s21+$0xFFFFFF40];
	v45 =	vadd.f32 v25, v6;
	[tilespmem:$0x1FEF0] =	vst v6;
	v6 =	vmul.f32 v6, v6  }
0x183: {  	[tilespmem:$0x1FF80] =	vst v46;
	v8 =	vld [tilespmem:s21+$0xFFFFFF00];
	v59 =	vadd.f32 v1, v58;
	v1 =	vadd.f32 v33, v32  }
0x184: {  	[tilespmem:$0x1FF10] =	vst v13;
	v25 =	vld [tilespmem:s21+$0xFFFFFF30];
	v0 =	vadd.f32 v34, v4;
	v47 =	vadd.f32 v7, v6  }
0x185: {  	[tilespmem:$0x1FF60] =	vst v15;
	v4 =	vmul.f32 v15, v15;
	v46 =	vadd.f32 v3, v45;
	v7 =	vld [tilespmem:s21+$0xFFFFFF20];
	v41, _, _ =	vpop (xrf2);
	(xrf2) =	vadd.scan.msk.f32 $0xffff, v59  }
0x186: {  	v13 =	vmul.f32 v24, v24;
	v6 =	vld [tilespmem:s21+$0xFFFFFF10];
	v3 =	vadd.f32 v14, v15;
	v0 =	vadd.f32 v0, v47;
	v43, _, _ =	vpop (xrf2);
	(xrf2) =	vadd.scan.msk.f32 $0xffff, v1  }
0x187: {  	v15 =	vld [tilespmem:s21+$0xFFFFFEF0];
	v49 =	vadd.f32 v24, v12;
	[tilespmem:$0x1FF40] =	vst v12;
	v12 =	vmul.f32 v12, v12;
	v39, _, _ =	vpop (xrf2);
	(xrf2) =	vadd.scan.msk.f32 $0xffff, v46  }
0x188: {  	[tilespmem:$0x1FF30] =	vst v24;
	v24 =	vld [tilespmem:s21+$0xFFFFFEE0];
	v44, _, _ =	vpop (xrf2);
	(xrf2) =	vadd.scan.msk.f32 $0xffff, v0  }
0x189: {  	[tilespmem:$0x1FF90] =	vst v53;
	v53 =	vadd.f32 v13, v12;
	v12 =	vld [tilespmem:s21+$0xFFFFFEC0]  }
0x18a: {  	v48 =	vmul.f32 v14, v14  }
0x18b: {  	v50 =	vadd.f32 v3, v49  }
0x18c: {  	v55 =	vadd.f32 v6, v8;
	v1 =	vadd.f32 v48, v4  }
0x18d: {  	v56 =	vadd.f32 v25, v7;
	v3 =	vadd.f32 v15, v24  }
0x18e: {  	v13 =	vld [tilespmem:s21+$0xFFFFFEB0];
	v58 =	vadd.f32 v26, v12;
	v54 =	vadd.f32 v1, v53  }
0x18f: {  	[tilespmem:$0x1FFC0] =	vst v24;
	v4 =	vmul.f32 v24, v24;
	v24 =	vld [tilespmem:s21+$0xFFFFFE80];
	v1 =	vadd.f32 v56, v55;
	v42, _, _ =	vpop (xrf2);
	(xrf2) =	vadd.scan.msk.f32 $0xffff, v50  }
0x190: {  	v59 =	vadd.f32 v3, v58;
	v46, _, _ =	vpop (xrf2);
	(xrf2) =	vadd.scan.msk.f32 $0xffff, v54;
	v54 =	vld [tilespmem:s21+$0xFFFFFE90]  }
0x191: {  	[tilespmem:$0x1FF50] =	vst v14;
	v14 =	vld [tilespmem:s21+$0xFFFFFEA0];
	v47, _, _ =	vpop (xrf2);
	(xrf2) =	vadd.scan.msk.f32 $0xffff, v1  }
0x192: {  	v27 =	vld [tilespmem:s21+$0xFFFFFE60];
	[tilespmem:$0x1FFA0] =	vst v57;
	v57 =	vmul.f32 v15, v15;
	v45, _, _ =	vpop (xrf2);
	(xrf2) =	vadd.scan.msk.f32 $0xffff, v59  }
0x193: {  	v28 =	vld [tilespmem:s21+$0xFFFFFE50];
	v33 =	vmovc v6;
	v6 =	vmov v25;
	[tilespmem:$0x1FFB0] =	vst v15;
	v25 =	vmul.f32 v26, v26;
	v15 =	vmul.f32 v12, v12  }
0x194: {  	[tilespmem:$0x1FFD0] =	vst v26;
	v26 =	vld [tilespmem:s21+$0xFFFFFE70];
	v34 =	vmul.f32 v13, v13  }
0x195: {  	v30 =	vld [tilespmem:s21+$0xFFFFFE40];
	v32 =	vadd.f32 v25, v15;
	v15 =	vmul.f32 v24, v24;
	v25 =	vmul.f32 v54, v54  }
0x196: {  	v0 =	vadd.f32 v57, v4;
	v4 =	vmul.f32 v14, v14;
	v3 =	vadd.f32 v13, v14  }
0x197: {  	p0 =	sne.s32 s23, $0x9C0;
	[tilespmem:$0x1FE30] =	vst v9;
	v37 =	vadd.f32 v54, v24;
	v50 =	vadd.f32 v25, v15  }
.Ltmp0:
0x198: {  	v9 =	vmovc v8;
	v8 =	vmovc v7;
	v7 =	vmov v52;
	v0 =	vadd.f32 v0, v32;
	v1 =	vadd.f32 v34, v4;
	(pc) =	sbr.rel @p0 .LBB2_3-.Ltmp0, $4  }
0x199: {  	v52 =	vmul.f32 v52, v52;
	v32 =	vld [tilespmem:s21+$0xFFFFFE30];
	v53 =	vadd.f32 v26, v27;
	v38 =	vadd.f32 v3, v37;
	v49, _, _ =	vpop (xrf2)  }
0x19a: {  	v57 =	vmul.f32 v27, v27;
	v34 =	vld [tilespmem:s21+$0xFFFFFE20];
	(xrf2) =	vadd.scan.msk.f32 $0xffff, v0;
	v0 =	vadd.f32 v1, v50;
	v1 =	vadd.f32 v28, v30;
	v48, _, _ =	vpop (xrf2)  }
0x19b: {  	[tilespmem:$0x1FFF0] =	vst v51;
	v58 =	vmul.f32 v30, v30;
	v55 =	vmul.f32 v26, v26;
	v37 =	vld [tilespmem:s21+$0xFFFFFE10];
	(xrf2) =	vadd.scan.msk.f32 $0xffff, v38;
	v50, _, _ =	vpop (xrf2)  }
0x19c: {  	s22 =	smov.u32 s23;
	s23 =	sadd.s32 $0x40, s23;
	v59 =	vmul.f32 v28, v28;
	v38 =	vld [tilespmem:s21+$0xFFFFFE00];
	(xrf2) =	vadd.scan.msk.f32 $0xffff, v0;
	v56 =	vadd.f32 v53, v1;
	v53 =	vmul.f32 v51, v51;
	v51, _, _ =	vpop (xrf2)  }
0x19d: {  	_ =	sdelay $0x1  }
0x19e: {  	v1 =	vadd.f32 v55, v57;
	v55 =	vmul.f32 v6, v6;
	v57 =	vmul.f32 v8, v8  }
0x19f: {  	v0 =	vadd.f32 v59, v58;
	v2 =	vmul.f32 v32, v32;
	v15 =	vmul.f32 v34, v34  }
0x1a0: {  	[tilespmem:$0x1FCB0] =	vst v6;
	v4 =	vadd.f32 v32, v34;
	v59 =	vmul.f32 v37, v37;
	v25 =	vmul.f32 v38, v38  }
0x1a1: {  	[tilespmem:$0x1FD10] =	vst v60;
	v60 =	vmul.f32 v60, v60;
	v0 =	vadd.f32 v1, v0;
	v3 =	vadd.f32 v37, v38  }
0x1a2: {  	[tilespmem:$0x1FD30] =	vst v63;
	v2 =	vadd.f32 v2, v15;
	v15 =	vmul.f32 v62, v62;
	v25 =	vadd.f32 v59, v25  }
0x1a3: {  	v6 =	vmovc v33;
	v33 =	vmul.f32 v33, v33;
	[tilespmem:$0x1FD20] =	vst v62;
	(xrf2) =	vadd.scan.msk.f32 $0xffff, v56;
	v62 =	vld [tilespmem:$0x1FE40];
	v1 =	vadd.f32 v4, v3  }
0x1a4: {  	(xrf2) =	vadd.scan.msk.f32 $0xffff, v0;
	v4 =	vadd.f32 v15, v60;
	v60 =	vld [tilespmem:$0x1FE50];
	v58 =	vadd.f32 v2, v25;
	v25 =	vmul.f32 v9, v9  }
0x1a5: {  	[tilespmem:$0x1FCD0] =	vst v31;
	v56 =	vmul.f32 v11, v11;
	v0 =	vadd.f32 v55, v57;
	(xrf2) =	vadd.scan.msk.f32 $0xffff, v1  }
0x1a6: {  	v57 =	vmul.f32 v31, v31;
	v2 =	vadd.f32 v33, v25;
	(xrf2) =	vadd.scan.msk.f32 $0xffff, v58;
	v58 =	vmul.f32 v10, v10  }
0x1a7: {  	[tilespmem:$0x1FCE0] =	vst v10;
	v31 =	vld [tilespmem:$0x1FDA0];
	v59 =	vmovc v8;
	v8 =	vmov v9;
	v9 =	vmul.f32 v5, v5;
	v10 =	vmul.f32 v29, v29  }
0x1a8: {  	[tilespmem:$0x1FCF0] =	vst v29;
	v55 =	vmul.f32 v63, v63;
	v0 =	vadd.f32 v0, v2;
	v2 =	vadd.f32 v52, v58;
	v58 =	vld [tilespmem:$0x1FDB0]  }
0x1a9: {  	v63 =	vmovc v11;
	v29 =	vmul.f32 v62, v62;
	v11 =	vmul.f32 v60, v60;
	v52 =	vadd.f32 v9, v10;
	v9 =	vld [tilespmem:$0x1FD80]  }
0x1aa: {  	v3 =	vadd.f32 v57, v56;
	v10 =	vld [tilespmem:$0x1FD90]  }
0x1ab: {  	v50 =	vbroadcast v50, $0xF;
	v1 =	vadd.f32 v53, v55;
	v25, _, _ =	vpop (xrf2);
	v55 =	vadd.f32 v29, v11  }
0x1ac: {  	v33 =	vmul.f32 v31, v31;
	v25 =	vbroadcast v25, $0xF;
	(xrf2) =	vadd.scan.msk.f32 $0xffff, v0;
	v2 =	vadd.f32 v2, v3  }
0x1ad: {  	v52 =	vadd.f32 v52, v55;
	v55 =	vbroadcast v51, $0xF;
	v51 =	vbroadcast v35, $0xF  }
0x1ae: {  	[tilespmem:$0x1FD00] =	vst v5;
	v0, _, _ =	vpop (xrf2);
	(xrf2) =	vadd.scan.msk.f32 $0xffff, v2;
	v5 =	vmul.f32 v58, v58;
	v2 =	vmul.f32 v9, v9  }
0x1af: {  	v15, _, _ =	vpop (xrf2);
	v11 =	vmul.f32 v10, v10;
	v0 =	vbroadcast v0, $0xF  }
0x1b0: {  	v9 =	vbroadcast v47, $0xF;
	v10 =	vbroadcast v46, $0xF;
	v3, _, _ =	vpop (xrf2)  }
0x1b1: {  	v46 =	vbroadcast v41, $0xF;
	v47 =	vbroadcast v42, $0xF;
	v53, _, _ =	vpop (xrf2)  }
0x1b2: {  	v15 =	vbroadcast v15, $0xF;
	v56 =	vadd.f32 v33, v5;
	v2 =	vadd.f32 v2, v11;
	v29, _, _ =	vpop (xrf2)  }
0x1b3: {  	v1 =	vadd.f32 v1, v4;
	(xrf2) =	vadd.scan.msk.f32 $0xffff, v52;
	v3 =	vbroadcast v3, $0xF;
	v31 =	vbroadcast v29, $0xF;
	v33, _, _ =	vpop (xrf2)  }
0x1b4: {  	v53 =	vbroadcast v53, $0xF;
	v2 =	vadd.f32 v56, v2;
	v4 =	vbroadcast v33, $0xF  }
0x1b5: {  	v52 =	vld [tilespmem:$0x1FF80];
	v11 =	vbroadcast v44, $0xF;
	v56 =	vbroadcast v49, $0xF;
	v3 =	vsel vm0, v31, v3  }
0x1b6: {  	v29 =	vbroadcast v45, $0xF;
	v0 =	vsel vm1, v3, v0;
	v4 =	vsel vm0, v4, v53;
	v57, _, _ =	vpop (xrf2);
	(xrf2) =	vadd.scan.msk.f32 $0xffff, v2  }
0x1b7: {  	v0 =	vsel vm2, v0, v55;
	v4 =	vsel vm1, v4, v15;
	v15 =	vbroadcast v57, $0xF  }
0x1b8: {  	v45 =	vbroadcast v43, $0xF;
	v0 =	vsel vm3, v0, v50;
	v58 =	vsel vm2, v4, v25  }
0x1b9: {  	v0 =	vsel vm4, v0, v56;
	v2 =	vsel vm3, v58, v15;
	v15 =	vbroadcast v48, $0xF  }
0x1ba: {  	v3 =	vbroadcast v52, $0xF;
	v53 =	vld [tilespmem:$0x1FFA0];
	v55 =	vbroadcast v36, $0xF;
	v31, _, _ =	vpop (xrf2);
	(xrf2) =	vadd.scan.msk.f32 $0xffff, v1;
	v0 =	vsel vm5, v0, v9  }
0x1bb: {  	v33 =	vbroadcast v31, $0xF;
	v56 =	vld [tilespmem:$0x1FF90];
	v2 =	vsel vm4, v2, v15;
	v0 =	vsel vm6, v0, v10  }
0x1bc: {  	v5 =	vld [tilespmem:$0x1FF70];
	v48 =	vbroadcast v40, $0xF;
	v44 =	vsel vm5, v2, v29;
	v0 =	vsel vm7, v0, v11  }
0x1bd: {  	v49, _, _ =	vpop (xrf2);
	v15 =	vbroadcast v39, $0xF;
	v11 =	vld [tilespmem:$0x1FFE0];
	v1 =	vsel vm6, v44, v33;
	v0 =	vsel vm8, v0, v45  }
0x1be: {  	v50 =	vbroadcast v49, $0xF;
	v9 =	vld [tilespmem:$0x1FF20];
	v1 =	vsel vm7, v1, v47;
	v0 =	vsel vm9, v0, v46  }
0x1bf: {  	v4 =	vbroadcast v53, $0xF;
	v1 =	vsel vm8, v1, v15;
	v0 =	vsel vm10, v0, v48  }
0x1c0: {  	v15 =	vbroadcast v56, $0xF;
	v1 =	vsel vm9, v1, v50;
	v0 =	vsel vm11, v0, v51;
	v57, _, _ =	vpop (xrf2)  }
0x1c1: {  	v1 =	vsel vm10, v1, v4;
	v0 =	vsel vm12, v0, v3;
	v58 =	vbroadcast v57, $0xF  }
0x1c2: {  	v2 =	vbroadcast v5, $0xF;
	v1 =	vsel vm11, v1, v15;
	v0 =	vsel vm13, v0, v55  }
0x1c3: {  	v1 =	vsel vm12, v1, v58;
	v0 =	vsel vm14, v0, v9  }
0x1c4: {  	s22 =	sshra.s32 s22, $0x2;
	v10, _, _ =	vpop (xrf2);
	v1 =	vsel vm13, v1, v2;
	v0 =	vmul.f32 $1.562500000e-02, v0  }
0x1c5: {  	v2 =	vld.idx.msk [tilespmem:v11+s22+$0x0 ss:$0x1], $0xffff;
	v1 =	vsel vm14, v1, v10  }
0x1c6: {  	v1 =	vmul.f32 $1.562500000e-02, v1;
	v25 =	vmul.f32 v0, v0;
	_ =	sdelay $0x1  }
0x1c7: {  	v1 =	vsub.f32 v1, v25;
	_ =	sdelay $0x1  }
0x1c8: {  	v1 =	vmul.f32 v1, v2;
	_ =	sdelay $0x1  }
0x1c9: {  	v1 =	vmul.f32 v1, v2;
	_ =	sdelay $0x1  }
0x1ca: {  	v1 =	vadd.f32 $9.999999740e-06, v1;
	_ =	sdelay $0x1  }
0x1cb: {  	v29 =	vshra.s32 v1, $0x1;
	v1 =	vmul.f32 $5.000000000e-01, v1  }
0x1cc: {  	v3 =	vsub.s32 $0x5F3759DF, v29  }
0x1cd: {  	v31 =	vmul.f32 v3, v1;
	_ =	sdelay $0x1  }
0x1ce: {  	v4 =	vmul.f32 v3, v31;
	_ =	sdelay $0x1  }
0x1cf: {  	v4 =	vsub.f32 $1.500000000e+00, v4;
	_ =	sdelay $0x1  }
0x1d0: {  	v3 =	vmul.f32 v3, v4;
	_ =	sdelay $0x1  }
0x1d1: {  	v4 =	vmul.f32 v3, v1;
	_ =	sdelay $0x1  }
0x1d2: {  	v4 =	vmul.f32 v4, v3;
	_ =	sdelay $0x1  }
0x1d3: {  	v4 =	vsub.f32 $1.500000000e+00, v4;
	_ =	sdelay $0x1  }
0x1d4: {  	v3 =	vmul.f32 v4, v3;
	_ =	sdelay $0x1  }
0x1d5: {  	v1 =	vmul.f32 v3, v1;
	_ =	sdelay $0x1  }
0x1d6: {  	v1 =	vmul.f32 v1, v3;
	_ =	sdelay $0x1  }
0x1d7: {  	v1 =	vsub.f32 $1.500000000e+00, v1;
	_ =	sdelay $0x1  }
0x1d8: {  	v1 =	vmul.f32 v1, v3  }
0x1d9: {  	v0 =	vmul.f32 v0, v2  }
0x1da: {  	v25 =	vmul.f32 v1, v2  }
0x1db: {  	v15 =	vmul.f32 v1, v0  }
0x1dc: {  	v36 =	vimm.s32 $0x1;
	v33 =	vperm.xlane v25, v61  }
0x1dd: {  	v44 =	vimm.s32 $0x2;
	v39 =	vperm.xlane v15, v61;
	v42 =	vperm.xlane v15, v36  }
0x1de: {  	v48 =	vimm.s32 $0x3;
	v45 =	vperm.xlane v25, v44;
	v47 =	vperm.xlane v15, v44  }
0x1df: {  	v53 =	vld [tilespmem:$0x1FFD0];
	v51 =	vimm.s32 $0x4;
	v49 =	vperm.xlane v25, v48;
	v50 =	vperm.xlane v15, v48  }
0x1e0: {  	v57 =	vld [tilespmem:$0x1FFB0];
	v52 =	vperm.xlane v25, v51;
	v35 =	vmul.f32 v33, v38  }
0x1e1: {  	v55 =	vld [tilespmem:$0x1FFC0];
	v38 =	vperm.xlane v25, v36;
	v40 =	vmul.f32 v33, v37  }
0x1e2: {  	v41 =	vmul.f32 v33, v34;
	v2 =	vmul.f32 v33, v32  }
0x1e3: {  	v24 =	vmul.f32 v45, v24;
	v46 =	vmul.f32 v45, v54  }
0x1e4: {  	v14 =	vmul.f32 v45, v14;
	v13 =	vmul.f32 v45, v13  }
0x1e5: {  	v12 =	vmul.f32 v49, v12;
	v54 =	vmul.f32 v49, v53  }
0x1e6: {  	v56 =	vmul.f32 v49, v55;
	v9 =	vmul.f32 v49, v57  }
0x1e7: {  	v61 =	vimm.s32 $0x7;
	v8 =	vmul.f32 v52, v8;
	v58 =	vmul.f32 v52, v6  }
0x1e8: {  	v59 =	vmul.f32 v52, v59;
	v32 =	vperm.xlane v25, v61  }
0x1e9: {  	v0 =	vsub.f32 v35, v39;
	v30 =	vmul.f32 v38, v30;
	v4 =	vsub.f32 v40, v39  }
0x1ea: {  	v29 =	vsub.f32 v41, v39;
	v2 =	vsub.f32 v2, v39;
	v43 =	vmul.f32 v38, v28  }
0x1eb: {  	v27 =	vmul.f32 v38, v27;
	v24 =	vsub.f32 v24, v47;
	v28 =	vsub.f32 v46, v47  }
0x1ec: {  	v1 =	vmul.f32 v38, v26;
	v14 =	vsub.f32 v14, v47;
	v12 =	vsub.f32 v12, v50  }
0x1ed: {  	v11 =	vsub.f32 v54, v50;
	v10 =	vsub.f32 v56, v50;
	v40 =	vperm.xlane v15, v51  }
0x1ee: {  	v9 =	vsub.f32 v9, v50;
	v45 =	vmul.f32 v32, v7;
	v50 =	vimm.s32 $0x6  }
0x1ef: {  	v13 =	vsub.f32 v13, v47;
	v35 =	vperm.xlane v15, v61;
	v51 =	vperm.xlane v25, v50  }
0x1f0: {  	v26 =	vsub.f32 v30, v42;
	v3 =	vsub.f32 v43, v42;
	v0 =	vmul.f32 v0, v16  }
0x1f1: {  	v27 =	vsub.f32 v27, v42;
	v4 =	vmul.f32 v4, v17;
	v29 =	vmul.f32 v29, v18  }
0x1f2: {  	v53 =	vld [tilespmem:$0x1FEF0];
	v1 =	vsub.f32 v1, v42;
	v2 =	vmul.f32 v2, v19;
	v24 =	vmul.f32 v24, v16  }
0x1f3: {  	v43 =	vimm.s32 $0x5;
	v28 =	vmul.f32 v28, v17;
	v14 =	vmul.f32 v14, v18  }
0x1f4: {  	v8 =	vsub.f32 v8, v40;
	v13 =	vmul.f32 v13, v19;
	v12 =	vmul.f32 v12, v16  }
0x1f5: {  	v46 =	vsub.f32 v58, v40;
	v11 =	vmul.f32 v11, v17;
	v10 =	vmul.f32 v10, v18  }
0x1f6: {  	v5 =	vsub.f32 v45, v35;
	v9 =	vmul.f32 v9, v19;
	v44 =	vperm.xlane v25, v43  }
0x1f7: {  	v6 =	vsub.f32 v59, v40;
	v36 =	vperm.xlane v15, v43;
	v39 =	vmul.f32 v51, v53  }
0x1f8: {  	v48 =	vld [tilespmem:$0x1FF30];
	v5 =	vmul.f32 v5, v19;
	v0 =	vadd.f32 v0, v20;
	v4 =	vadd.f32 v4, v21  }
0x1f9: {  	v41 =	vld [tilespmem:$0x1FCB0];
	v26 =	vmul.f32 v26, v16;
	v29 =	vadd.f32 v29, v22;
	v2 =	vadd.f32 v2, v23  }
0x1fa: {  	v47 =	vld [tilespmem:$0x1FF40];
	v3 =	vmul.f32 v3, v17;
	v24 =	vadd.f32 v24, v20;
	v28 =	vadd.f32 v28, v21  }
0x1fb: {  	v49 =	vld [tilespmem:$0x1FF60];
	v27 =	vmul.f32 v27, v18;
	v14 =	vadd.f32 v14, v22;
	v13 =	vadd.f32 v13, v23  }
0x1fc: {  	v55 =	vld [tilespmem:$0x1FF10];
	v1 =	vmul.f32 v1, v19;
	v12 =	vadd.f32 v12, v20;
	v11 =	vadd.f32 v11, v21  }
0x1fd: {  	v56 =	vld [tilespmem:$0x1FF00];
	v8 =	vmul.f32 v8, v16;
	v7 =	vmul.f32 v46, v17;
	v57 =	vadd.f32 v10, v22  }
0x1fe: {  	v9 =	vadd.f32 v9, v23;
	v6 =	vmul.f32 v6, v18;
	v42 =	vmul.f32 v52, v41  }
0x1ff: {  	v46 =	vimm.s32 $0x8;
	v34 =	vmul.f32 v44, v47;
	v33 =	vmul.f32 v44, v48  }
0x200: {  	v37 =	vmul.f32 v44, v49;
	v5 =	vadd.f32 v5, v23;
	v26 =	vadd.f32 v26, v20  }
0x201: {  	v45 =	vld [tilespmem:$0x1FCE0];
	v41 =	vmul.f32 v51, v55;
	v3 =	vadd.f32 v3, v21;
	v27 =	vadd.f32 v27, v22  }
0x202: {  	v38 =	vmul.f32 v51, v56;
	v1 =	vadd.f32 v1, v23;
	[tilespmem:s21+$0xFFFFFE00] =	vst v0;
	v0 =	vadd.f32 v8, v20  }
0x203: {  	v47 =	vperm.xlane v25, v46;
	v7 =	vadd.f32 v7, v21;
	[tilespmem:s21+$0xFFFFFE10] =	vst v4;
	v4 =	vadd.f32 v6, v22  }
0x204: {  	v52 =	vld [tilespmem:$0x1FF50];
	v30 =	vsub.f32 v42, v40;
	v34 =	vsub.f32 v34, v36;
	v40 =	vperm.xlane v15, v50  }
0x205: {  	v49 =	vperm.xlane v15, v46;
	v33 =	vsub.f32 v33, v36;
	v37 =	vsub.f32 v37, v36  }
0x206: {  	[tilespmem:s21+$0xFFFFFE50] =	vst v3;
	v3 =	vmul.f32 v32, v45;
	v39 =	vsub.f32 v39, v40;
	v41 =	vsub.f32 v41, v40  }
0x207: {  	v54 =	vld [tilespmem:$0x1FEE0];
	v38 =	vsub.f32 v38, v40;
	v58 =	vmul.f32 v30, v19;
	v59 =	vmul.f32 v34, v16  }
0x208: {  	v61 =	vmul.f32 v33, v17;
	v33 =	vmul.f32 v37, v18;
	v3 =	vsub.f32 v3, v35  }
0x209: {  	[tilespmem:s21+$0xFFFFFE30] =	vst v2;
	v31 =	vmul.f32 v44, v52;
	v8 =	vadd.f32 v58, v23;
	v2 =	vadd.f32 v59, v20  }
0x20a: {  	v42 =	vld [tilespmem:$0x1FCD0];
	v6 =	vadd.f32 v61, v21;
	v37 =	vmul.f32 v39, v16;
	v39 =	vmul.f32 v32, v63  }
0x20b: {  	[tilespmem:s21+$0xFFFFFE40] =	vst v26;
	v26 =	vadd.f32 v33, v22;
	v43 =	vmul.f32 v41, v18;
	v44 =	vmul.f32 v38, v19  }
0x20c: {  	v52 =	vld [tilespmem:$0x1FED0];
	v31 =	vsub.f32 v31, v36;
	v36 =	vmul.f32 v51, v54;
	v3 =	vmul.f32 v3, v18  }
0x20d: {  	[tilespmem:s21+$0xFFFFFE20] =	vst v29;
	v50 =	vld [tilespmem:$0x1FEB0];
	v54 =	vimm.s32 $0x9;
	v10 =	vadd.f32 v37, v20;
	v30 =	vsub.f32 v39, v35  }
0x20e: {  	[tilespmem:s21+$0xFFFFFE60] =	vst v27;
	v58 =	vld [tilespmem:$0x1FE70];
	v27 =	vadd.f32 v43, v22;
	v55 =	vperm.xlane v25, v54;
	v59 =	vperm.xlane v15, v54  }
0x20f: {  	[tilespmem:s21+$0xFFFFFE80] =	vst v24;
	v51 =	vld [tilespmem:$0x1FEA0];
	v37 =	vimm.s32 $0xA;
	v34 =	vmul.f32 v31, v19;
	v31 =	vmul.f32 v32, v42  }
0x210: {  	v53 =	vld [tilespmem:$0x1FEC0];
	[tilespmem:s21+$0xFFFFFEA0] =	vst v14;
	v36 =	vsub.f32 v36, v40;
	v38 =	vperm.xlane v25, v37;
	v30 =	vmul.f32 v30, v16  }
0x211: {  	[tilespmem:s21+$0xFFFFFEB0] =	vst v13;
	v14 =	vadd.f32 v44, v23;
	v13 =	vmul.f32 v47, v52;
	v52 =	vperm.xlane v15, v37  }
0x212: {  	[tilespmem:s21+$0xFFFFFE90] =	vst v28;
	v63 =	vld [tilespmem:$0x1FE90];
	v40 =	vmul.f32 v36, v17;
	v48 =	vsub.f32 v31, v35;
	v31 =	vmul.f32 v47, v50  }
0x213: {  	[tilespmem:s21+$0xFFFFFEC0] =	vst v12;
	v54 =	vld [tilespmem:$0x1FE30];
	v29 =	vadd.f32 v34, v23;
	v28 =	vmul.f32 v55, v58;
	v44 =	vmul.f32 v38, v60  }
0x214: {  	[tilespmem:s21+$0xFFFFFED0] =	vst v11;
	v61 =	vld [tilespmem:$0x1FE60];
	v46 =	vmul.f32 v38, v62;
	v50 =	vimm.s32 $0xB;
	v33 =	vmul.f32 v47, v51  }
0x215: {  	[tilespmem:s21+$0xFFFFFEE0] =	vst v57;
	v12 =	vadd.f32 v30, v20;
	v30 =	vmul.f32 v47, v53;
	v13 =	vsub.f32 v13, v49  }
0x216: {  	[tilespmem:s21+$0xFFFFFE70] =	vst v1;
	v36 =	vld [tilespmem:$0x1FE80];
	v51 =	vperm.xlane v25, v50;
	v1 =	vadd.f32 v40, v21;
	v24 =	vmul.f32 v48, v17  }
0x217: {  	[tilespmem:s21+$0xFFFFFEF0] =	vst v9;
	v31 =	vsub.f32 v31, v49;
	v56 =	vsub.f32 v33, v49;
	v33 =	vmul.f32 v55, v63  }
0x218: {  	v47 =	vld [tilespmem:$0x1FCF0];
	v43 =	vsub.f32 v28, v59;
	[tilespmem:s21+$0xFFFFFF70] =	vst v29;
	v40 =	vmul.f32 v13, v18;
	v29 =	vmul.f32 v51, v54  }
0x219: {  	[tilespmem:s21+$0xFFFFFFF0] =	vst v5;
	v53 =	vld [tilespmem:$0x1FE20];
	v31 =	vmul.f32 v31, v16;
	v9 =	vadd.f32 v24, v21;
	v24 =	vmul.f32 v55, v61  }
0x21a: {  	[tilespmem:s21+$0xFFFFFF00] =	vst v0;
	v57 =	vsub.f32 v30, v49;
	v5 =	vmul.f32 v43, v16;
	v61 =	vperm.xlane v15, v50  }
0x21b: {  	[tilespmem:s21+$0xFFFFFF10] =	vst v7;
	v0 =	vadd.f32 v3, v22;
	v3 =	vmul.f32 v55, v36;
	v39 =	vmul.f32 v56, v17  }
0x21c: {  	[tilespmem:s21+$0xFFFFFF20] =	vst v4;
	v42 =	vmul.f32 v57, v19;
	v48 =	vsub.f32 v33, v59;
	v11 =	vadd.f32 v40, v22  }
0x21d: {  	[tilespmem:s21+$0xFFFFFF30] =	vst v8;
	v49 =	vld [tilespmem:$0x1FD00];
	v36 =	vimm.s32 $0xC;
	v41 =	vadd.f32 v31, v20;
	v45 =	vsub.f32 v24, v59  }
0x21e: {  	[tilespmem:s21+$0xFFFFFF60] =	vst v26;
	v54 =	vld [tilespmem:$0x1FD80];
	v31 =	vmul.f32 v38, v47;
	v26 =	vmul.f32 v51, v53;
	v5 =	vadd.f32 v5, v20  }
0x21f: {  	[tilespmem:s21+$0xFFFFFF40] =	vst v2;
	v43 =	vld [tilespmem:$0x1FDF0];
	v24 =	vsub.f32 v46, v52;
	v33 =	vsub.f32 v29, v61;
	v37 =	vperm.xlane v25, v36  }
0x220: {  	[tilespmem:s21+$0xFFFFFF50] =	vst v6;
	v55 =	vld [tilespmem:$0x1FE10];
	v46 =	vimm.s32 $0xD;
	v3 =	vsub.f32 v3, v59;
	v7 =	vadd.f32 v39, v21  }
0x221: {  	[tilespmem:s21+$0xFFFFFF80] =	vst v10;
	v56 =	vld [tilespmem:$0x1FE00];
	v4 =	vadd.f32 v42, v23;
	v57 =	vmul.f32 v48, v18;
	v39 =	vperm.xlane v15, v36  }
0x222: {  	[tilespmem:s21+$0xFFFFFFA0] =	vst v27;
	v59 =	vsub.f32 v44, v52;
	v47 =	vperm.xlane v25, v46;
	v32 =	vmul.f32 v38, v49  }
0x223: {  	[tilespmem:s21+$0xFFFFFFB0] =	vst v14;
	v8 =	vmul.f32 v45, v17;
	v60 =	vsub.f32 v31, v52;
	v62 =	vmul.f32 v24, v17  }
0x224: {  	[tilespmem:s21+$0xFFFFFFC0] =	vst v12;
	v28 =	vsub.f32 v26, v61;
	v12 =	vmul.f32 v33, v17;
	v3 =	vmul.f32 v3, v19  }
0x225: {  	[tilespmem:s21+$0xFFFFFF90] =	vst v1;
	v1 =	vadd.f32 v57, v22;
	v24 =	vmul.f32 v37, v43;
	v13 =	vmul.f32 v47, v54  }
0x226: {  	[tilespmem:s21+$0xFFFFFFE0] =	vst v0;
	v42 =	vld [tilespmem:$0x1FDC0];
	v43 =	vimm.s32 $0xF;
	v30 =	vmul.f32 v51, v55;
	v10 =	vmul.f32 v51, v56  }
0x227: {  	[tilespmem:s21+$0x0] =	vst v41;
	v41 =	vld [tilespmem:$0x1FDD0];
	v58 =	vadd.f32 v8, v21;
	v6 =	vsub.f32 v32, v52;
	v8 =	vmul.f32 v59, v16  }
0x228: {  	[tilespmem:s21+$0xFFFFFFD0] =	vst v9;
	v63 =	vmul.f32 v60, v18;
	v32 =	vadd.f32 v62, v21;
	v29 =	vadd.f32 v12, v21  }
0x229: {  	[tilespmem:s21+$0x20] =	vst v11;
	v34 =	vmul.f32 v28, v16;
	v3 =	vadd.f32 v3, v23;
	v49 =	vsub.f32 v24, v39  }
0x22a: {  	[tilespmem:s21+$0x40] =	vst v5;
	v51 =	vperm.xlane v15, v46;
	v8 =	vadd.f32 v8, v20;
	v35 =	vsub.f32 v30, v61  }
0x22b: {  	v45 =	vld [tilespmem:$0x1FDE0];
	[tilespmem:s21+$0x30] =	vst v4;
	v31 =	vmul.f32 v6, v19;
	v38 =	vsub.f32 v10, v61;
	v9 =	vadd.f32 v63, v22  }
0x22c: {  	v55 =	vld [tilespmem:$0x1FDB0];
	v4 =	vmul.f32 v37, v42;
	[tilespmem:s21+$0x50] =	vst v58;
	v58 =	vimm.s32 $0xE;
	v14 =	vmul.f32 v37, v41  }
0x22d: {  	[tilespmem:s21+$0x10] =	vst v7;
	v52 =	vld [tilespmem:$0x1FD90];
	v53 =	vadd.f32 v34, v20;
	v59 =	vperm.xlane v25, v58;
	v63 =	vperm.xlane v15, v58  }
0x22e: {  	[tilespmem:s21+$0x60] =	vst v1;
	v60 =	vsub.f32 v13, v51;
	v30 =	vld [tilespmem:$0x1FD70];
	v7 =	vmul.f32 v49, v18;
	v40 =	vmul.f32 v35, v18  }
0x22f: {  	[tilespmem:s21+$0x90] =	vst v32;
	v32 =	vld [tilespmem:$0x1FD40];
	v0 =	vadd.f32 v31, v23;
	v48 =	vmul.f32 v38, v19;
	v4 =	vsub.f32 v4, v39  }
0x230: {  	v57 =	vld [tilespmem:$0x1FDA0];
	[tilespmem:s21+$0xD0] =	vst v29;
	v6 =	vmul.f32 v60, v17;
	v44 =	vsub.f32 v14, v39;
	v14 =	vmul.f32 v37, v45  }
0x231: {  	[tilespmem:s21+$0x70] =	vst v3;
	v31 =	vld [tilespmem:$0x1FD50];
	v24 =	vmul.f32 v47, v55;
	v11 =	vadd.f32 v40, v22;
	v2 =	vadd.f32 v48, v23  }
0x232: {  	[tilespmem:s21+$0x80] =	vst v8;
	v33 =	vmul.f32 v4, v17;
	v48 =	vperm.xlane v15, v43;
	v50 =	vsub.f32 v14, v39  }
0x233: {  	v49 =	vld [tilespmem:$0x1FD10];
	[tilespmem:s21+$0xA0] =	vst v9;
	v14 =	vmul.f32 v47, v52;
	v5 =	vmul.f32 v44, v16;
	v61 =	vsub.f32 v24, v51  }
0x234: {  	v28 =	vld [tilespmem:$0x1FD60];
	[tilespmem:s21+$0xC0] =	vst v53;
	v12 =	vmul.f32 v59, v30;
	v3 =	vmul.f32 v59, v32;
	v39 =	vadd.f32 v7, v22  }
0x235: {  	[tilespmem:s21+$0xB0] =	vst v0;
	v44 =	vperm.xlane v25, v43;
	v0 =	vadd.f32 v33, v21;
	v56 =	vsub.f32 v14, v51  }
0x236: {  	[tilespmem:s21+$0xE0] =	vst v11;
	v14 =	vmul.f32 v47, v57;
	v24 =	vmul.f32 v59, v31;
	v34 =	vadd.f32 v5, v20  }
0x237: {  	v52 =	vld [tilespmem:$0x1FFF0];
	[tilespmem:s21+$0xF0] =	vst v2;
	v36 =	vsub.f32 v12, v63;
	v38 =	vsub.f32 v3, v63;
	v1 =	vmul.f32 v50, v19  }
0x238: {  	v42 =	vmul.f32 v61, v18;
	[tilespmem:s21+$0x120] =	vst v39;
	v47 =	vadd.f32 v6, v21;
	v8 =	vmul.f32 v44, v49  }
0x239: {  	v50 =	vld [tilespmem:$0x1FD20];
	[tilespmem:s21+$0x110] =	vst v0;
	v62 =	vsub.f32 v14, v51;
	v14 =	vmul.f32 v59, v28;
	v37 =	vsub.f32 v24, v63  }
0x23a: {  	[tilespmem:s21+$0x100] =	vst v34;
	v40 =	vmul.f32 v56, v16;
	v41 =	vadd.f32 v1, v23;
	v1 =	vadd.f32 v42, v22;
	v51 =	vld [tilespmem:$0x1FD30]  }
0x23b: {  	[tilespmem:s21+$0x150] =	vst v47;
	v53 =	vmul.f32 v36, v17;
	v8 =	vsub.f32 v8, v48;
	v2 =	vmul.f32 v38, v19  }
0x23c: {  	v0 =	vmul.f32 v44, v52;
	v35 =	vsub.f32 v14, v63;
	v45 =	vadd.f32 v40, v20;
	[tilespmem:s21+$0x130] =	vst v41  }
0x23d: {  	v46 =	vmul.f32 v62, v19;
	[tilespmem:s21+$0x160] =	vst v1;
	v55 =	vmul.f32 v37, v18;
	v56 =	vadd.f32 v53, v21  }
0x23e: {  	v58 =	vmul.f32 v8, v16;
	v2 =	vadd.f32 v2, v23;
	v3 =	vmul.f32 v44, v50;
	[tilespmem:s21+$0x140] =	vst v45  }
0x23f: {  	v0 =	vsub.f32 v0, v48;
	v4 =	vadd.f32 v46, v23;
	[tilespmem:s21+$0x190] =	vst v56;
	v9 =	vmul.f32 v44, v51  }
0x240: {  	v5 =	vmul.f32 v35, v16;
	v57 =	vadd.f32 v55, v22;
	[tilespmem:s21+$0x1B0] =	vst v2;
	v3 =	vsub.f32 v3, v48  }
0x241: {  	v60 =	vadd.f32 v58, v20;
	v0 =	vmul.f32 v0, v19;
	[tilespmem:s21+$0x170] =	vst v4;
	v59 =	vsub.f32 v9, v48  }
0x242: {  	v54 =	vadd.f32 v5, v20;
	[tilespmem:s21+$0x1A0] =	vst v57;
	v3 =	vmul.f32 v3, v17  }
0x243: {  	[tilespmem:s21+$0x1C0] =	vst v60;
	v0 =	vadd.f32 v0, v23;
	v61 =	vmul.f32 v59, v18  }
0x244: {  	[tilespmem:s21+$0x180] =	vst v54;
	v62 =	vadd.f32 v3, v21  }
0x245: {  	s20 =	sadd.s32 s6, s20;
	s19 =	sadd.s32 $0x1, s19;
	[tilespmem:s21+$0x1F0] =	vst v0;
	v63 =	vadd.f32 v61, v22  }
0x246: {  	s20 =	sshll.u32 s20, $0x3;
	p0 =	sne.s32 s19, $0xA;
	[tilespmem:s21+$0x1D0] =	vst v62  }
.Ltmp1:
0x247: {  	s20 =	sadd.s32 s4, s20;
	[tilespmem:s21+$0x1E0] =	vst v63;
	(pc) =	sbr.rel @p0 .LBB2_2-.Ltmp1, $4  }
0x248: {  	[hbm4b:s20+s5] =	stream.linear.scatter [tilespmem:s15], [sflag:$0x2], $0xA000, $0x38;
	[tilespmem:$0xD280] =	vst v63  }
0x249: {  	_ =	swait.ge [sflag:s11], $0xA000  }
0x24a: {  	[sflag:s11] =	ssyncset.done $0x0  }
0x24b: {  	s18 =	sadd.s32 $0x280, s18;
	[sflag:s11] =	ssyncadd.s32 $0xFFFF6000  }
0x24c: {  	s17 =	sadd.s32 $0x1, s17  }
0x24d: {  	p0 =	sne.s32 s17, s10  }
.Ltmp2:
0x24e: {  	_ = 	snop;
	(pc) =	sbr.rel @p0 .LBB2_1-.Ltmp2, $1  }
0x24f: {  	_ =	sdelay $0x3  }
0x250: {  	_ =	sfence.sel $0x180000  }
0x251: {  	[bflag:$0x0] =	sbarrier.arrive $0xFFFF  }
0x252: {  	p0 =	sne.s32 s0, $0x0;
	_ =	strace $0x90000047  }
0x253: {  	s0 =	sadd.s32 @!p0 $0x100000, s3;
	[bflag:$0x2] =	sbarrier.arrive $0xFFFF  }
0x254: {  	[sflag:s0] =	ssyncadd.tile.s32 @!p0 $0x1;
	_ =	shalt  }
.Lfunc_end2:
_tile_overlayer_lowered:
.L_overlay_start_2:
0x255: {  	(tag) =	ssettag $0x2  }
0x256: {  	s0 =	rddreg [dreg:$0x0];
	s2 =	stileid.u32  }
0x257: {  	s1 =	rddreg [dreg:$0x1];
	p0 =	sne.s32 s2, $0x0  }
0x258: {  	s3 =	rddreg [dreg:$0x2];
	[bflag:$0x3] =	sbarrier.arrive $0xFFFF;
	s2 =	simm.s32 @!p0 $0x1C02  }
0x259: {  	[timem:s3], [sflag:s2] =	dma.local @!p0 [hbm:s0], s1  }
0x25a: {  	s0 =	simm.s32 @!p0 $0x2  }
0x25b: {  	_ =	swait.ge @!p0 [sflag:s0], s1  }
0x25c: {  	s1 =	ssub.s32 @!p0 $0x0, s1;
	[sflag:s0] =	ssyncset.done @!p0 $0x0  }
0x25d: {  	[sflag:s0] =	ssyncadd.s32 @!p0 s1  }
0x25e: {  	[bflag:$0x3] =	sbarrier.arrive $0xFFFF  }
0x25f: {  	_ =	shalt  }

// kernel: sparse-core-data-format-call.cloned.1.call-start
scs
called_computation_lowered:
.L_overlay_start_0:
0x0: {  	s2 =	sld [smem:$0x3FD9]  }
0x1: {  	s3 =	sld [smem:$0x3FFE];
	_ =	sdelay $0x1  }
0x2: {  	s1 =	srdreg.scid  }
0x3: {  	s0 =	sand.u32 $0x1, s1  }
0x4: {  	s18 =	sshll.u32 s0, $0xA;
	s2 =	sadd.s32 s3, s2  }
0x5: {  	s2 =	sadd.s32 s2, s18  }
0x6: {  	[smem:$0x3FC3] =	sst s2  }
0x7: {  	_ = 	snop  }
0x8: {  	s2 =	sld [smem:$0x3FD0];
	(tm) =	ssettm $0x1  }
0x9: {  	s19 =	sld [smem:$0x3FFB];
	_ =	sdelay $0x3  }
0xa: {  	_ =	strace s19  }
0xb: {  	s3 =	sld [smem:$0x3FFC];
	_ =	sdelay $0x3  }
0xc: {  	_ =	strace s3  }
0xd: {  	s3 =	sld [smem:$0x3FFD];
	_ =	sdelay $0x3  }
0xe: {  	_ =	strace s3  }
0xf: {  	_ =	strace $0x8FFFFFFF  }
0x10: {  	s20 =	sld [smem:$0x3FDB];
	_ =	sdelay $0x1  }
0x11: {  	s4 =	simm.s32 $_scs_section_size  }
0x12: {  	s5 =	simm.s32 $_size__tile_overlayer_lowered;
	s6 =	simm.s32 $_tile_overlayer_lowered  }
0x13: {  	s23 =	simm.s32 $0x1BFF;
	s22 =	sshll.u32 s6, $0x1;
	s3 =	sadd.s32 s4, s20  }
0x14: {  	s7 =	simm.s32 $0x0;
	s21 =	sshll.u32 s5, $0x1;
	s5 =	sadd.s32 s22, s3  }
0x15: {  	[timem:s7], [sflag:s23] =	dma.local [hbm:s5], s21  }
0x16: {  	_ =	swait.ge [sflag:s23], s21  }
0x17: {  	s4 =	ssub.s32 $0x0, s21;
	[sflag:s23] =	ssyncset.done $0x0  }
0x18: {  	[sflag:s23] =	ssyncadd.s32 s4;
	_ =	sdelay $0x1  }
0x19: {  	s24 =	simm.s32 $0x1B8B  }
0x1a: {  	_ =	swait.ge [sflag:s24], $0x1  }
0x1b: {  	[sflag:s24] =	ssyncset.done $0x0  }
0x1c: {  	s26 =	simm.s32 $0x1B8E;
	s25 =	sld [smem:$0x3FFE];
	[sflag:s24] =	ssyncadd.s32 $0xFFFFFFFF  }
0x1d: {  	s27 =	simm.s32 $execute0_lowered;
	[smem:$0x3FD2] =	sst s26  }
0x1e: {  	s5 =	sshll.u32 s27, $0x1;
	_ =	strace $0x80000049;
	[dreg:$0x1] =	wrdreg $0xFFFFFFFF  }
0x1f: {  	s28 =	simm.s32 $_size_execute0_lowered;
	s3 =	sadd.s32 s3, s5;
	[dreg:$0x0] =	wrdreg $0x0  }
0x20: {  	s5 =	sshll.u32 s28, $0x1;
	[dreg:$0x2] =	wrdreg s3  }
0x21: {  	[dreg:$0x3] =	wrdreg s5  }
0x22: {  	[dreg:$0x4] =	wrdreg $0xC0  }
0x23: {  	_ =	task [dreg:s7], $0x5FFFF  }
0x24: {  	[dreg:$0x1] =	wrdreg $0xFFFFFFFF  }
0x25: {  	[dreg:$0x0] =	wrdreg $0x60  }
0x26: {  	[dreg:$0x2] =	wrdreg s25  }
0x27: {  	[dreg:$0x3] =	wrdreg s2  }
0x28: {  	[dreg:$0x4] =	wrdreg $0x9  }
0x29: {  	_ =	task.clear_ibuf [dreg:s7], $0x5FFFF;
	_ =	strace $0x90000049  }
0x2a: {  	s29 =	simm.s32 $0x9;
	_ =	strace $0x8000004B  }
0x2b: {  	_ =	swait.ge [sflag:s29], $0x1  }
0x2c: {  	[sflag:s29] =	ssyncadd.s32 $0xFFFFFFFF  }
0x2d: {  	_ =	strace $0x9000004B  }
0x2e: {  	_ =	sfence  }
0x2f: {  	s30 =	sld [smem:$0x0];
	_ =	sdelay $0x2  }
0x30: {  	s31 =	sshll.u32 s1, $0xD;
	s1 =	sshrl.u32 s1, $0x2  }
0x31: {  	s3 =	sand.u32 $0x4000, s31;
	s1 =	sadd.s32 s1, s30  }
0x32: {  	s0 =	sor.u32 s3, s0;
	s1 =	sshll.u32 s1, $0x11  }
0x33: {  	s0 =	sor.u32 s1, s0  }
0x34: {  	s0 =	sadd.s32 $0x8F2B, s0  }
0x35: {  	[sflag:s0] =	ssyncadd.remote.s32 $0x1  }
0x36: {  	_ =	sfence.sel $0xFFFF  }
0x37: {  	[dreg:$0x0] =	wrdreg $0xFFFFFFFF;
	(pc) =	sbr.abs _section_cstart, $3  }
0x38: {  	[dreg:$0x1] =	wrdreg $0xFFFFFFFF  }
0x39: {  	_ =	task.clear_ibuf [dreg:s7], $0x2FFFF;
	_ =	strace $0x9FFFFFFF  }
0x3a: {  	(tm) =	ssettm $0x7FFFFFFF  }
0x3b: {  	_ =	shalt  }
tec
execute0_lowered:
.L_overlay_start_1:
0x0: {  	(tag) =	ssettag $0x1  }
0x1: {  	s0 =	srdreg.scid  }
0x2: {  	s1 =	sshll.u32 s0, $0x4  }
0x3: {  	s0 =	stileid.u32;
	s1 =	sand.u32 $0x10, s1  }
0x4: {  	s1 =	sor.u32 s0, s1  }
0x5: {  	s6 =	rddreg [dreg:$0x0];
	s4 =	simm.s32 $0x1;
	s2 =	sshll.u32 s1, $0x7  }
0x6: {  	s7 =	simm.s32 $0x2;
	s12 =	simm.s32 $0x0;
	s1 =	ssub.s32 $0x1000, s2  }
0x7: {  	s8 =	simm.s32 $0x8000;
	s13 =	simm.s32 $0x0;
	s3 =	sand.u32 $0xF80, s1  }
0x8: {  	s9 =	simm.s32 $0x0;
	s5 =	sshrl.u32 s1, $0xC;
	p0 =	sne.s32 s3, $0x0  }
.Ltmp0:
0x9: {  	s1 =	rddreg [dreg:$0x2];
	s4 =	simm.s32 @!p0 $0x0;
	(pc) =	sbr.rel .LBB1_1-.Ltmp0, $4  }
0xa: {  	s11 =	simm.s32 $0x0;
	s3 =	rddreg [dreg:$0x1];
	s5 =	sadd.s32 s4, s5  }
0xb: {  	_ =	strace $0x8000004A;
	s4 =	simm.s32 $0x1;
	s5 =	smul.u32 $0x32, s5  }
0xc: {  	s6 =	sadd.s32 $0x800, s6;
	s10 =	smov.u32 s2;
	[sflag:s4] =	ssyncpa.u1 $0x0  }
0xd: {  	p0 =	por $0x0, $0x0;
	[sflag:s7] =	ssyncpa.u1 $0x0;
	s7 =	sor.u32 $0x1, s5  }
.LBB1_4:
0xe: {  	s16 =	sshll.u32 s13, $0x3;
	s17 =	sand.u32 $0x78, s13  }
0xf: {  	s30 =	sand.u32 $0x7E00, s13;
	s12 =	sshll.u32 s12, $0xF;
	s16 =	sand.u32 $0xC00, s16  }
0x10: {  	[tilespmem:s15+$0x810 ss:$0x81] =	vst.msk $0xffff, v2;
	s31 =	sand.u32 $0x7, s13;
	s16 =	sor.u32 s17, s16;
	s17 =	sadd.s32 s3, s30  }
0x11: {  	[tilespmem:s15+$0x1020 ss:$0x81] =	vst.msk $0xffff, v0;
	s13 =	sshll.u32 s31, $0x12;
	s12 =	sadd.s32 s12, s17;
	s16 =	sshrl.u32 s16, $0x3  }
0x12: {  	[tilespmem:s15+$0x0 ss:$0x81] =	vst.msk $0xffff, v1;
	s13 =	sor.u32 $0x400, s13;
	s12 =	sadd.s32 s16, s12  }
0x13: {  	[hbm4b:s12+s13] =	stream.strided.scatter [tilespmem:s14], [sflag:$0x2], $0x2000, s8, s13, $0x20;
	[tilespmem:$0x8080] =	vst v63  }
.LBB1_5:
0x14: {  	s14 =	sadd.s32 $0x1, s9  }
0x15: {  	s12 =	sadd.s32 $0x1000, s10;
	s16 =	smov.u32 s10;
	p2 =	sgt.s32 s14, $0x31  }
0x16: {  	s16 =	smov.u32 @p2 s12  }
0x17: {  	s14 =	simm.s32 @p2 $0x0;
	p2 =	sgt.s32 s16, $0xFFF  }
0x18: {  	s16 =	smov.u32 @p2 s2;
	p2 =	sne.s32 s11, s7  }
.Ltmp1:
0x19: {  	p1 =	slt.u32 s11, $0x2;
	(pc) =	sbr.rel @!p2 .LBB1_6-.Ltmp1, $4  }
0x1a: {  	s15 =	simm.s32 @!p1 $0x2  }
0x1b: {  	s13 =	smov.u32 s10;
	p0 =	por !p0, !p0;
	_ =	swait.ge @!p1 [sflag:s15], $0x2000  }
0x1c: {  	s12 =	smov.u32 s9;
	[sflag:s15] =	ssyncset.done @!p1 $0x0;
	s9 =	smov.u32 s14  }
0x1d: {  	s11 =	sadd.s32 $0x1, s11;
	[sflag:s15] =	ssyncadd.s32 @!p1 $0xFFFFE000;
	s10 =	smov.u32 s16  }
.LBB1_1:
0x1e: {  	p1 =	sge.u32 s11, s5  }
0x1f: {  	s14 =	sand.u32 @!p1 $0x1FFFFFF, s9  }
0x20: {  	s15 =	smulhi.u32 @!p1 $0x4924925, s14;
	_ =	sdelay $0x1  }
0x21: {  	s15 =	smul.u32 @!p1 $0x38, s15  }
0x22: {  	s16 =	sxor.u32 @!p1 $0xFFFFFFFF, s11;
	s17 =	smul.u32 @!p1 $0x380, s10  }
0x23: {  	s31 =	sadd.s32 $0xFFFFFFFF, s11;
	s16 =	sshll.u32 @!p1 s16, $0xD;
	s14 =	ssub.s32 @!p1 s14, s15  }
0x24: {  	s15 =	sand.u32 @!p1 $0x2000, s16;
	s16 =	sadd.s32 @!p1 s6, s17;
	s14 =	sshll.u32 @!p1 s14, $0x4  }
0x25: {  	s17 =	simm.s32 @!p1 $0x1C00;
	s14 =	sadd.s32 @!p1 s14, s16;
	s16 =	simm.s32 @!p1 $0x40  }
0x26: {  	[tilespmem:s15], [sflag:$0x1] =	stream.strided.gather @!p1 [hbm4b:s14+s16], $0x2000, s17, s16, $0x38;
	[tilespmem:$0x8080] =	vst v63  }
0x27: {  	p1 =	sge.u32 s31, s5  }
.Ltmp2:
0x28: {  	_ = 	snop;
	(pc) =	sbr.rel @p1 .LBB1_5-.Ltmp2, $1  }
0x29: {  	_ =	sdelay $0x3  }
0x2a: {  	s14 =	simm.s32 $0x1  }
0x2b: {  	_ =	swait.ge [sflag:s4], $0x2000;
	s14 =	simm.s32 @!p0 $0x0  }
0x2c: {  	[sflag:s4] =	ssyncset.done $0x0;
	s15 =	sshll.u32 s14, $0xD  }
0x2d: {  	[sflag:s4] =	ssyncadd.s32 $0xFFFFE000;
	s18 =	sor.u32 $0x20, s15  }
0x2e: {  	s14 =	smul.u32 $0x8100, s14;
	v3 =	vld [tilespmem:s18+$0x10]  }
0x2f: {  	s30 =	sand.u32 $0x1, s11;
	v2 =	vld [tilespmem:s18+$0xFFFFFFF0]  }
0x30: {  	s15 =	smul.u32 $0x8100, s30;
	s14 =	sshrl.u32 s14, $0x2;
	v0 =	vld [tilespmem:s18+$0x0]  }
0x31: {  	v1 =	vld [tilespmem:s18+$0xFFFFFFE0];
	s16 =	sor.u32 $0x4000, s14  }
0x32: {  	s31 =	sshrl.u32 s15, $0x2;
	s15 =	sadd.s32 $0x0, s16  }
0x33: {  	s17 =	simm.s32 $0x4;
	s18 =	sadd.s32 $0x40, s18;
	s14 =	sor.u32 $0x4000, s31;
	[tilespmem:s15+$0x1830 ss:$0x81] =	vst.msk $0xffff, v3  }
.LBB1_3:
0x34: {  	v3 =	vld [tilespmem:s18+$0x10];
	p1 =	sne.s32 s17, $0x1FC;
	[tilespmem:s15+$0x810 ss:$0x81] =	vst.msk $0xffff, v2;
	s19 =	smov.u32 s17;
	s17 =	sadd.s32 $0x4, s17  }
.Ltmp3:
0x35: {  	v2 =	vld [tilespmem:s18+$0xFFFFFFF0];
	[tilespmem:s15+$0x1020 ss:$0x81] =	vst.msk $0xffff, v0;
	(pc) =	sbr.rel @p1 .LBB1_3-.Ltmp3, $4  }
0x36: {  	v0 =	vld [tilespmem:s18+$0x0];
	[tilespmem:s15+$0x0 ss:$0x81] =	vst.msk $0xffff, v1  }
0x37: {  	s15 =	sshra.s32 s19, $0x2;
	v1 =	vld [tilespmem:s18+$0xFFFFFFE0]  }
0x38: {  	s15 =	sadd.s32 s15, s16  }
0x39: {  	s18 =	sadd.s32 $0x40, s18;
	[tilespmem:s15+$0x1830 ss:$0x81] =	vst.msk $0xffff, v3  }
.Ltmp4:
0x3a: {  	_ = 	snop;
	(pc) =	sbr.rel .LBB1_4-.Ltmp4, $1  }
0x3b: {  	_ =	sdelay $0x3  }
.LBB1_6:
0x3c: {  	_ =	sfence.sel $0x180000  }
0x3d: {  	s2 =	simm.s32 $0x1;
	[bflag:$0x0] =	sbarrier.arrive $0xFFFF  }
0x3e: {  	s31 =	simm.s32 $0x2;
	[sflag:s2] =	ssyncpa.u1 $0x1  }
0x3f: {  	[sflag:s31] =	ssyncpa.u1 $0x1  }
0x40: {  	p0 =	sne.s32 s0, $0x0;
	_ =	strace $0x9000004A  }
0x41: {  	s0 =	sadd.s32 @!p0 $0x100000, s1;
	[bflag:$0x2] =	sbarrier.arrive $0xFFFF  }
0x42: {  	[sflag:s0] =	ssyncadd.tile.s32 @!p0 $0x1;
	_ =	shalt  }
.Lfunc_end1:
_tile_overlayer_lowered:
.L_overlay_start_2:
0x43: {  	(tag) =	ssettag $0x2  }
0x44: {  	s0 =	rddreg [dreg:$0x0];
	s2 =	stileid.u32  }
0x45: {  	s1 =	rddreg [dreg:$0x1];
	p0 =	sne.s32 s2, $0x0  }
0x46: {  	s3 =	rddreg [dreg:$0x2];
	[bflag:$0x3] =	sbarrier.arrive $0xFFFF;
	s2 =	simm.s32 @!p0 $0x1C01  }
0x47: {  	[timem:s3], [sflag:s2] =	dma.local @!p0 [hbm:s0], s1  }
0x48: {  	s0 =	simm.s32 @!p0 $0x1  }
0x49: {  	_ =	swait.ge @!p0 [sflag:s0], s1  }
0x4a: {  	s1 =	ssub.s32 @!p0 $0x0, s1;
	[sflag:s0] =	ssyncset.done @!p0 $0x0  }
0x4b: {  	[sflag:s0] =	ssyncadd.s32 @!p0 s1  }
0x4c: {  	[bflag:$0x3] =	sbarrier.arrive $0xFFFF  }
0x4d: {  	_ =	shalt  }

</sc_bundles>
